<compile_context>
chip_gen: v7x
topology: tpu7x:2x2x1
jax: 0.10.2.dev20260603
libtpu: 0.0.44.dev20260713+nightly
codegen_flags: <defaults>
</compile_context>

<pallas_src>
import functools

import jax
import jax.numpy as jnp
from jax import lax
from jax.experimental import pallas as pl
from jax.experimental.pallas import tpu as pltpu
from jax.experimental.pallas import tpu_sc as plsc

N = 10000
E = 320000
D = 128
H = 128

NC = 2
NS = 16
L = 16
NW = NC * NS
EPT = E // NW
STRIPE = 624
TAIL = N - STRIPE * NS
TAIL_OFF = STRIPE * NS

CC = 128
RR = 80
NP = RR * CC

ECH = 128
CHT = E // ECH
NBIG = 17
PHCH = 40

BN = 10000
GRID = N // BN

_mesh = plsc.VectorSubcoreMesh(core_axis_name="c", subcore_axis_name="s")
_sc_params = pltpu.CompilerParams(needs_layout_passes=False)


def _zero_2d(ref):
    zeros = jnp.zeros((L,), jnp.float32)

    def zbody(i, carry):
        ref[i >> 3, pl.ds((i & 7) * L, L)] = zeros
        return carry

    lax.fori_loop(0, RR * CC // L, zbody, 0)


def _rowadd_to_shared(vref, shref):
    for k in range(RR // L):
        rid = lax.iota(jnp.int32, L) + (k * L)
        pltpu.sync_copy(vref.at[pl.ds(k * L, L)], shref.at[rid], add=True)


def _readout_shared(shref, out_hbm, c, s):
    @pl.when(s < RR // 8)
    def _():
        pltpu.sync_copy(shref.at[pl.ds(s * 8, 8)],
                        out_hbm.at[pl.ds(c * RR + s * 8, 8)])


@functools.partial(
    pl.kernel,
    out_type=jax.ShapeDtypeStruct((NC * RR, CC), jnp.float32),
    mesh=_mesh,
    compiler_params=_sc_params,
    scratch_types=[
        pltpu.VMEM_SHARED((RR, CC), jnp.float32),
        pltpu.VMEM((RR, CC), jnp.float32),
        pltpu.VMEM((EPT,), jnp.int32),
    ],
)
def _deg_kernel(dst_hbm, deg_out, deg_sh, deg_v, dstbuf):
    c = lax.axis_index("c")
    s = lax.axis_index("s")
    wid = s * NC + c
    pltpu.sync_copy(dst_hbm.at[pl.ds(wid * EPT, EPT)], dstbuf)
    _zero_2d(deg_v)
    pltpu.sync_copy(deg_v.at[pl.ds(0, RR // NS)],
                    deg_sh.at[pl.ds(s * (RR // NS), RR // NS)])
    ones = jnp.ones((L,), jnp.float32)

    def body(i, carry):
        idx = dstbuf[pl.ds(i * L, L)]
        plsc.addupdate_scatter(deg_v, [idx >> 7, idx & 127], ones)
        return carry

    lax.fori_loop(0, EPT // L, body, 0)
    plsc.subcore_barrier()
    _rowadd_to_shared(deg_v, deg_sh)
    plsc.subcore_barrier()
    _readout_shared(deg_sh, deg_out, c, s)


def _prep_body(degt_ref, x_ref, w1_ref, norm_ref, yhat_ref):
    deg = jnp.sum(degt_ref[...], axis=1) + 1.0
    nrm = lax.rsqrt(deg)
    norm_ref[...] = nrm[:, None]
    y = jnp.dot(x_ref[...], w1_ref[...], preferred_element_type=jnp.float32)
    yhat_ref[...] = y * nrm[:, None]


_prep_call = pl.pallas_call(
    _prep_body,
    grid=(GRID,),
    in_specs=[
        pl.BlockSpec((BN, NC), lambda i: (i, 0)),
        pl.BlockSpec((BN, D), lambda i: (i, 0)),
        pl.BlockSpec((D, H), lambda i: (0, 0)),
    ],
    out_specs=[
        pl.BlockSpec((BN, 1), lambda i: (i, 0)),
        pl.BlockSpec((BN, H), lambda i: (i, 0)),
    ],
    out_shape=[
        jax.ShapeDtypeStruct((N, 1), jnp.float32),
        jax.ShapeDtypeStruct((N, H), jnp.float32),
    ],
)


@functools.partial(
    pl.kernel,
    out_type=[
        jax.ShapeDtypeStruct((NC, N, H), jnp.float32),
        jax.ShapeDtypeStruct((NC * RR, CC), jnp.float32),
    ],
    mesh=_mesh,
    compiler_params=_sc_params,
    scratch_types=[
        pltpu.VMEM_SHARED((N, H), jnp.float32),
        pltpu.VMEM_SHARED((RR, CC), jnp.float32),
        pltpu.VMEM((2 * PHCH, ECH), jnp.int32),
        [pltpu.VMEM((ECH, H), jnp.float32)] * 2,
        [pltpu.SemaphoreType.DMA] * 2,
        [pltpu.SemaphoreType.DMA] * 2,
        pltpu.SemaphoreType.DMA,
    ],
)
def _main_kernel(yhat_hbm, norm80_hbm, il2_hbm, S_out, s_out,
                 acc_sh, s_sh, idxb, rows, sem_g, sem_s, sem_i):
    c = lax.axis_index("c")
    s = lax.axis_index("s")
    wid = s * NC + c
    nch = jnp.where(wid < NBIG, 80, 76)
    cbase = 80 * wid - 4 * jnp.maximum(wid - NBIG, 0)

    def idx_stage_start(c0):
        pltpu.async_copy(il2_hbm.at[pl.ds(2 * c0, 2 * PHCH)], idxb, sem_i)

    def idx_stage_wait(c0):
        pltpu.make_async_copy(il2_hbm.at[pl.ds(2 * c0, 2 * PHCH)], idxb,
                              sem_i).wait()

    def gather_start(i, b):
        pltpu.async_copy(yhat_hbm.at[idxb.at[2 * i]], rows[b], sem_g[b])

    def gather_wait(i, b):
        pltpu.make_async_copy(yhat_hbm.at[idxb.at[2 * i]], rows[b],
                              sem_g[b]).wait()

    def scatter_start(i, b):
        pltpu.async_copy(rows[b], acc_sh.at[idxb.at[2 * i + 1]], sem_s[b],
                         add=True)

    def scatter_wait(i, b):
        pltpu.make_async_copy(rows[b], acc_sh.at[idxb.at[2 * i + 1]],
                              sem_s[b]).wait()

    idx_stage_start(cbase)
    off = pl.multiple_of(s * STRIPE, 8)
    pltpu.sync_copy(yhat_hbm.at[pl.ds(off, STRIPE)],
                    acc_sh.at[pl.ds(off, STRIPE)])

    @pl.when(s == 0)
    def _():
        pltpu.sync_copy(yhat_hbm.at[pl.ds(TAIL_OFF, TAIL)],
                        acc_sh.at[pl.ds(TAIL_OFF, TAIL)])

    zeros = jnp.zeros((L,), jnp.float32)

    def zb(i, carry):
        rows[1][i >> 3, pl.ds((i & 7) * L, L)] = zeros
        return carry

    lax.fori_loop(0, (RR // NS) * (CC // L), zb, 0)
    pltpu.sync_copy(rows[1].at[pl.ds(0, RR // NS)],
                    s_sh.at[pl.ds(s * (RR // NS), RR // NS)])
    plsc.subcore_barrier()

    def run_phase(nloc):
        gather_start(0, 0)

        def pair(p, carry):
            for b in range(2):
                i = 2 * p + b
                nb = 1 - b

                @pl.when(i >= 1)
                def _():
                    scatter_wait(i - 1, nb)

                @pl.when(i + 1 < nloc)
                def _():
                    gather_start(i + 1, nb)

                gather_wait(i, b)
                scatter_start(i, b)
            return carry

        lax.fori_loop(0, nloc // 2, pair, 0)
        scatter_wait(nloc - 1, 1)

    idx_stage_wait(cbase)
    run_phase(PHCH)
    pltpu.sync_copy(il2_hbm.at[pl.ds(2 * (cbase + PHCH), 2 * PHCH)], idxb)
    run_phase(nch - PHCH)

    pltpu.sync_copy(norm80_hbm, rows[0].at[pl.ds(0, RR)])
    _zero_2d(rows[1])
    for ph in range(2):
        c0 = cbase + ph * PHCH
        nloc = PHCH if ph == 0 else nch - PHCH
        pltpu.sync_copy(il2_hbm.at[pl.ds(2 * c0, 2 * PHCH)], idxb)

        def sbody(i, carry):
            for g in range(ECH // L):
                d16 = idxb[2 * i + 1, pl.ds(g * L, L)]
                s16 = idxb[2 * i, pl.ds(g * L, L)]
                val = plsc.load_gather(rows[0], [d16 >> 7, d16 & 127])
                plsc.addupdate_scatter(rows[1], [s16 >> 7, s16 & 127], val)
            return carry

        lax.fori_loop(0, nloc, sbody, 0)

    _rowadd_to_shared(rows[1], s_sh)
    plsc.subcore_barrier()
    pltpu.sync_copy(acc_sh.at[pl.ds(off, STRIPE)],
                    S_out.at[c, pl.ds(off, STRIPE)])
    _readout_shared(s_sh, s_out, c, s)

    @pl.when(s == 0)
    def _():
        pltpu.sync_copy(acc_sh.at[pl.ds(TAIL_OFF, TAIL)],
                        S_out.at[c, pl.ds(TAIL_OFF, TAIL)])


def _final_body(S_ref, yhat_ref, norm_ref, sp_ref, b1_ref, w2_ref, b2_ref,
                wp_ref, bp_ref, out_ref, acc):
    i = pl.program_id(0)

    @pl.when(i == 0)
    def _():
        acc[...] = jnp.zeros_like(acc)

    nrm = norm_ref[...]
    ssum = S_ref[0] + S_ref[1] - yhat_ref[...]
    agg = ssum * nrm + b1_ref[...]
    h = jnp.maximum(agg, 0.0)
    stot = jnp.sum(sp_ref[...], axis=1)
    cvec = nrm[:, 0] * (nrm[:, 0] + stot)
    acc[...] += jnp.dot(cvec[None, :], h, preferred_element_type=jnp.float32)

    @pl.when(i == pl.num_programs(0) - 1)
    def _():
        graph = jnp.dot(acc[...] / N, w2_ref[...],
                        preferred_element_type=jnp.float32) + b2_ref[...]
        proj = jnp.dot(graph, wp_ref[...],
                       preferred_element_type=jnp.float32) + bp_ref[...]
        nn = jnp.sqrt(jnp.sum(proj * proj))
        out_ref[...] = proj / jnp.maximum(nn, 1e-12)


_final_call = pl.pallas_call(
    _final_body,
    grid=(GRID,),
    in_specs=[
        pl.BlockSpec((NC, BN, H), lambda i: (0, i, 0)),
        pl.BlockSpec((BN, H), lambda i: (i, 0)),
        pl.BlockSpec((BN, 1), lambda i: (i, 0)),
        pl.BlockSpec((BN, NC), lambda i: (i, 0)),
        pl.BlockSpec((1, H), lambda i: (0, 0)),
        pl.BlockSpec((H, H), lambda i: (0, 0)),
        pl.BlockSpec((1, H), lambda i: (0, 0)),
        pl.BlockSpec((H, H), lambda i: (0, 0)),
        pl.BlockSpec((1, H), lambda i: (0, 0)),
    ],
    out_specs=pl.BlockSpec((1, H), lambda i: (0, 0)),
    out_shape=jax.ShapeDtypeStruct((1, H), jnp.float32),
    scratch_shapes=[pltpu.VMEM((1, H), jnp.float32)],
)


def kernel(x, edge_index, W1, b1, W2, b2, Wp, bp):
    src = edge_index[0]
    dst = edge_index[1]
    deg_lin = _deg_kernel(dst)
    degT = deg_lin.reshape(NC, NP).T
    norm_col, yhat = _prep_call(degT, x, W1)
    il2 = jnp.stack([src.reshape(CHT, ECH), dst.reshape(CHT, ECH)],
                    axis=1).reshape(2 * CHT, ECH)
    il2 = jnp.pad(il2, ((0, 2 * PHCH), (0, 0)))
    norm80 = jnp.pad(norm_col.reshape(N), (0, NP - N)).reshape(RR, CC)
    S_parts, s_lin = _main_kernel(yhat, norm80, il2)
    sT = s_lin.reshape(NC, NP).T
    return _final_call(S_parts, yhat, norm_col, sT,
                       b1.reshape(1, H), W2, b2.reshape(1, H),
                       Wp, bp.reshape(1, H))

# --- scband reference (transcript-rebuilt; emitter-appended) ---
"""Pipeline reference for scband-net-encoder-15590731285066 (READ-ONLY COPY).

The authoritative reference and input builder live on the scoring server;
editing this copy changes nothing except your own understanding.
"""

import jax, jax.numpy as jnp
import numpy as np

N = 10000
E = 320000
D = 128
H = 128
EMB = 128


def setup_inputs(seed: int = 0) -> dict:
    key = jax.random.key(seed)
    ks = jax.random.split(key, 8)
    x = jax.random.normal(ks[0], (N, D), dtype=jnp.float32)
    edge_index = jax.random.randint(ks[1], (2, E), 0, N, dtype=jnp.int32)
    W1 = jax.random.normal(ks[2], (D, H), dtype=jnp.float32) * (1.0 / np.sqrt(D))
    b1 = jnp.zeros((H,), dtype=jnp.float32)
    W2 = jax.random.normal(ks[3], (H, H), dtype=jnp.float32) * (1.0 / np.sqrt(H))
    b2 = jnp.zeros((H,), dtype=jnp.float32)
    Wp = jax.random.normal(ks[4], (H, EMB), dtype=jnp.float32) * (1.0 / np.sqrt(H))
    bp = jnp.zeros((EMB,), dtype=jnp.float32)
    return {"x": x, "edge_index": edge_index, "W1": W1, "b1": b1, "W2": W2, "b2": b2, "Wp": Wp, "bp": bp}


def reference(x, edge_index, W1, b1, W2, b2, Wp, bp):
    # Net_Encoder.finetune_forward: GCN node encoding -> mean readout -> graph_proj -> F.normalize
    src = edge_index[0]
    dst = edge_index[1]
    # symmetric GCN normalization with implicit self-loops
    deg = jax.ops.segment_sum(jnp.ones((E,), dtype=jnp.float32), dst, num_segments=N) + 1.0
    norm = jax.lax.rsqrt(deg)

    def gcn_layer(h, W, b):
        h = h @ W
        msg = h[src] * norm[src][:, None]          # gather by src (memory-bound)
        agg = jax.ops.segment_sum(msg, dst, num_segments=N)  # scatter-add by dst
        agg = agg + h * norm[:, None]              # self-loop contribution
        agg = agg * norm[:, None] + b
        return agg

    h = jax.nn.relu(gcn_layer(x, W1, b1))
    node_rep = gcn_layer(h, W2, b2)
    graph_rep = jnp.mean(node_rep, axis=0, keepdims=True)  # mean readout
    proj = graph_rep @ Wp + bp
    embeds = proj / jnp.maximum(jnp.linalg.norm(proj, axis=-1, keepdims=True), 1e-12)
    return embeds

if __name__ == "__main__":
    import jax
    _d = setup_inputs()
    print(jax.jit(kernel)(*tuple(_d.values())))

</pallas_src>

<mosaic_0001>
#map = affine_map<(d0, d1) -> (0)>
#map1 = affine_map<(d0, d1) -> (0, 0)>
module attributes {stable_mosaic.version = 14 : i64} {
  func.func @_deg_kernel(%arg0: i32, %arg1: i32, %arg2: memref<320000xi32, #tpu.memory_space<hbm>>, %arg3: memref<160x128xf32, #tpu.memory_space<hbm>>, %arg4: memref<80x128xf32, #tpu.memory_space<vmem_shared>>, %arg5: memref<80x128xf32, #tpu.memory_space<vmem>>, %arg6: memref<10000xi32, #tpu.memory_space<vmem>>) attributes {dimension_semantics = [#tpu.dimension_semantics<core_parallel>, #tpu.dimension_semantics<subcore_parallel>], iteration_bounds = array<i64: 2, 16>, scalar_prefetch = 0 : i64, scratch_operands = 3 : i64, tpu.core_type = #tpu.core_type<sc_vector_subcore>, window_params = [{transform_indices = #map}, {transform_indices = #map1}]} {
    %mul3A = arith.constant 2 : i32
    %mul3A_0 = arith.muli %arg1, %mul3A : i32
    %add3A = arith.addi %mul3A_0, %arg0 : i32
    %mul3A_1 = arith.constant 10000 : i32
    %mul3A_2 = arith.muli %add3A, %mul3A_1 : i32
    "tpu.region"() ({
      %run_scoped3A = tpu.sem_alloc : memref<!tpu.dma_semaphore, #tpu.memory_space<semaphore_mem>>
      %dma_start3A = tpu.memref_slice %arg2[%mul3A_2] : memref<320000xi32, #tpu.memory_space<hbm>> -> memref<10000xi32, #tpu.memory_space<hbm>>
      %dma_start3A_41 = tpu.memref_slice %arg2[%mul3A_2] : memref<320000xi32, #tpu.memory_space<hbm>> -> memref<10000xi32, #tpu.memory_space<hbm>>
      tpu.enqueue_dma source(%dma_start3A_41 : memref<10000xi32, #tpu.memory_space<hbm>>) target(%arg6 : memref<10000xi32, #tpu.memory_space<vmem>>) target_semaphore(%run_scoped3A : memref<!tpu.dma_semaphore, #tpu.memory_space<semaphore_mem>>)
      %dma_wait3A = tpu.memref_slice %arg2[%mul3A_2] : memref<320000xi32, #tpu.memory_space<hbm>> -> memref<10000xi32, #tpu.memory_space<hbm>>
      %dma_wait3A_42 = tpu.memref_slice %arg2[%mul3A_2] : memref<320000xi32, #tpu.memory_space<hbm>> -> memref<10000xi32, #tpu.memory_space<hbm>>
      tpu.wait_dma2 semaphore(%run_scoped3A : memref<!tpu.dma_semaphore, #tpu.memory_space<semaphore_mem>>) src(%dma_wait3A_42 : memref<10000xi32, #tpu.memory_space<hbm>>) dst(%arg6 : memref<10000xi32, #tpu.memory_space<vmem>>)
      tpu.yield
    }) : () -> ()
    %broadcast_in_dim3A = arith.constant 0.000000e+00 : f32
    %broadcast_in_dim3A_3 = vector.broadcast %broadcast_in_dim3A : f32 to vector<16xf32>
    %scan3A = arith.constant 0 : i32
    %scan3A_4 = arith.constant 0 : i32
    %scan3A_5 = arith.constant 640 : i32
    %scan3A_6 = arith.addi %scan3A_4, %scan3A_5 : i32
    %scan3A_7 = arith.constant 1 : i32
    scf.for %scan3A_41 = %scan3A_4 to %scan3A_6 step %scan3A_7  : i32 {
      %shift_right_arithmetic3A = arith.constant 3 : i32
      %shift_right_arithmetic3A_42 = arith.shrsi %scan3A_41, %shift_right_arithmetic3A : i32
      %and3A = arith.constant 7 : i32
      %and3A_43 = arith.andi %scan3A_41, %and3A : i32
      %mul3A_44 = arith.constant 16 : i32
      %mul3A_45 = arith.muli %and3A_43, %mul3A_44 : i32
      %swap3A = arith.index_cast %shift_right_arithmetic3A_42 : i32 to index
      %swap3A_46 = arith.index_cast %mul3A_45 : i32 to index
      %swap3A_47 = tpu.vector_load %arg5[%swap3A, %swap3A_46] {strides = array<i32>} : memref<80x128xf32, #tpu.memory_space<vmem>>, vector<16xf32>,
      tpu.vector_store %arg5[%swap3A, %swap3A_46], %broadcast_in_dim3A_3 {strides = array<i32>} : memref<80x128xf32, #tpu.memory_space<vmem>>, vector<16xf32>,
    }
    %scan3A_8 = arith.constant 640 : i32
    %mul3A_9 = arith.constant 5 : i32
    %mul3A_10 = arith.muli %arg1, %mul3A_9 : i32
    "tpu.region"() ({
      %run_scoped3A = tpu.sem_alloc : memref<!tpu.dma_semaphore, #tpu.memory_space<semaphore_mem>>
      %dma_start3A = arith.constant 0 : i32
      %dma_start3A_41 = arith.constant 0 : i32
      %dma_start3A_42 = tpu.memref_slice %arg5[%dma_start3A, %dma_start3A_41] : memref<80x128xf32, #tpu.memory_space<vmem>> -> memref<5x128xf32, #tpu.memory_space<vmem>>
      %dma_start3A_43 = arith.constant 0 : i32
      %dma_start3A_44 = tpu.memref_slice %arg4[%mul3A_10, %dma_start3A_43] : memref<80x128xf32, #tpu.memory_space<vmem_shared>> -> memref<5x128xf32, #tpu.memory_space<vmem_shared>>
      %dma_start3A_45 = arith.constant 0 : i32
      %dma_start3A_46 = tpu.memref_slice %arg4[%mul3A_10, %dma_start3A_45] : memref<80x128xf32, #tpu.memory_space<vmem_shared>> -> memref<5x128xf32, #tpu.memory_space<vmem_shared>>
      %dma_start3A_47 = arith.constant 0 : i32
      %dma_start3A_48 = arith.constant 0 : i32
      %dma_start3A_49 = tpu.memref_slice %arg5[%dma_start3A_47, %dma_start3A_48] : memref<80x128xf32, #tpu.memory_space<vmem>> -> memref<5x128xf32, #tpu.memory_space<vmem>>
      tpu.enqueue_dma source(%dma_start3A_49 : memref<5x128xf32, #tpu.memory_space<vmem>>) target(%dma_start3A_46 : memref<5x128xf32, #tpu.memory_space<vmem_shared>>) target_semaphore(%run_scoped3A : memref<!tpu.dma_semaphore, #tpu.memory_space<semaphore_mem>>)
      %dma_wait3A = arith.constant 0 : i32
      %dma_wait3A_50 = arith.constant 0 : i32
      %dma_wait3A_51 = tpu.memref_slice %arg5[%dma_wait3A, %dma_wait3A_50] : memref<80x128xf32, #tpu.memory_space<vmem>> -> memref<5x128xf32, #tpu.memory_space<vmem>>
      %dma_wait3A_52 = arith.constant 0 : i32
      %dma_wait3A_53 = tpu.memref_slice %arg4[%mul3A_10, %dma_wait3A_52] : memref<80x128xf32, #tpu.memory_space<vmem_shared>> -> memref<5x128xf32, #tpu.memory_space<vmem_shared>>
      %dma_wait3A_54 = arith.constant 0 : i32
      %dma_wait3A_55 = tpu.memref_slice %arg4[%mul3A_10, %dma_wait3A_54] : memref<80x128xf32, #tpu.memory_space<vmem_shared>> -> memref<5x128xf32, #tpu.memory_space<vmem_shared>>
      %dma_wait3A_56 = arith.constant 0 : i32
      %dma_wait3A_57 = arith.constant 0 : i32
      %dma_wait3A_58 = tpu.memref_slice %arg5[%dma_wait3A_56, %dma_wait3A_57] : memref<80x128xf32, #tpu.memory_space<vmem>> -> memref<5x128xf32, #tpu.memory_space<vmem>>
      tpu.wait_dma2 semaphore(%run_scoped3A : memref<!tpu.dma_semaphore, #tpu.memory_space<semaphore_mem>>) src(%dma_wait3A_58 : memref<5x128xf32, #tpu.memory_space<vmem>>) dst(%dma_wait3A_55 : memref<5x128xf32, #tpu.memory_space<vmem_shared>>)
      tpu.yield
    }) : () -> ()
    %broadcast_in_dim3A_11 = arith.constant 1.000000e+00 : f32
    %broadcast_in_dim3A_12 = vector.broadcast %broadcast_in_dim3A_11 : f32 to vector<16xf32>
    %scan3A_13 = arith.constant 0 : i32
    %scan3A_14 = arith.constant 0 : i32
    %scan3A_15 = arith.constant 625 : i32
    %scan3A_16 = arith.addi %scan3A_14, %scan3A_15 : i32
    %scan3A_17 = arith.constant 1 : i32
    scf.for %scan3A_41 = %scan3A_14 to %scan3A_16 step %scan3A_17  : i32 {
      %mul3A_42 = arith.constant 16 : i32
      %mul3A_43 = arith.muli %scan3A_41, %mul3A_42 : i32
      %get3A = arith.index_cast %mul3A_43 : i32 to index
      %get3A_44 = tpu.vector_load %arg6[%get3A] {strides = array<i32>} : memref<10000xi32, #tpu.memory_space<vmem>>, vector<16xi32>,
      %shift_right_arithmetic3A = arith.constant 7 : i32
      %shift_right_arithmetic3A_45 = vector.broadcast %shift_right_arithmetic3A : i32 to vector<16xi32>
      %shift_right_arithmetic3A_46 = arith.shrsi %get3A_44, %shift_right_arithmetic3A_45 : vector<16xi32>
      %and3A = arith.constant 127 : i32
      %and3A_47 = vector.broadcast %and3A : i32 to vector<16xi32>
      %and3A_48 = arith.andi %get3A_44, %and3A_47 : vector<16xi32>
      tpu.vector_store_idx %arg5[%shift_right_arithmetic3A_46, %and3A_48], %broadcast_in_dim3A_12 {add = true} : memref<80x128xf32, #tpu.memory_space<vmem>>[vector<16xi32>, vector<16xi32>], vector<16xf32>,
    }
    %scan3A_18 = arith.constant 625 : i32
    %barrier3A = arith.constant 0 : index
    tpu.barrier barrier_id(%barrier3A)
    %iota3A = tpu.iota {dimensions = array<i32: 0>} : vector<16xi32>
    %add3A_19 = arith.constant 0 : i32
    %add3A_20 = vector.broadcast %add3A_19 : i32 to vector<16xi32>
    %add3A_21 = arith.addi %iota3A, %add3A_20 : vector<16xi32>
    "tpu.region"() ({
      %run_scoped3A = tpu.sem_alloc : memref<!tpu.dma_semaphore, #tpu.memory_space<semaphore_mem>>
      %dma_start3A = arith.constant 0 : i32
      %dma_start3A_41 = arith.constant 0 : i32
      %dma_start3A_42 = tpu.memref_slice %arg5[%dma_start3A, %dma_start3A_41] : memref<80x128xf32, #tpu.memory_space<vmem>> -> memref<16x128xf32, #tpu.memory_space<vmem>>
      %dma_start3A_43 = arith.constant 0 : i32
      %dma_start3A_44 = arith.constant 0 : i32
      %dma_start3A_45 = tpu.memref_slice %arg4[%dma_start3A_43, %dma_start3A_44] : memref<80x128xf32, #tpu.memory_space<vmem_shared>> -> memref<80x128xf32, #tpu.memory_space<vmem_shared>>
      tpu.enqueue_indirect_dma source(%dma_start3A_42 : memref<16x128xf32, #tpu.memory_space<vmem>>) target(%dma_start3A_45 : memref<80x128xf32, #tpu.memory_space<vmem_shared>>) offsets(%add3A_21 : vector<16xi32>) semaphore(%run_scoped3A : memref<!tpu.dma_semaphore, #tpu.memory_space<semaphore_mem>>) {add = true}
      %dma_wait3A = arith.constant 0 : i32
      %dma_wait3A_46 = arith.constant 0 : i32
      %dma_wait3A_47 = tpu.memref_slice %arg5[%dma_wait3A, %dma_wait3A_46] : memref<80x128xf32, #tpu.memory_space<vmem>> -> memref<16x128xf32, #tpu.memory_space<vmem>>
      %dma_wait3A_48 = arith.constant 0 : i32
      %dma_wait3A_49 = arith.constant 0 : i32
      %dma_wait3A_50 = tpu.memref_slice %arg4[%dma_wait3A_48, %dma_wait3A_49] : memref<80x128xf32, #tpu.memory_space<vmem_shared>> -> memref<80x128xf32, #tpu.memory_space<vmem_shared>>
      tpu.wait_indirect_dma semaphore(%run_scoped3A : memref<!tpu.dma_semaphore, #tpu.memory_space<semaphore_mem>>) src(%dma_wait3A_47 : memref<16x128xf32, #tpu.memory_space<vmem>>) dst(%dma_wait3A_50 : memref<80x128xf32, #tpu.memory_space<vmem_shared>>)
      tpu.yield
    }) : () -> ()
    %iota3A_22 = tpu.iota {dimensions = array<i32: 0>} : vector<16xi32>
    %add3A_23 = arith.constant 16 : i32
    %add3A_24 = vector.broadcast %add3A_23 : i32 to vector<16xi32>
    %add3A_25 = arith.addi %iota3A_22, %add3A_24 : vector<16xi32>
    "tpu.region"() ({
      %run_scoped3A = tpu.sem_alloc : memref<!tpu.dma_semaphore, #tpu.memory_space<semaphore_mem>>
      %dma_start3A = arith.constant 16 : i32
      %dma_start3A_41 = arith.constant 0 : i32
      %dma_start3A_42 = tpu.memref_slice %arg5[%dma_start3A, %dma_start3A_41] : memref<80x128xf32, #tpu.memory_space<vmem>> -> memref<16x128xf32, #tpu.memory_space<vmem>>
      %dma_start3A_43 = arith.constant 0 : i32
      %dma_start3A_44 = arith.constant 0 : i32
      %dma_start3A_45 = tpu.memref_slice %arg4[%dma_start3A_43, %dma_start3A_44] : memref<80x128xf32, #tpu.memory_space<vmem_shared>> -> memref<80x128xf32, #tpu.memory_space<vmem_shared>>
      tpu.enqueue_indirect_dma source(%dma_start3A_42 : memref<16x128xf32, #tpu.memory_space<vmem>>) target(%dma_start3A_45 : memref<80x128xf32, #tpu.memory_space<vmem_shared>>) offsets(%add3A_25 : vector<16xi32>) semaphore(%run_scoped3A : memref<!tpu.dma_semaphore, #tpu.memory_space<semaphore_mem>>) {add = true}
      %dma_wait3A = arith.constant 16 : i32
      %dma_wait3A_46 = arith.constant 0 : i32
      %dma_wait3A_47 = tpu.memref_slice %arg5[%dma_wait3A, %dma_wait3A_46] : memref<80x128xf32, #tpu.memory_space<vmem>> -> memref<16x128xf32, #tpu.memory_space<vmem>>
      %dma_wait3A_48 = arith.constant 0 : i32
      %dma_wait3A_49 = arith.constant 0 : i32
      %dma_wait3A_50 = tpu.memref_slice %arg4[%dma_wait3A_48, %dma_wait3A_49] : memref<80x128xf32, #tpu.memory_space<vmem_shared>> -> memref<80x128xf32, #tpu.memory_space<vmem_shared>>
      tpu.wait_indirect_dma semaphore(%run_scoped3A : memref<!tpu.dma_semaphore, #tpu.memory_space<semaphore_mem>>) src(%dma_wait3A_47 : memref<16x128xf32, #tpu.memory_space<vmem>>) dst(%dma_wait3A_50 : memref<80x128xf32, #tpu.memory_space<vmem_shared>>)
      tpu.yield
    }) : () -> ()
    %iota3A_26 = tpu.iota {dimensions = array<i32: 0>} : vector<16xi32>
    %add3A_27 = arith.constant 32 : i32
    %add3A_28 = vector.broadcast %add3A_27 : i32 to vector<16xi32>
    %add3A_29 = arith.addi %iota3A_26, %add3A_28 : vector<16xi32>
    "tpu.region"() ({
      %run_scoped3A = tpu.sem_alloc : memref<!tpu.dma_semaphore, #tpu.memory_space<semaphore_mem>>
      %dma_start3A = arith.constant 32 : i32
      %dma_start3A_41 = arith.constant 0 : i32
      %dma_start3A_42 = tpu.memref_slice %arg5[%dma_start3A, %dma_start3A_41] : memref<80x128xf32, #tpu.memory_space<vmem>> -> memref<16x128xf32, #tpu.memory_space<vmem>>
      %dma_start3A_43 = arith.constant 0 : i32
      %dma_start3A_44 = arith.constant 0 : i32
      %dma_start3A_45 = tpu.memref_slice %arg4[%dma_start3A_43, %dma_start3A_44] : memref<80x128xf32, #tpu.memory_space<vmem_shared>> -> memref<80x128xf32, #tpu.memory_space<vmem_shared>>
      tpu.enqueue_indirect_dma source(%dma_start3A_42 : memref<16x128xf32, #tpu.memory_space<vmem>>) target(%dma_start3A_45 : memref<80x128xf32, #tpu.memory_space<vmem_shared>>) offsets(%add3A_29 : vector<16xi32>) semaphore(%run_scoped3A : memref<!tpu.dma_semaphore, #tpu.memory_space<semaphore_mem>>) {add = true}
      %dma_wait3A = arith.constant 32 : i32
      %dma_wait3A_46 = arith.constant 0 : i32
      %dma_wait3A_47 = tpu.memref_slice %arg5[%dma_wait3A, %dma_wait3A_46] : memref<80x128xf32, #tpu.memory_space<vmem>> -> memref<16x128xf32, #tpu.memory_space<vmem>>
      %dma_wait3A_48 = arith.constant 0 : i32
      %dma_wait3A_49 = arith.constant 0 : i32
      %dma_wait3A_50 = tpu.memref_slice %arg4[%dma_wait3A_48, %dma_wait3A_49] : memref<80x128xf32, #tpu.memory_space<vmem_shared>> -> memref<80x128xf32, #tpu.memory_space<vmem_shared>>
      tpu.wait_indirect_dma semaphore(%run_scoped3A : memref<!tpu.dma_semaphore, #tpu.memory_space<semaphore_mem>>) src(%dma_wait3A_47 : memref<16x128xf32, #tpu.memory_space<vmem>>) dst(%dma_wait3A_50 : memref<80x128xf32, #tpu.memory_space<vmem_shared>>)
      tpu.yield
    }) : () -> ()
    %iota3A_30 = tpu.iota {dimensions = array<i32: 0>} : vector<16xi32>
    %add3A_31 = arith.constant 48 : i32
    %add3A_32 = vector.broadcast %add3A_31 : i32 to vector<16xi32>
    %add3A_33 = arith.addi %iota3A_30, %add3A_32 : vector<16xi32>
    "tpu.region"() ({
      %run_scoped3A = tpu.sem_alloc : memref<!tpu.dma_semaphore, #tpu.memory_space<semaphore_mem>>
      %dma_start3A = arith.constant 48 : i32
      %dma_start3A_41 = arith.constant 0 : i32
      %dma_start3A_42 = tpu.memref_slice %arg5[%dma_start3A, %dma_start3A_41] : memref<80x128xf32, #tpu.memory_space<vmem>> -> memref<16x128xf32, #tpu.memory_space<vmem>>
      %dma_start3A_43 = arith.constant 0 : i32
      %dma_start3A_44 = arith.constant 0 : i32
      %dma_start3A_45 = tpu.memref_slice %arg4[%dma_start3A_43, %dma_start3A_44] : memref<80x128xf32, #tpu.memory_space<vmem_shared>> -> memref<80x128xf32, #tpu.memory_space<vmem_shared>>
      tpu.enqueue_indirect_dma source(%dma_start3A_42 : memref<16x128xf32, #tpu.memory_space<vmem>>) target(%dma_start3A_45 : memref<80x128xf32, #tpu.memory_space<vmem_shared>>) offsets(%add3A_33 : vector<16xi32>) semaphore(%run_scoped3A : memref<!tpu.dma_semaphore, #tpu.memory_space<semaphore_mem>>) {add = true}
      %dma_wait3A = arith.constant 48 : i32
      %dma_wait3A_46 = arith.constant 0 : i32
      %dma_wait3A_47 = tpu.memref_slice %arg5[%dma_wait3A, %dma_wait3A_46] : memref<80x128xf32, #tpu.memory_space<vmem>> -> memref<16x128xf32, #tpu.memory_space<vmem>>
      %dma_wait3A_48 = arith.constant 0 : i32
      %dma_wait3A_49 = arith.constant 0 : i32
      %dma_wait3A_50 = tpu.memref_slice %arg4[%dma_wait3A_48, %dma_wait3A_49] : memref<80x128xf32, #tpu.memory_space<vmem_shared>> -> memref<80x128xf32, #tpu.memory_space<vmem_shared>>
      tpu.wait_indirect_dma semaphore(%run_scoped3A : memref<!tpu.dma_semaphore, #tpu.memory_space<semaphore_mem>>) src(%dma_wait3A_47 : memref<16x128xf32, #tpu.memory_space<vmem>>) dst(%dma_wait3A_50 : memref<80x128xf32, #tpu.memory_space<vmem_shared>>)
      tpu.yield
    }) : () -> ()
    %iota3A_34 = tpu.iota {dimensions = array<i32: 0>} : vector<16xi32>
    %add3A_35 = arith.constant 64 : i32
    %add3A_36 = vector.broadcast %add3A_35 : i32 to vector<16xi32>
    %add3A_37 = arith.addi %iota3A_34, %add3A_36 : vector<16xi32>
    "tpu.region"() ({
      %run_scoped3A = tpu.sem_alloc : memref<!tpu.dma_semaphore, #tpu.memory_space<semaphore_mem>>
      %dma_start3A = arith.constant 64 : i32
      %dma_start3A_41 = arith.constant 0 : i32
      %dma_start3A_42 = tpu.memref_slice %arg5[%dma_start3A, %dma_start3A_41] : memref<80x128xf32, #tpu.memory_space<vmem>> -> memref<16x128xf32, #tpu.memory_space<vmem>>
      %dma_start3A_43 = arith.constant 0 : i32
      %dma_start3A_44 = arith.constant 0 : i32
      %dma_start3A_45 = tpu.memref_slice %arg4[%dma_start3A_43, %dma_start3A_44] : memref<80x128xf32, #tpu.memory_space<vmem_shared>> -> memref<80x128xf32, #tpu.memory_space<vmem_shared>>
      tpu.enqueue_indirect_dma source(%dma_start3A_42 : memref<16x128xf32, #tpu.memory_space<vmem>>) target(%dma_start3A_45 : memref<80x128xf32, #tpu.memory_space<vmem_shared>>) offsets(%add3A_37 : vector<16xi32>) semaphore(%run_scoped3A : memref<!tpu.dma_semaphore, #tpu.memory_space<semaphore_mem>>) {add = true}
      %dma_wait3A = arith.constant 64 : i32
      %dma_wait3A_46 = arith.constant 0 : i32
      %dma_wait3A_47 = tpu.memref_slice %arg5[%dma_wait3A, %dma_wait3A_46] : memref<80x128xf32, #tpu.memory_space<vmem>> -> memref<16x128xf32, #tpu.memory_space<vmem>>
      %dma_wait3A_48 = arith.constant 0 : i32
      %dma_wait3A_49 = arith.constant 0 : i32
      %dma_wait3A_50 = tpu.memref_slice %arg4[%dma_wait3A_48, %dma_wait3A_49] : memref<80x128xf32, #tpu.memory_space<vmem_shared>> -> memref<80x128xf32, #tpu.memory_space<vmem_shared>>
      tpu.wait_indirect_dma semaphore(%run_scoped3A : memref<!tpu.dma_semaphore, #tpu.memory_space<semaphore_mem>>) src(%dma_wait3A_47 : memref<16x128xf32, #tpu.memory_space<vmem>>) dst(%dma_wait3A_50 : memref<80x128xf32, #tpu.memory_space<vmem_shared>>)
      tpu.yield
    }) : () -> ()
    %barrier3A_38 = arith.constant 0 : index
    tpu.barrier barrier_id(%barrier3A_38)
    %lt3A = arith.constant 10 : i32
    %lt3A_39 = arith.cmpi slt, %arg1, %lt3A : i32
    %convert_element_type3A = arith.extui %lt3A_39 : i1 to i32
    %cond3A = arith.constant 0 : i32
    %cond3A_40 = arith.cmpi ne, %convert_element_type3A, %cond3A : i32
    scf.if %cond3A_40 {
      %mul3A_41 = arith.constant 8 : i32
      %mul3A_42 = arith.muli %arg1, %mul3A_41 : i32
      %mul3A_43 = arith.constant 80 : i32
      %mul3A_44 = arith.muli %arg0, %mul3A_43 : i32
      %mul3A_45 = arith.constant 8 : i32
      %mul3A_46 = arith.muli %arg1, %mul3A_45 : i32
      %add3A_47 = arith.addi %mul3A_44, %mul3A_46 : i32
      "tpu.region"() ({
        %run_scoped3A = tpu.sem_alloc : memref<!tpu.dma_semaphore, #tpu.memory_space<semaphore_mem>>
        %dma_start3A = arith.constant 0 : i32
        %dma_start3A_48 = tpu.memref_slice %arg3[%add3A_47, %dma_start3A] : memref<160x128xf32, #tpu.memory_space<hbm>> -> memref<8x128xf32, #tpu.memory_space<hbm>>
        %dma_start3A_49 = arith.constant 0 : i32
        %dma_start3A_50 = tpu.memref_slice %arg4[%mul3A_42, %dma_start3A_49] : memref<80x128xf32, #tpu.memory_space<vmem_shared>> -> memref<8x128xf32, #tpu.memory_space<vmem_shared>>
        tpu.enqueue_dma source(%dma_start3A_50 : memref<8x128xf32, #tpu.memory_space<vmem_shared>>) target(%dma_start3A_48 : memref<8x128xf32, #tpu.memory_space<hbm>>) target_semaphore(%run_scoped3A : memref<!tpu.dma_semaphore, #tpu.memory_space<semaphore_mem>>)
        %dma_wait3A = arith.constant 0 : i32
        %dma_wait3A_51 = tpu.memref_slice %arg3[%add3A_47, %dma_wait3A] : memref<160x128xf32, #tpu.memory_space<hbm>> -> memref<8x128xf32, #tpu.memory_space<hbm>>
        %dma_wait3A_52 = arith.constant 0 : i32
        %dma_wait3A_53 = tpu.memref_slice %arg4[%mul3A_42, %dma_wait3A_52] : memref<80x128xf32, #tpu.memory_space<vmem_shared>> -> memref<8x128xf32, #tpu.memory_space<vmem_shared>>
        tpu.wait_dma2 semaphore(%run_scoped3A : memref<!tpu.dma_semaphore, #tpu.memory_space<semaphore_mem>>) src(%dma_wait3A_53 : memref<8x128xf32, #tpu.memory_space<vmem_shared>>) dst(%dma_wait3A_51 : memref<8x128xf32, #tpu.memory_space<hbm>>)
        tpu.yield
      }) : () -> ()
    } else {
    }
    return
  }
}

#map = affine_map<(d0, d1) -> (0, 0)>
#map1 = affine_map<(d0, d1) -> (0, 0, 0)>
module attributes {stable_mosaic.version = 14 : i64} {
  func.func @_main_kernel(%arg0: i32, %arg1: i32, %arg2: memref<10000x128xf32, #tpu.memory_space<hbm>>, %arg3: memref<80x128xf32, #tpu.memory_space<hbm>>, %arg4: memref<5080x128xi32, #tpu.memory_space<hbm>>, %arg5: memref<2x10000x128xf32, #tpu.memory_space<hbm>>, %arg6: memref<160x128xf32, #tpu.memory_space<hbm>>, %arg7: memref<10000x128xf32, #tpu.memory_space<vmem_shared>>, %arg8: memref<80x128xf32, #tpu.memory_space<vmem_shared>>, %arg9: memref<80x128xi32, #tpu.memory_space<vmem>>, %arg10: memref<128x128xf32, #tpu.memory_space<vmem>>, %arg11: memref<128x128xf32, #tpu.memory_space<vmem>>, %arg12: memref<!tpu.dma_semaphore, #tpu.memory_space<semaphore_mem>>, %arg13: memref<!tpu.dma_semaphore, #tpu.memory_space<semaphore_mem>>, %arg14: memref<!tpu.dma_semaphore, #tpu.memory_space<semaphore_mem>>, %arg15: memref<!tpu.dma_semaphore, #tpu.memory_space<semaphore_mem>>, %arg16: memref<!tpu.dma_semaphore, #tpu.memory_space<semaphore_mem>>) attributes {dimension_semantics = [#tpu.dimension_semantics<core_parallel>, #tpu.dimension_semantics<subcore_parallel>], iteration_bounds = array<i64: 2, 16>, scalar_prefetch = 0 : i64, scratch_operands = 10 : i64, tpu.core_type = #tpu.core_type<sc_vector_subcore>, window_params = [{transform_indices = #map}, {transform_indices = #map}, {transform_indices = #map}, {transform_indices = #map1}, {transform_indices = #map}]} {
    %mul3A = arith.constant 2 : i32
    %mul3A_0 = arith.muli %arg1, %mul3A : i32
    %add3A = arith.addi %mul3A_0, %arg0 : i32
    %lt3A = arith.constant 17 : i32
    %lt3A_1 = arith.cmpi slt, %add3A, %lt3A : i32
    %jit3A = arith.constant 80 : i32
    %jit3A_2 = arith.constant 76 : i32
    %select_n3A = arith.select %lt3A_1, %jit3A, %jit3A_2 : i32
    %mul3A_3 = arith.constant 80 : i32
    %mul3A_4 = arith.muli %mul3A_3, %add3A : i32
    %sub3A = arith.constant 17 : i32
    %sub3A_5 = arith.subi %add3A, %sub3A : i32
    %max3A = arith.constant 0 : i32
    %max3A_6 = arith.maxsi %sub3A_5, %max3A : i32
    %mul3A_7 = arith.constant 4 : i32
    %mul3A_8 = arith.muli %mul3A_7, %max3A_6 : i32
    %sub3A_9 = arith.subi %mul3A_4, %mul3A_8 : i32
    %mul3A_10 = arith.constant 2 : i32
    %mul3A_11 = arith.muli %mul3A_10, %sub3A_9 : i32
    %dma_start3A = arith.constant 0 : i32
    %dma_start3A_12 = tpu.memref_slice %arg4[%mul3A_11, %dma_start3A] : memref<5080x128xi32, #tpu.memory_space<hbm>> -> memref<80x128xi32, #tpu.memory_space<hbm>>
    %dma_start3A_13 = arith.constant 0 : i32
    %dma_start3A_14 = tpu.memref_slice %arg4[%mul3A_11, %dma_start3A_13] : memref<5080x128xi32, #tpu.memory_space<hbm>> -> memref<80x128xi32, #tpu.memory_space<hbm>>
    tpu.enqueue_dma source(%dma_start3A_14 : memref<80x128xi32, #tpu.memory_space<hbm>>) target(%arg9 : memref<80x128xi32, #tpu.memory_space<vmem>>) target_semaphore(%arg16 : memref<!tpu.dma_semaphore, #tpu.memory_space<semaphore_mem>>)
    %mul3A_15 = arith.constant 624 : i32
    %mul3A_16 = arith.muli %arg1, %mul3A_15 : i32
    %multiple_of3A = tpu.assume_multiple %mul3A_16, 8 : i32
    "tpu.region"() ({
      %run_scoped3A = tpu.sem_alloc : memref<!tpu.dma_semaphore, #tpu.memory_space<semaphore_mem>>
      %dma_start3A_169 = arith.constant 0 : i32
      %dma_start3A_170 = tpu.memref_slice %arg7[%multiple_of3A, %dma_start3A_169] : memref<10000x128xf32, #tpu.memory_space<vmem_shared>> -> memref<624x128xf32, #tpu.memory_space<vmem_shared>>
      %dma_start3A_171 = arith.constant 0 : i32
      %dma_start3A_172 = tpu.memref_slice %arg2[%multiple_of3A, %dma_start3A_171] : memref<10000x128xf32, #tpu.memory_space<hbm>> -> memref<624x128xf32, #tpu.memory_space<hbm>>
      tpu.enqueue_dma source(%dma_start3A_172 : memref<624x128xf32, #tpu.memory_space<hbm>>) target(%dma_start3A_170 : memref<624x128xf32, #tpu.memory_space<vmem_shared>>) target_semaphore(%run_scoped3A : memref<!tpu.dma_semaphore, #tpu.memory_space<semaphore_mem>>)
      %dma_wait3A_173 = arith.constant 0 : i32
      %dma_wait3A_174 = tpu.memref_slice %arg7[%multiple_of3A, %dma_wait3A_173] : memref<10000x128xf32, #tpu.memory_space<vmem_shared>> -> memref<624x128xf32, #tpu.memory_space<vmem_shared>>
      %dma_wait3A_175 = arith.constant 0 : i32
      %dma_wait3A_176 = tpu.memref_slice %arg2[%multiple_of3A, %dma_wait3A_175] : memref<10000x128xf32, #tpu.memory_space<hbm>> -> memref<624x128xf32, #tpu.memory_space<hbm>>
      tpu.wait_dma2 semaphore(%run_scoped3A : memref<!tpu.dma_semaphore, #tpu.memory_space<semaphore_mem>>) src(%dma_wait3A_176 : memref<624x128xf32, #tpu.memory_space<hbm>>) dst(%dma_wait3A_174 : memref<624x128xf32, #tpu.memory_space<vmem_shared>>)
      tpu.yield
    }) : () -> ()
    %eq3A = arith.constant 0 : i32
    %eq3A_17 = arith.cmpi eq, %arg1, %eq3A : i32
    %convert_element_type3A = arith.extui %eq3A_17 : i1 to i32
    %cond3A = arith.constant 0 : i32
    %cond3A_18 = arith.cmpi ne, %convert_element_type3A, %cond3A : i32
    scf.if %cond3A_18 {
      "tpu.region"() ({
        %run_scoped3A = tpu.sem_alloc : memref<!tpu.dma_semaphore, #tpu.memory_space<semaphore_mem>>
        %dma_start3A_169 = arith.constant 9984 : i32
        %dma_start3A_170 = arith.constant 0 : i32
        %dma_start3A_171 = tpu.memref_slice %arg7[%dma_start3A_169, %dma_start3A_170] : memref<10000x128xf32, #tpu.memory_space<vmem_shared>> -> memref<16x128xf32, #tpu.memory_space<vmem_shared>>
        %dma_start3A_172 = arith.constant 9984 : i32
        %dma_start3A_173 = arith.constant 0 : i32
        %dma_start3A_174 = tpu.memref_slice %arg2[%dma_start3A_172, %dma_start3A_173] : memref<10000x128xf32, #tpu.memory_space<hbm>> -> memref<16x128xf32, #tpu.memory_space<hbm>>
        tpu.enqueue_dma source(%dma_start3A_174 : memref<16x128xf32, #tpu.memory_space<hbm>>) target(%dma_start3A_171 : memref<16x128xf32, #tpu.memory_space<vmem_shared>>) target_semaphore(%run_scoped3A : memref<!tpu.dma_semaphore, #tpu.memory_space<semaphore_mem>>)
        %dma_wait3A_175 = arith.constant 9984 : i32
        %dma_wait3A_176 = arith.constant 0 : i32
        %dma_wait3A_177 = tpu.memref_slice %arg7[%dma_wait3A_175, %dma_wait3A_176] : memref<10000x128xf32, #tpu.memory_space<vmem_shared>> -> memref<16x128xf32, #tpu.memory_space<vmem_shared>>
        %dma_wait3A_178 = arith.constant 9984 : i32
        %dma_wait3A_179 = arith.constant 0 : i32
        %dma_wait3A_180 = tpu.memref_slice %arg2[%dma_wait3A_178, %dma_wait3A_179] : memref<10000x128xf32, #tpu.memory_space<hbm>> -> memref<16x128xf32, #tpu.memory_space<hbm>>
        tpu.wait_dma2 semaphore(%run_scoped3A : memref<!tpu.dma_semaphore, #tpu.memory_space<semaphore_mem>>) src(%dma_wait3A_180 : memref<16x128xf32, #tpu.memory_space<hbm>>) dst(%dma_wait3A_177 : memref<16x128xf32, #tpu.memory_space<vmem_shared>>)
        tpu.yield
      }) : () -> ()
    } else {
    }
    %broadcast_in_dim3A = arith.constant 0.000000e+00 : f32
    %broadcast_in_dim3A_19 = vector.broadcast %broadcast_in_dim3A : f32 to vector<16xf32>
    %scan3A = arith.constant 0 : i32
    %scan3A_20 = arith.constant 0 : i32
    %scan3A_21 = arith.constant 40 : i32
    %scan3A_22 = arith.addi %scan3A_20, %scan3A_21 : i32
    %scan3A_23 = arith.constant 1 : i32
    scf.for %scan3A_169 = %scan3A_20 to %scan3A_22 step %scan3A_23  : i32 {
      %shift_right_arithmetic3A = arith.constant 3 : i32
      %shift_right_arithmetic3A_170 = arith.shrsi %scan3A_169, %shift_right_arithmetic3A : i32
      %and3A_171 = arith.constant 7 : i32
      %and3A_172 = arith.andi %scan3A_169, %and3A_171 : i32
      %mul3A_173 = arith.constant 16 : i32
      %mul3A_174 = arith.muli %and3A_172, %mul3A_173 : i32
      %swap3A = arith.index_cast %shift_right_arithmetic3A_170 : i32 to index
      %swap3A_175 = arith.index_cast %mul3A_174 : i32 to index
      %swap3A_176 = tpu.vector_load %arg11[%swap3A, %swap3A_175] {strides = array<i32>} : memref<128x128xf32, #tpu.memory_space<vmem>>, vector<16xf32>,
      tpu.vector_store %arg11[%swap3A, %swap3A_175], %broadcast_in_dim3A_19 {strides = array<i32>} : memref<128x128xf32, #tpu.memory_space<vmem>>, vector<16xf32>,
    }
    %scan3A_24 = arith.constant 40 : i32
    %mul3A_25 = arith.constant 5 : i32
    %mul3A_26 = arith.muli %arg1, %mul3A_25 : i32
    "tpu.region"() ({
      %run_scoped3A = tpu.sem_alloc : memref<!tpu.dma_semaphore, #tpu.memory_space<semaphore_mem>>
      %dma_start3A_169 = arith.constant 0 : i32
      %dma_start3A_170 = arith.constant 0 : i32
      %dma_start3A_171 = tpu.memref_slice %arg11[%dma_start3A_169, %dma_start3A_170] : memref<128x128xf32, #tpu.memory_space<vmem>> -> memref<5x128xf32, #tpu.memory_space<vmem>>
      %dma_start3A_172 = arith.constant 0 : i32
      %dma_start3A_173 = tpu.memref_slice %arg8[%mul3A_26, %dma_start3A_172] : memref<80x128xf32, #tpu.memory_space<vmem_shared>> -> memref<5x128xf32, #tpu.memory_space<vmem_shared>>
      %dma_start3A_174 = arith.constant 0 : i32
      %dma_start3A_175 = tpu.memref_slice %arg8[%mul3A_26, %dma_start3A_174] : memref<80x128xf32, #tpu.memory_space<vmem_shared>> -> memref<5x128xf32, #tpu.memory_space<vmem_shared>>
      %dma_start3A_176 = arith.constant 0 : i32
      %dma_start3A_177 = arith.constant 0 : i32
      %dma_start3A_178 = tpu.memref_slice %arg11[%dma_start3A_176, %dma_start3A_177] : memref<128x128xf32, #tpu.memory_space<vmem>> -> memref<5x128xf32, #tpu.memory_space<vmem>>
      tpu.enqueue_dma source(%dma_start3A_178 : memref<5x128xf32, #tpu.memory_space<vmem>>) target(%dma_start3A_175 : memref<5x128xf32, #tpu.memory_space<vmem_shared>>) target_semaphore(%run_scoped3A : memref<!tpu.dma_semaphore, #tpu.memory_space<semaphore_mem>>)
      %dma_wait3A_179 = arith.constant 0 : i32
      %dma_wait3A_180 = arith.constant 0 : i32
      %dma_wait3A_181 = tpu.memref_slice %arg11[%dma_wait3A_179, %dma_wait3A_180] : memref<128x128xf32, #tpu.memory_space<vmem>> -> memref<5x128xf32, #tpu.memory_space<vmem>>
      %dma_wait3A_182 = arith.constant 0 : i32
      %dma_wait3A_183 = tpu.memref_slice %arg8[%mul3A_26, %dma_wait3A_182] : memref<80x128xf32, #tpu.memory_space<vmem_shared>> -> memref<5x128xf32, #tpu.memory_space<vmem_shared>>
      %dma_wait3A_184 = arith.constant 0 : i32
      %dma_wait3A_185 = tpu.memref_slice %arg8[%mul3A_26, %dma_wait3A_184] : memref<80x128xf32, #tpu.memory_space<vmem_shared>> -> memref<5x128xf32, #tpu.memory_space<vmem_shared>>
      %dma_wait3A_186 = arith.constant 0 : i32
      %dma_wait3A_187 = arith.constant 0 : i32
      %dma_wait3A_188 = tpu.memref_slice %arg11[%dma_wait3A_186, %dma_wait3A_187] : memref<128x128xf32, #tpu.memory_space<vmem>> -> memref<5x128xf32, #tpu.memory_space<vmem>>
      tpu.wait_dma2 semaphore(%run_scoped3A : memref<!tpu.dma_semaphore, #tpu.memory_space<semaphore_mem>>) src(%dma_wait3A_188 : memref<5x128xf32, #tpu.memory_space<vmem>>) dst(%dma_wait3A_185 : memref<5x128xf32, #tpu.memory_space<vmem_shared>>)
      tpu.yield
    }) : () -> ()
    %barrier3A = arith.constant 0 : index
    tpu.barrier barrier_id(%barrier3A)
    %mul3A_27 = arith.constant 2 : i32
    %mul3A_28 = arith.muli %mul3A_27, %sub3A_9 : i32
    %dma_wait3A = arith.constant 0 : i32
    %dma_wait3A_29 = tpu.memref_slice %arg4[%mul3A_28, %dma_wait3A] : memref<5080x128xi32, #tpu.memory_space<hbm>> -> memref<80x128xi32, #tpu.memory_space<hbm>>
    %dma_wait3A_30 = arith.constant 0 : i32
    %dma_wait3A_31 = tpu.memref_slice %arg4[%mul3A_28, %dma_wait3A_30] : memref<5080x128xi32, #tpu.memory_space<hbm>> -> memref<80x128xi32, #tpu.memory_space<hbm>>
    tpu.wait_dma2 semaphore(%arg16 : memref<!tpu.dma_semaphore, #tpu.memory_space<semaphore_mem>>) src(%dma_wait3A_31 : memref<80x128xi32, #tpu.memory_space<hbm>>) dst(%arg9 : memref<80x128xi32, #tpu.memory_space<vmem>>)
    %dma_start3A_32 = arith.constant 0 : i32
    %dma_start3A_33 = arith.constant 0 : i32
    %dma_start3A_34 = tpu.memref_slice %arg9[%dma_start3A_32, %dma_start3A_33] : memref<80x128xi32, #tpu.memory_space<vmem>> -> memref<1x128xi32, #tpu.memory_space<vmem>>
    %dma_start3A_35 = tpu.memref_squeeze %dma_start3A_34 : memref<1x128xi32, #tpu.memory_space<vmem>> -> memref<128xi32, #tpu.memory_space<vmem>>
    %dma_start3A_36 = arith.constant 0 : i32
    %dma_start3A_37 = arith.constant 0 : i32
    %dma_start3A_38 = tpu.memref_slice %arg2[%dma_start3A_36, %dma_start3A_37] : memref<10000x128xf32, #tpu.memory_space<hbm>> -> memref<10000x128xf32, #tpu.memory_space<hbm>>
    tpu.enqueue_indirect_dma source(%dma_start3A_38 : memref<10000x128xf32, #tpu.memory_space<hbm>>) target(%arg10 : memref<128x128xf32, #tpu.memory_space<vmem>>) offsets(%dma_start3A_35 : memref<128xi32, #tpu.memory_space<vmem>>) semaphore(%arg12 : memref<!tpu.dma_semaphore, #tpu.memory_space<semaphore_mem>>)
    %scan3A_39 = arith.constant 0 : i32
    %scan3A_40 = arith.constant 0 : i32
    %scan3A_41 = arith.constant 20 : i32
    %scan3A_42 = arith.addi %scan3A_40, %scan3A_41 : i32
    %scan3A_43 = arith.constant 1 : i32
    scf.for %scan3A_169 = %scan3A_40 to %scan3A_42 step %scan3A_43  : i32 {
      %mul3A_170 = arith.constant 2 : i32
      %mul3A_171 = arith.muli %mul3A_170, %scan3A_169 : i32
      %add3A_172 = arith.constant 0 : i32
      %add3A_173 = arith.addi %mul3A_171, %add3A_172 : i32
      %ge3A = arith.constant 1 : i32
      %ge3A_174 = arith.cmpi sge, %add3A_173, %ge3A : i32
      %convert_element_type3A_175 = arith.extui %ge3A_174 : i1 to i32
      %cond3A_176 = arith.constant 0 : i32
      %cond3A_177 = arith.cmpi ne, %convert_element_type3A_175, %cond3A_176 : i32
      scf.if %cond3A_177 {
        %sub3A_237 = arith.constant 1 : i32
        %sub3A_238 = arith.subi %add3A_173, %sub3A_237 : i32
        %mul3A_239 = arith.constant 2 : i32
        %mul3A_240 = arith.muli %mul3A_239, %sub3A_238 : i32
        %add3A_241 = arith.constant 1 : i32
        %add3A_242 = arith.addi %mul3A_240, %add3A_241 : i32
        %dma_wait3A_243 = arith.constant 0 : i32
        %dma_wait3A_244 = tpu.memref_slice %arg9[%add3A_242, %dma_wait3A_243] : memref<80x128xi32, #tpu.memory_space<vmem>> -> memref<1x128xi32, #tpu.memory_space<vmem>>
        %dma_wait3A_245 = tpu.memref_squeeze %dma_wait3A_244 : memref<1x128xi32, #tpu.memory_space<vmem>> -> memref<128xi32, #tpu.memory_space<vmem>>
        %dma_wait3A_246 = arith.constant 0 : i32
        %dma_wait3A_247 = arith.constant 0 : i32
        %dma_wait3A_248 = tpu.memref_slice %arg7[%dma_wait3A_246, %dma_wait3A_247] : memref<10000x128xf32, #tpu.memory_space<vmem_shared>> -> memref<10000x128xf32, #tpu.memory_space<vmem_shared>>
        tpu.wait_indirect_dma semaphore(%arg15 : memref<!tpu.dma_semaphore, #tpu.memory_space<semaphore_mem>>) src(%arg11 : memref<128x128xf32, #tpu.memory_space<vmem>>) dst(%dma_wait3A_248 : memref<10000x128xf32, #tpu.memory_space<vmem_shared>>)
      } else {
      }
      %add3A_178 = arith.constant 1 : i32
      %add3A_179 = arith.addi %add3A_173, %add3A_178 : i32
      %lt3A_180 = arith.constant 40 : i32
      %lt3A_181 = arith.cmpi slt, %add3A_179, %lt3A_180 : i32
      %convert_element_type3A_182 = arith.extui %lt3A_181 : i1 to i32
      %cond3A_183 = arith.constant 0 : i32
      %cond3A_184 = arith.cmpi ne, %convert_element_type3A_182, %cond3A_183 : i32
      scf.if %cond3A_184 {
        %add3A_237 = arith.constant 1 : i32
        %add3A_238 = arith.addi %add3A_173, %add3A_237 : i32
        %mul3A_239 = arith.constant 2 : i32
        %mul3A_240 = arith.muli %mul3A_239, %add3A_238 : i32
        %dma_start3A_241 = arith.constant 0 : i32
        %dma_start3A_242 = tpu.memref_slice %arg9[%mul3A_240, %dma_start3A_241] : memref<80x128xi32, #tpu.memory_space<vmem>> -> memref<1x128xi32, #tpu.memory_space<vmem>>
        %dma_start3A_243 = tpu.memref_squeeze %dma_start3A_242 : memref<1x128xi32, #tpu.memory_space<vmem>> -> memref<128xi32, #tpu.memory_space<vmem>>
        %dma_start3A_244 = arith.constant 0 : i32
        %dma_start3A_245 = arith.constant 0 : i32
        %dma_start3A_246 = tpu.memref_slice %arg2[%dma_start3A_244, %dma_start3A_245] : memref<10000x128xf32, #tpu.memory_space<hbm>> -> memref<10000x128xf32, #tpu.memory_space<hbm>>
        tpu.enqueue_indirect_dma source(%dma_start3A_246 : memref<10000x128xf32, #tpu.memory_space<hbm>>) target(%arg11 : memref<128x128xf32, #tpu.memory_space<vmem>>) offsets(%dma_start3A_243 : memref<128xi32, #tpu.memory_space<vmem>>) semaphore(%arg13 : memref<!tpu.dma_semaphore, #tpu.memory_space<semaphore_mem>>)
      } else {
      }
      %mul3A_185 = arith.constant 2 : i32
      %mul3A_186 = arith.muli %mul3A_185, %add3A_173 : i32
      %dma_wait3A_187 = arith.constant 0 : i32
      %dma_wait3A_188 = tpu.memref_slice %arg9[%mul3A_186, %dma_wait3A_187] : memref<80x128xi32, #tpu.memory_space<vmem>> -> memref<1x128xi32, #tpu.memory_space<vmem>>
      %dma_wait3A_189 = tpu.memref_squeeze %dma_wait3A_188 : memref<1x128xi32, #tpu.memory_space<vmem>> -> memref<128xi32, #tpu.memory_space<vmem>>
      %dma_wait3A_190 = arith.constant 0 : i32
      %dma_wait3A_191 = arith.constant 0 : i32
      %dma_wait3A_192 = tpu.memref_slice %arg2[%dma_wait3A_190, %dma_wait3A_191] : memref<10000x128xf32, #tpu.memory_space<hbm>> -> memref<10000x128xf32, #tpu.memory_space<hbm>>
      tpu.wait_indirect_dma semaphore(%arg12 : memref<!tpu.dma_semaphore, #tpu.memory_space<semaphore_mem>>) src(%dma_wait3A_192 : memref<10000x128xf32, #tpu.memory_space<hbm>>) dst(%arg10 : memref<128x128xf32, #tpu.memory_space<vmem>>)
      %mul3A_193 = arith.constant 2 : i32
      %mul3A_194 = arith.muli %mul3A_193, %add3A_173 : i32
      %add3A_195 = arith.constant 1 : i32
      %add3A_196 = arith.addi %mul3A_194, %add3A_195 : i32
      %dma_start3A_197 = arith.constant 0 : i32
      %dma_start3A_198 = tpu.memref_slice %arg9[%add3A_196, %dma_start3A_197] : memref<80x128xi32, #tpu.memory_space<vmem>> -> memref<1x128xi32, #tpu.memory_space<vmem>>
      %dma_start3A_199 = tpu.memref_squeeze %dma_start3A_198 : memref<1x128xi32, #tpu.memory_space<vmem>> -> memref<128xi32, #tpu.memory_space<vmem>>
      %dma_start3A_200 = arith.constant 0 : i32
      %dma_start3A_201 = arith.constant 0 : i32
      %dma_start3A_202 = tpu.memref_slice %arg7[%dma_start3A_200, %dma_start3A_201] : memref<10000x128xf32, #tpu.memory_space<vmem_shared>> -> memref<10000x128xf32, #tpu.memory_space<vmem_shared>>
      tpu.enqueue_indirect_dma source(%arg10 : memref<128x128xf32, #tpu.memory_space<vmem>>) target(%dma_start3A_202 : memref<10000x128xf32, #tpu.memory_space<vmem_shared>>) offsets(%dma_start3A_199 : memref<128xi32, #tpu.memory_space<vmem>>) semaphore(%arg14 : memref<!tpu.dma_semaphore, #tpu.memory_space<semaphore_mem>>) {add = true}
      %mul3A_203 = arith.constant 2 : i32
      %mul3A_204 = arith.muli %mul3A_203, %scan3A_169 : i32
      %add3A_205 = arith.constant 1 : i32
      %add3A_206 = arith.addi %mul3A_204, %add3A_205 : i32
      %ge3A_207 = arith.constant 1 : i32
      %ge3A_208 = arith.cmpi sge, %add3A_206, %ge3A_207 : i32
      %convert_element_type3A_209 = arith.extui %ge3A_208 : i1 to i32
      %cond3A_210 = arith.constant 0 : i32
      %cond3A_211 = arith.cmpi ne, %convert_element_type3A_209, %cond3A_210 : i32
      scf.if %cond3A_211 {
        %sub3A_237 = arith.constant 1 : i32
        %sub3A_238 = arith.subi %add3A_206, %sub3A_237 : i32
        %mul3A_239 = arith.constant 2 : i32
        %mul3A_240 = arith.muli %mul3A_239, %sub3A_238 : i32
        %add3A_241 = arith.constant 1 : i32
        %add3A_242 = arith.addi %mul3A_240, %add3A_241 : i32
        %dma_wait3A_243 = arith.constant 0 : i32
        %dma_wait3A_244 = tpu.memref_slice %arg9[%add3A_242, %dma_wait3A_243] : memref<80x128xi32, #tpu.memory_space<vmem>> -> memref<1x128xi32, #tpu.memory_space<vmem>>
        %dma_wait3A_245 = tpu.memref_squeeze %dma_wait3A_244 : memref<1x128xi32, #tpu.memory_space<vmem>> -> memref<128xi32, #tpu.memory_space<vmem>>
        %dma_wait3A_246 = arith.constant 0 : i32
        %dma_wait3A_247 = arith.constant 0 : i32
        %dma_wait3A_248 = tpu.memref_slice %arg7[%dma_wait3A_246, %dma_wait3A_247] : memref<10000x128xf32, #tpu.memory_space<vmem_shared>> -> memref<10000x128xf32, #tpu.memory_space<vmem_shared>>
        tpu.wait_indirect_dma semaphore(%arg14 : memref<!tpu.dma_semaphore, #tpu.memory_space<semaphore_mem>>) src(%arg10 : memref<128x128xf32, #tpu.memory_space<vmem>>) dst(%dma_wait3A_248 : memref<10000x128xf32, #tpu.memory_space<vmem_shared>>)
      } else {
      }
      %add3A_212 = arith.constant 1 : i32
      %add3A_213 = arith.addi %add3A_206, %add3A_212 : i32
      %lt3A_214 = arith.constant 40 : i32
      %lt3A_215 = arith.cmpi slt, %add3A_213, %lt3A_214 : i32
      %convert_element_type3A_216 = arith.extui %lt3A_215 : i1 to i32
      %cond3A_217 = arith.constant 0 : i32
      %cond3A_218 = arith.cmpi ne, %convert_element_type3A_216, %cond3A_217 : i32
      scf.if %cond3A_218 {
        %add3A_237 = arith.constant 1 : i32
        %add3A_238 = arith.addi %add3A_206, %add3A_237 : i32
        %mul3A_239 = arith.constant 2 : i32
        %mul3A_240 = arith.muli %mul3A_239, %add3A_238 : i32
        %dma_start3A_241 = arith.constant 0 : i32
        %dma_start3A_242 = tpu.memref_slice %arg9[%mul3A_240, %dma_start3A_241] : memref<80x128xi32, #tpu.memory_space<vmem>> -> memref<1x128xi32, #tpu.memory_space<vmem>>
        %dma_start3A_243 = tpu.memref_squeeze %dma_start3A_242 : memref<1x128xi32, #tpu.memory_space<vmem>> -> memref<128xi32, #tpu.memory_space<vmem>>
        %dma_start3A_244 = arith.constant 0 : i32
        %dma_start3A_245 = arith.constant 0 : i32
        %dma_start3A_246 = tpu.memref_slice %arg2[%dma_start3A_244, %dma_start3A_245] : memref<10000x128xf32, #tpu.memory_space<hbm>> -> memref<10000x128xf32, #tpu.memory_space<hbm>>
        tpu.enqueue_indirect_dma source(%dma_start3A_246 : memref<10000x128xf32, #tpu.memory_space<hbm>>) target(%arg10 : memref<128x128xf32, #tpu.memory_space<vmem>>) offsets(%dma_start3A_243 : memref<128xi32, #tpu.memory_space<vmem>>) semaphore(%arg12 : memref<!tpu.dma_semaphore, #tpu.memory_space<semaphore_mem>>)
      } else {
      }
      %mul3A_219 = arith.constant 2 : i32
      %mul3A_220 = arith.muli %mul3A_219, %add3A_206 : i32
      %dma_wait3A_221 = arith.constant 0 : i32
      %dma_wait3A_222 = tpu.memref_slice %arg9[%mul3A_220, %dma_wait3A_221] : memref<80x128xi32, #tpu.memory_space<vmem>> -> memref<1x128xi32, #tpu.memory_space<vmem>>
      %dma_wait3A_223 = tpu.memref_squeeze %dma_wait3A_222 : memref<1x128xi32, #tpu.memory_space<vmem>> -> memref<128xi32, #tpu.memory_space<vmem>>
      %dma_wait3A_224 = arith.constant 0 : i32
      %dma_wait3A_225 = arith.constant 0 : i32
      %dma_wait3A_226 = tpu.memref_slice %arg2[%dma_wait3A_224, %dma_wait3A_225] : memref<10000x128xf32, #tpu.memory_space<hbm>> -> memref<10000x128xf32, #tpu.memory_space<hbm>>
      tpu.wait_indirect_dma semaphore(%arg13 : memref<!tpu.dma_semaphore, #tpu.memory_space<semaphore_mem>>) src(%dma_wait3A_226 : memref<10000x128xf32, #tpu.memory_space<hbm>>) dst(%arg11 : memref<128x128xf32, #tpu.memory_space<vmem>>)
      %mul3A_227 = arith.constant 2 : i32
      %mul3A_228 = arith.muli %mul3A_227, %add3A_206 : i32
      %add3A_229 = arith.constant 1 : i32
      %add3A_230 = arith.addi %mul3A_228, %add3A_229 : i32
      %dma_start3A_231 = arith.constant 0 : i32
      %dma_start3A_232 = tpu.memref_slice %arg9[%add3A_230, %dma_start3A_231] : memref<80x128xi32, #tpu.memory_space<vmem>> -> memref<1x128xi32, #tpu.memory_space<vmem>>
      %dma_start3A_233 = tpu.memref_squeeze %dma_start3A_232 : memref<1x128xi32, #tpu.memory_space<vmem>> -> memref<128xi32, #tpu.memory_space<vmem>>
      %dma_start3A_234 = arith.constant 0 : i32
      %dma_start3A_235 = arith.constant 0 : i32
      %dma_start3A_236 = tpu.memref_slice %arg7[%dma_start3A_234, %dma_start3A_235] : memref<10000x128xf32, #tpu.memory_space<vmem_shared>> -> memref<10000x128xf32, #tpu.memory_space<vmem_shared>>
      tpu.enqueue_indirect_dma source(%arg11 : memref<128x128xf32, #tpu.memory_space<vmem>>) target(%dma_start3A_236 : memref<10000x128xf32, #tpu.memory_space<vmem_shared>>) offsets(%dma_start3A_233 : memref<128xi32, #tpu.memory_space<vmem>>) semaphore(%arg15 : memref<!tpu.dma_semaphore, #tpu.memory_space<semaphore_mem>>) {add = true}
    }
    %scan3A_44 = arith.constant 20 : i32
    %dma_wait3A_45 = arith.constant 79 : i32
    %dma_wait3A_46 = arith.constant 0 : i32
    %dma_wait3A_47 = tpu.memref_slice %arg9[%dma_wait3A_45, %dma_wait3A_46] : memref<80x128xi32, #tpu.memory_space<vmem>> -> memref<1x128xi32, #tpu.memory_space<vmem>>
    %dma_wait3A_48 = tpu.memref_squeeze %dma_wait3A_47 : memref<1x128xi32, #tpu.memory_space<vmem>> -> memref<128xi32, #tpu.memory_space<vmem>>
    %dma_wait3A_49 = arith.constant 0 : i32
    %dma_wait3A_50 = arith.constant 0 : i32
    %dma_wait3A_51 = tpu.memref_slice %arg7[%dma_wait3A_49, %dma_wait3A_50] : memref<10000x128xf32, #tpu.memory_space<vmem_shared>> -> memref<10000x128xf32, #tpu.memory_space<vmem_shared>>
    tpu.wait_indirect_dma semaphore(%arg15 : memref<!tpu.dma_semaphore, #tpu.memory_space<semaphore_mem>>) src(%arg11 : memref<128x128xf32, #tpu.memory_space<vmem>>) dst(%dma_wait3A_51 : memref<10000x128xf32, #tpu.memory_space<vmem_shared>>)
    %add3A_52 = arith.constant 40 : i32
    %add3A_53 = arith.addi %sub3A_9, %add3A_52 : i32
    %mul3A_54 = arith.constant 2 : i32
    %mul3A_55 = arith.muli %mul3A_54, %add3A_53 : i32
    "tpu.region"() ({
      %run_scoped3A = tpu.sem_alloc : memref<!tpu.dma_semaphore, #tpu.memory_space<semaphore_mem>>
      %dma_start3A_169 = arith.constant 0 : i32
      %dma_start3A_170 = tpu.memref_slice %arg4[%mul3A_55, %dma_start3A_169] : memref<5080x128xi32, #tpu.memory_space<hbm>> -> memref<80x128xi32, #tpu.memory_space<hbm>>
      %dma_start3A_171 = arith.constant 0 : i32
      %dma_start3A_172 = tpu.memref_slice %arg4[%mul3A_55, %dma_start3A_171] : memref<5080x128xi32, #tpu.memory_space<hbm>> -> memref<80x128xi32, #tpu.memory_space<hbm>>
      tpu.enqueue_dma source(%dma_start3A_172 : memref<80x128xi32, #tpu.memory_space<hbm>>) target(%arg9 : memref<80x128xi32, #tpu.memory_space<vmem>>) target_semaphore(%run_scoped3A : memref<!tpu.dma_semaphore, #tpu.memory_space<semaphore_mem>>)
      %dma_wait3A_173 = arith.constant 0 : i32
      %dma_wait3A_174 = tpu.memref_slice %arg4[%mul3A_55, %dma_wait3A_173] : memref<5080x128xi32, #tpu.memory_space<hbm>> -> memref<80x128xi32, #tpu.memory_space<hbm>>
      %dma_wait3A_175 = arith.constant 0 : i32
      %dma_wait3A_176 = tpu.memref_slice %arg4[%mul3A_55, %dma_wait3A_175] : memref<5080x128xi32, #tpu.memory_space<hbm>> -> memref<80x128xi32, #tpu.memory_space<hbm>>
      tpu.wait_dma2 semaphore(%run_scoped3A : memref<!tpu.dma_semaphore, #tpu.memory_space<semaphore_mem>>) src(%dma_wait3A_176 : memref<80x128xi32, #tpu.memory_space<hbm>>) dst(%arg9 : memref<80x128xi32, #tpu.memory_space<vmem>>)
      tpu.yield
    }) : () -> ()
    %sub3A_56 = arith.constant 40 : i32
    %sub3A_57 = arith.subi %select_n3A, %sub3A_56 : i32
    %dma_start3A_58 = arith.constant 0 : i32
    %dma_start3A_59 = arith.constant 0 : i32
    %dma_start3A_60 = tpu.memref_slice %arg9[%dma_start3A_58, %dma_start3A_59] : memref<80x128xi32, #tpu.memory_space<vmem>> -> memref<1x128xi32, #tpu.memory_space<vmem>>
    %dma_start3A_61 = tpu.memref_squeeze %dma_start3A_60 : memref<1x128xi32, #tpu.memory_space<vmem>> -> memref<128xi32, #tpu.memory_space<vmem>>
    %dma_start3A_62 = arith.constant 0 : i32
    %dma_start3A_63 = arith.constant 0 : i32
    %dma_start3A_64 = tpu.memref_slice %arg2[%dma_start3A_62, %dma_start3A_63] : memref<10000x128xf32, #tpu.memory_space<hbm>> -> memref<10000x128xf32, #tpu.memory_space<hbm>>
    tpu.enqueue_indirect_dma source(%dma_start3A_64 : memref<10000x128xf32, #tpu.memory_space<hbm>>) target(%arg10 : memref<128x128xf32, #tpu.memory_space<vmem>>) offsets(%dma_start3A_61 : memref<128xi32, #tpu.memory_space<vmem>>) semaphore(%arg12 : memref<!tpu.dma_semaphore, #tpu.memory_space<semaphore_mem>>)
    %jit3A_65 = arith.constant 2 : i32
    %div3A = arith.divsi %sub3A_57, %jit3A_65 : i32
    %sign3A = arith.constant 0 : i32
    %sign3A_66 = arith.cmpi sgt, %sub3A_57, %sign3A : i32
    %sign3A_67 = arith.extui %sign3A_66 : i1 to i32
    %sign3A_68 = arith.constant 0 : i32
    %sign3A_69 = arith.cmpi slt, %sub3A_57, %sign3A_68 : i32
    %sign3A_70 = arith.extui %sign3A_69 : i1 to i32
    %sign3A_71 = arith.subi %sign3A_67, %sign3A_70 : i32
    %sign3A_72 = arith.constant 0 : i32
    %sign3A_73 = arith.cmpi sgt, %jit3A_65, %sign3A_72 : i32
    %sign3A_74 = arith.extui %sign3A_73 : i1 to i32
    %sign3A_75 = arith.constant 0 : i32
    %sign3A_76 = arith.cmpi slt, %jit3A_65, %sign3A_75 : i32
    %sign3A_77 = arith.extui %sign3A_76 : i1 to i32
    %sign3A_78 = arith.subi %sign3A_74, %sign3A_77 : i32
    %ne3A = arith.cmpi ne, %sign3A_71, %sign3A_78 : i32
    %rem3A = arith.remsi %sub3A_57, %jit3A_65 : i32
    %ne3A_79 = arith.constant 0 : i32
    %ne3A_80 = arith.cmpi ne, %rem3A, %ne3A_79 : i32
    %and3A = arith.andi %ne3A, %ne3A_80 : i1
    %sub3A_81 = arith.constant 1 : i32
    %sub3A_82 = arith.subi %div3A, %sub3A_81 : i32
    %select_n3A_83 = arith.select %and3A, %sub3A_82, %div3A : i32
    %while3A = arith.constant 0 : i32
    %while3A_84 = arith.constant 0 : i32
    %while3A_85 = arith.subi %select_n3A_83, %while3A_84 : i32
    %while3A_86 = arith.addi %while3A_84, %while3A_85 : i32
    %while3A_87 = arith.constant 1 : i32
    %while3A_88 = arith.divsi %while3A_85, %while3A_87 : i32
    %while3A_89 = arith.muli %while3A_88, %while3A_87 : i32
    %while3A_90 = arith.addi %while3A_84, %while3A_89 : i32
    %while3A_91 = arith.constant 1 : i32
    scf.for %while3A_169 = %while3A_84 to %while3A_90 step %while3A_91  : i32 {
      %mul3A_170 = arith.constant 2 : i32
      %mul3A_171 = arith.muli %mul3A_170, %while3A_169 : i32
      %add3A_172 = arith.constant 0 : i32
      %add3A_173 = arith.addi %mul3A_171, %add3A_172 : i32
      %ge3A = arith.constant 1 : i32
      %ge3A_174 = arith.cmpi sge, %add3A_173, %ge3A : i32
      %convert_element_type3A_175 = arith.extui %ge3A_174 : i1 to i32
      %cond3A_176 = arith.constant 0 : i32
      %cond3A_177 = arith.cmpi ne, %convert_element_type3A_175, %cond3A_176 : i32
      scf.if %cond3A_177 {
        %sub3A_235 = arith.constant 1 : i32
        %sub3A_236 = arith.subi %add3A_173, %sub3A_235 : i32
        %mul3A_237 = arith.constant 2 : i32
        %mul3A_238 = arith.muli %mul3A_237, %sub3A_236 : i32
        %add3A_239 = arith.constant 1 : i32
        %add3A_240 = arith.addi %mul3A_238, %add3A_239 : i32
        %dma_wait3A_241 = arith.constant 0 : i32
        %dma_wait3A_242 = tpu.memref_slice %arg9[%add3A_240, %dma_wait3A_241] : memref<80x128xi32, #tpu.memory_space<vmem>> -> memref<1x128xi32, #tpu.memory_space<vmem>>
        %dma_wait3A_243 = tpu.memref_squeeze %dma_wait3A_242 : memref<1x128xi32, #tpu.memory_space<vmem>> -> memref<128xi32, #tpu.memory_space<vmem>>
        %dma_wait3A_244 = arith.constant 0 : i32
        %dma_wait3A_245 = arith.constant 0 : i32
        %dma_wait3A_246 = tpu.memref_slice %arg7[%dma_wait3A_244, %dma_wait3A_245] : memref<10000x128xf32, #tpu.memory_space<vmem_shared>> -> memref<10000x128xf32, #tpu.memory_space<vmem_shared>>
        tpu.wait_indirect_dma semaphore(%arg15 : memref<!tpu.dma_semaphore, #tpu.memory_space<semaphore_mem>>) src(%arg11 : memref<128x128xf32, #tpu.memory_space<vmem>>) dst(%dma_wait3A_246 : memref<10000x128xf32, #tpu.memory_space<vmem_shared>>)
      } else {
      }
      %add3A_178 = arith.constant 1 : i32
      %add3A_179 = arith.addi %add3A_173, %add3A_178 : i32
      %lt3A_180 = arith.cmpi slt, %add3A_179, %sub3A_57 : i32
      %convert_element_type3A_181 = arith.extui %lt3A_180 : i1 to i32
      %cond3A_182 = arith.constant 0 : i32
      %cond3A_183 = arith.cmpi ne, %convert_element_type3A_181, %cond3A_182 : i32
      scf.if %cond3A_183 {
        %add3A_235 = arith.constant 1 : i32
        %add3A_236 = arith.addi %add3A_173, %add3A_235 : i32
        %mul3A_237 = arith.constant 2 : i32
        %mul3A_238 = arith.muli %mul3A_237, %add3A_236 : i32
        %dma_start3A_239 = arith.constant 0 : i32
        %dma_start3A_240 = tpu.memref_slice %arg9[%mul3A_238, %dma_start3A_239] : memref<80x128xi32, #tpu.memory_space<vmem>> -> memref<1x128xi32, #tpu.memory_space<vmem>>
        %dma_start3A_241 = tpu.memref_squeeze %dma_start3A_240 : memref<1x128xi32, #tpu.memory_space<vmem>> -> memref<128xi32, #tpu.memory_space<vmem>>
        %dma_start3A_242 = arith.constant 0 : i32
        %dma_start3A_243 = arith.constant 0 : i32
        %dma_start3A_244 = tpu.memref_slice %arg2[%dma_start3A_242, %dma_start3A_243] : memref<10000x128xf32, #tpu.memory_space<hbm>> -> memref<10000x128xf32, #tpu.memory_space<hbm>>
        tpu.enqueue_indirect_dma source(%dma_start3A_244 : memref<10000x128xf32, #tpu.memory_space<hbm>>) target(%arg11 : memref<128x128xf32, #tpu.memory_space<vmem>>) offsets(%dma_start3A_241 : memref<128xi32, #tpu.memory_space<vmem>>) semaphore(%arg13 : memref<!tpu.dma_semaphore, #tpu.memory_space<semaphore_mem>>)
      } else {
      }
      %mul3A_184 = arith.constant 2 : i32
      %mul3A_185 = arith.muli %mul3A_184, %add3A_173 : i32
      %dma_wait3A_186 = arith.constant 0 : i32
      %dma_wait3A_187 = tpu.memref_slice %arg9[%mul3A_185, %dma_wait3A_186] : memref<80x128xi32, #tpu.memory_space<vmem>> -> memref<1x128xi32, #tpu.memory_space<vmem>>
      %dma_wait3A_188 = tpu.memref_squeeze %dma_wait3A_187 : memref<1x128xi32, #tpu.memory_space<vmem>> -> memref<128xi32, #tpu.memory_space<vmem>>
      %dma_wait3A_189 = arith.constant 0 : i32
      %dma_wait3A_190 = arith.constant 0 : i32
      %dma_wait3A_191 = tpu.memref_slice %arg2[%dma_wait3A_189, %dma_wait3A_190] : memref<10000x128xf32, #tpu.memory_space<hbm>> -> memref<10000x128xf32, #tpu.memory_space<hbm>>
      tpu.wait_indirect_dma semaphore(%arg12 : memref<!tpu.dma_semaphore, #tpu.memory_space<semaphore_mem>>) src(%dma_wait3A_191 : memref<10000x128xf32, #tpu.memory_space<hbm>>) dst(%arg10 : memref<128x128xf32, #tpu.memory_space<vmem>>)
      %mul3A_192 = arith.constant 2 : i32
      %mul3A_193 = arith.muli %mul3A_192, %add3A_173 : i32
      %add3A_194 = arith.constant 1 : i32
      %add3A_195 = arith.addi %mul3A_193, %add3A_194 : i32
      %dma_start3A_196 = arith.constant 0 : i32
      %dma_start3A_197 = tpu.memref_slice %arg9[%add3A_195, %dma_start3A_196] : memref<80x128xi32, #tpu.memory_space<vmem>> -> memref<1x128xi32, #tpu.memory_space<vmem>>
      %dma_start3A_198 = tpu.memref_squeeze %dma_start3A_197 : memref<1x128xi32, #tpu.memory_space<vmem>> -> memref<128xi32, #tpu.memory_space<vmem>>
      %dma_start3A_199 = arith.constant 0 : i32
      %dma_start3A_200 = arith.constant 0 : i32
      %dma_start3A_201 = tpu.memref_slice %arg7[%dma_start3A_199, %dma_start3A_200] : memref<10000x128xf32, #tpu.memory_space<vmem_shared>> -> memref<10000x128xf32, #tpu.memory_space<vmem_shared>>
      tpu.enqueue_indirect_dma source(%arg10 : memref<128x128xf32, #tpu.memory_space<vmem>>) target(%dma_start3A_201 : memref<10000x128xf32, #tpu.memory_space<vmem_shared>>) offsets(%dma_start3A_198 : memref<128xi32, #tpu.memory_space<vmem>>) semaphore(%arg14 : memref<!tpu.dma_semaphore, #tpu.memory_space<semaphore_mem>>) {add = true}
      %mul3A_202 = arith.constant 2 : i32
      %mul3A_203 = arith.muli %mul3A_202, %while3A_169 : i32
      %add3A_204 = arith.constant 1 : i32
      %add3A_205 = arith.addi %mul3A_203, %add3A_204 : i32
      %ge3A_206 = arith.constant 1 : i32
      %ge3A_207 = arith.cmpi sge, %add3A_205, %ge3A_206 : i32
      %convert_element_type3A_208 = arith.extui %ge3A_207 : i1 to i32
      %cond3A_209 = arith.constant 0 : i32
      %cond3A_210 = arith.cmpi ne, %convert_element_type3A_208, %cond3A_209 : i32
      scf.if %cond3A_210 {
        %sub3A_235 = arith.constant 1 : i32
        %sub3A_236 = arith.subi %add3A_205, %sub3A_235 : i32
        %mul3A_237 = arith.constant 2 : i32
        %mul3A_238 = arith.muli %mul3A_237, %sub3A_236 : i32
        %add3A_239 = arith.constant 1 : i32
        %add3A_240 = arith.addi %mul3A_238, %add3A_239 : i32
        %dma_wait3A_241 = arith.constant 0 : i32
        %dma_wait3A_242 = tpu.memref_slice %arg9[%add3A_240, %dma_wait3A_241] : memref<80x128xi32, #tpu.memory_space<vmem>> -> memref<1x128xi32, #tpu.memory_space<vmem>>
        %dma_wait3A_243 = tpu.memref_squeeze %dma_wait3A_242 : memref<1x128xi32, #tpu.memory_space<vmem>> -> memref<128xi32, #tpu.memory_space<vmem>>
        %dma_wait3A_244 = arith.constant 0 : i32
        %dma_wait3A_245 = arith.constant 0 : i32
        %dma_wait3A_246 = tpu.memref_slice %arg7[%dma_wait3A_244, %dma_wait3A_245] : memref<10000x128xf32, #tpu.memory_space<vmem_shared>> -> memref<10000x128xf32, #tpu.memory_space<vmem_shared>>
        tpu.wait_indirect_dma semaphore(%arg14 : memref<!tpu.dma_semaphore, #tpu.memory_space<semaphore_mem>>) src(%arg10 : memref<128x128xf32, #tpu.memory_space<vmem>>) dst(%dma_wait3A_246 : memref<10000x128xf32, #tpu.memory_space<vmem_shared>>)
      } else {
      }
      %add3A_211 = arith.constant 1 : i32
      %add3A_212 = arith.addi %add3A_205, %add3A_211 : i32
      %lt3A_213 = arith.cmpi slt, %add3A_212, %sub3A_57 : i32
      %convert_element_type3A_214 = arith.extui %lt3A_213 : i1 to i32
      %cond3A_215 = arith.constant 0 : i32
      %cond3A_216 = arith.cmpi ne, %convert_element_type3A_214, %cond3A_215 : i32
      scf.if %cond3A_216 {
        %add3A_235 = arith.constant 1 : i32
        %add3A_236 = arith.addi %add3A_205, %add3A_235 : i32
        %mul3A_237 = arith.constant 2 : i32
        %mul3A_238 = arith.muli %mul3A_237, %add3A_236 : i32
        %dma_start3A_239 = arith.constant 0 : i32
        %dma_start3A_240 = tpu.memref_slice %arg9[%mul3A_238, %dma_start3A_239] : memref<80x128xi32, #tpu.memory_space<vmem>> -> memref<1x128xi32, #tpu.memory_space<vmem>>
        %dma_start3A_241 = tpu.memref_squeeze %dma_start3A_240 : memref<1x128xi32, #tpu.memory_space<vmem>> -> memref<128xi32, #tpu.memory_space<vmem>>
        %dma_start3A_242 = arith.constant 0 : i32
        %dma_start3A_243 = arith.constant 0 : i32
        %dma_start3A_244 = tpu.memref_slice %arg2[%dma_start3A_242, %dma_start3A_243] : memref<10000x128xf32, #tpu.memory_space<hbm>> -> memref<10000x128xf32, #tpu.memory_space<hbm>>
        tpu.enqueue_indirect_dma source(%dma_start3A_244 : memref<10000x128xf32, #tpu.memory_space<hbm>>) target(%arg10 : memref<128x128xf32, #tpu.memory_space<vmem>>) offsets(%dma_start3A_241 : memref<128xi32, #tpu.memory_space<vmem>>) semaphore(%arg12 : memref<!tpu.dma_semaphore, #tpu.memory_space<semaphore_mem>>)
      } else {
      }
      %mul3A_217 = arith.constant 2 : i32
      %mul3A_218 = arith.muli %mul3A_217, %add3A_205 : i32
      %dma_wait3A_219 = arith.constant 0 : i32
      %dma_wait3A_220 = tpu.memref_slice %arg9[%mul3A_218, %dma_wait3A_219] : memref<80x128xi32, #tpu.memory_space<vmem>> -> memref<1x128xi32, #tpu.memory_space<vmem>>
      %dma_wait3A_221 = tpu.memref_squeeze %dma_wait3A_220 : memref<1x128xi32, #tpu.memory_space<vmem>> -> memref<128xi32, #tpu.memory_space<vmem>>
      %dma_wait3A_222 = arith.constant 0 : i32
      %dma_wait3A_223 = arith.constant 0 : i32
      %dma_wait3A_224 = tpu.memref_slice %arg2[%dma_wait3A_222, %dma_wait3A_223] : memref<10000x128xf32, #tpu.memory_space<hbm>> -> memref<10000x128xf32, #tpu.memory_space<hbm>>
      tpu.wait_indirect_dma semaphore(%arg13 : memref<!tpu.dma_semaphore, #tpu.memory_space<semaphore_mem>>) src(%dma_wait3A_224 : memref<10000x128xf32, #tpu.memory_space<hbm>>) dst(%arg11 : memref<128x128xf32, #tpu.memory_space<vmem>>)
      %mul3A_225 = arith.constant 2 : i32
      %mul3A_226 = arith.muli %mul3A_225, %add3A_205 : i32
      %add3A_227 = arith.constant 1 : i32
      %add3A_228 = arith.addi %mul3A_226, %add3A_227 : i32
      %dma_start3A_229 = arith.constant 0 : i32
      %dma_start3A_230 = tpu.memref_slice %arg9[%add3A_228, %dma_start3A_229] : memref<80x128xi32, #tpu.memory_space<vmem>> -> memref<1x128xi32, #tpu.memory_space<vmem>>
      %dma_start3A_231 = tpu.memref_squeeze %dma_start3A_230 : memref<1x128xi32, #tpu.memory_space<vmem>> -> memref<128xi32, #tpu.memory_space<vmem>>
      %dma_start3A_232 = arith.constant 0 : i32
      %dma_start3A_233 = arith.constant 0 : i32
      %dma_start3A_234 = tpu.memref_slice %arg7[%dma_start3A_232, %dma_start3A_233] : memref<10000x128xf32, #tpu.memory_space<vmem_shared>> -> memref<10000x128xf32, #tpu.memory_space<vmem_shared>>
      tpu.enqueue_indirect_dma source(%arg11 : memref<128x128xf32, #tpu.memory_space<vmem>>) target(%dma_start3A_234 : memref<10000x128xf32, #tpu.memory_space<vmem_shared>>) offsets(%dma_start3A_231 : memref<128xi32, #tpu.memory_space<vmem>>) semaphore(%arg15 : memref<!tpu.dma_semaphore, #tpu.memory_space<semaphore_mem>>) {add = true}
    }
    %while3A_92 = arith.constant 1 : i32
    scf.for %while3A_169 = %while3A_90 to %while3A_86 step %while3A_92  : i32 {
      %mul3A_170 = arith.constant 2 : i32
      %mul3A_171 = arith.muli %mul3A_170, %while3A_169 : i32
      %add3A_172 = arith.constant 0 : i32
      %add3A_173 = arith.addi %mul3A_171, %add3A_172 : i32
      %ge3A = arith.constant 1 : i32
      %ge3A_174 = arith.cmpi sge, %add3A_173, %ge3A : i32
      %convert_element_type3A_175 = arith.extui %ge3A_174 : i1 to i32
      %cond3A_176 = arith.constant 0 : i32
      %cond3A_177 = arith.cmpi ne, %convert_element_type3A_175, %cond3A_176 : i32
      scf.if %cond3A_177 {
        %sub3A_235 = arith.constant 1 : i32
        %sub3A_236 = arith.subi %add3A_173, %sub3A_235 : i32
        %mul3A_237 = arith.constant 2 : i32
        %mul3A_238 = arith.muli %mul3A_237, %sub3A_236 : i32
        %add3A_239 = arith.constant 1 : i32
        %add3A_240 = arith.addi %mul3A_238, %add3A_239 : i32
        %dma_wait3A_241 = arith.constant 0 : i32
        %dma_wait3A_242 = tpu.memref_slice %arg9[%add3A_240, %dma_wait3A_241] : memref<80x128xi32, #tpu.memory_space<vmem>> -> memref<1x128xi32, #tpu.memory_space<vmem>>
        %dma_wait3A_243 = tpu.memref_squeeze %dma_wait3A_242 : memref<1x128xi32, #tpu.memory_space<vmem>> -> memref<128xi32, #tpu.memory_space<vmem>>
        %dma_wait3A_244 = arith.constant 0 : i32
        %dma_wait3A_245 = arith.constant 0 : i32
        %dma_wait3A_246 = tpu.memref_slice %arg7[%dma_wait3A_244, %dma_wait3A_245] : memref<10000x128xf32, #tpu.memory_space<vmem_shared>> -> memref<10000x128xf32, #tpu.memory_space<vmem_shared>>
        tpu.wait_indirect_dma semaphore(%arg15 : memref<!tpu.dma_semaphore, #tpu.memory_space<semaphore_mem>>) src(%arg11 : memref<128x128xf32, #tpu.memory_space<vmem>>) dst(%dma_wait3A_246 : memref<10000x128xf32, #tpu.memory_space<vmem_shared>>)
      } else {
      }
      %add3A_178 = arith.constant 1 : i32
      %add3A_179 = arith.addi %add3A_173, %add3A_178 : i32
      %lt3A_180 = arith.cmpi slt, %add3A_179, %sub3A_57 : i32
      %convert_element_type3A_181 = arith.extui %lt3A_180 : i1 to i32
      %cond3A_182 = arith.constant 0 : i32
      %cond3A_183 = arith.cmpi ne, %convert_element_type3A_181, %cond3A_182 : i32
      scf.if %cond3A_183 {
        %add3A_235 = arith.constant 1 : i32
        %add3A_236 = arith.addi %add3A_173, %add3A_235 : i32
        %mul3A_237 = arith.constant 2 : i32
        %mul3A_238 = arith.muli %mul3A_237, %add3A_236 : i32
        %dma_start3A_239 = arith.constant 0 : i32
        %dma_start3A_240 = tpu.memref_slice %arg9[%mul3A_238, %dma_start3A_239] : memref<80x128xi32, #tpu.memory_space<vmem>> -> memref<1x128xi32, #tpu.memory_space<vmem>>
        %dma_start3A_241 = tpu.memref_squeeze %dma_start3A_240 : memref<1x128xi32, #tpu.memory_space<vmem>> -> memref<128xi32, #tpu.memory_space<vmem>>
        %dma_start3A_242 = arith.constant 0 : i32
        %dma_start3A_243 = arith.constant 0 : i32
        %dma_start3A_244 = tpu.memref_slice %arg2[%dma_start3A_242, %dma_start3A_243] : memref<10000x128xf32, #tpu.memory_space<hbm>> -> memref<10000x128xf32, #tpu.memory_space<hbm>>
        tpu.enqueue_indirect_dma source(%dma_start3A_244 : memref<10000x128xf32, #tpu.memory_space<hbm>>) target(%arg11 : memref<128x128xf32, #tpu.memory_space<vmem>>) offsets(%dma_start3A_241 : memref<128xi32, #tpu.memory_space<vmem>>) semaphore(%arg13 : memref<!tpu.dma_semaphore, #tpu.memory_space<semaphore_mem>>)
      } else {
      }
      %mul3A_184 = arith.constant 2 : i32
      %mul3A_185 = arith.muli %mul3A_184, %add3A_173 : i32
      %dma_wait3A_186 = arith.constant 0 : i32
      %dma_wait3A_187 = tpu.memref_slice %arg9[%mul3A_185, %dma_wait3A_186] : memref<80x128xi32, #tpu.memory_space<vmem>> -> memref<1x128xi32, #tpu.memory_space<vmem>>
      %dma_wait3A_188 = tpu.memref_squeeze %dma_wait3A_187 : memref<1x128xi32, #tpu.memory_space<vmem>> -> memref<128xi32, #tpu.memory_space<vmem>>
      %dma_wait3A_189 = arith.constant 0 : i32
      %dma_wait3A_190 = arith.constant 0 : i32
      %dma_wait3A_191 = tpu.memref_slice %arg2[%dma_wait3A_189, %dma_wait3A_190] : memref<10000x128xf32, #tpu.memory_space<hbm>> -> memref<10000x128xf32, #tpu.memory_space<hbm>>
      tpu.wait_indirect_dma semaphore(%arg12 : memref<!tpu.dma_semaphore, #tpu.memory_space<semaphore_mem>>) src(%dma_wait3A_191 : memref<10000x128xf32, #tpu.memory_space<hbm>>) dst(%arg10 : memref<128x128xf32, #tpu.memory_space<vmem>>)
      %mul3A_192 = arith.constant 2 : i32
      %mul3A_193 = arith.muli %mul3A_192, %add3A_173 : i32
      %add3A_194 = arith.constant 1 : i32
      %add3A_195 = arith.addi %mul3A_193, %add3A_194 : i32
      %dma_start3A_196 = arith.constant 0 : i32
      %dma_start3A_197 = tpu.memref_slice %arg9[%add3A_195, %dma_start3A_196] : memref<80x128xi32, #tpu.memory_space<vmem>> -> memref<1x128xi32, #tpu.memory_space<vmem>>
      %dma_start3A_198 = tpu.memref_squeeze %dma_start3A_197 : memref<1x128xi32, #tpu.memory_space<vmem>> -> memref<128xi32, #tpu.memory_space<vmem>>
      %dma_start3A_199 = arith.constant 0 : i32
      %dma_start3A_200 = arith.constant 0 : i32
      %dma_start3A_201 = tpu.memref_slice %arg7[%dma_start3A_199, %dma_start3A_200] : memref<10000x128xf32, #tpu.memory_space<vmem_shared>> -> memref<10000x128xf32, #tpu.memory_space<vmem_shared>>
      tpu.enqueue_indirect_dma source(%arg10 : memref<128x128xf32, #tpu.memory_space<vmem>>) target(%dma_start3A_201 : memref<10000x128xf32, #tpu.memory_space<vmem_shared>>) offsets(%dma_start3A_198 : memref<128xi32, #tpu.memory_space<vmem>>) semaphore(%arg14 : memref<!tpu.dma_semaphore, #tpu.memory_space<semaphore_mem>>) {add = true}
      %mul3A_202 = arith.constant 2 : i32
      %mul3A_203 = arith.muli %mul3A_202, %while3A_169 : i32
      %add3A_204 = arith.constant 1 : i32
      %add3A_205 = arith.addi %mul3A_203, %add3A_204 : i32
      %ge3A_206 = arith.constant 1 : i32
      %ge3A_207 = arith.cmpi sge, %add3A_205, %ge3A_206 : i32
      %convert_element_type3A_208 = arith.extui %ge3A_207 : i1 to i32
      %cond3A_209 = arith.constant 0 : i32
      %cond3A_210 = arith.cmpi ne, %convert_element_type3A_208, %cond3A_209 : i32
      scf.if %cond3A_210 {
        %sub3A_235 = arith.constant 1 : i32
        %sub3A_236 = arith.subi %add3A_205, %sub3A_235 : i32
        %mul3A_237 = arith.constant 2 : i32
        %mul3A_238 = arith.muli %mul3A_237, %sub3A_236 : i32
        %add3A_239 = arith.constant 1 : i32
        %add3A_240 = arith.addi %mul3A_238, %add3A_239 : i32
        %dma_wait3A_241 = arith.constant 0 : i32
        %dma_wait3A_242 = tpu.memref_slice %arg9[%add3A_240, %dma_wait3A_241] : memref<80x128xi32, #tpu.memory_space<vmem>> -> memref<1x128xi32, #tpu.memory_space<vmem>>
        %dma_wait3A_243 = tpu.memref_squeeze %dma_wait3A_242 : memref<1x128xi32, #tpu.memory_space<vmem>> -> memref<128xi32, #tpu.memory_space<vmem>>
        %dma_wait3A_244 = arith.constant 0 : i32
        %dma_wait3A_245 = arith.constant 0 : i32
        %dma_wait3A_246 = tpu.memref_slice %arg7[%dma_wait3A_244, %dma_wait3A_245] : memref<10000x128xf32, #tpu.memory_space<vmem_shared>> -> memref<10000x128xf32, #tpu.memory_space<vmem_shared>>
        tpu.wait_indirect_dma semaphore(%arg14 : memref<!tpu.dma_semaphore, #tpu.memory_space<semaphore_mem>>) src(%arg10 : memref<128x128xf32, #tpu.memory_space<vmem>>) dst(%dma_wait3A_246 : memref<10000x128xf32, #tpu.memory_space<vmem_shared>>)
      } else {
      }
      %add3A_211 = arith.constant 1 : i32
      %add3A_212 = arith.addi %add3A_205, %add3A_211 : i32
      %lt3A_213 = arith.cmpi slt, %add3A_212, %sub3A_57 : i32
      %convert_element_type3A_214 = arith.extui %lt3A_213 : i1 to i32
      %cond3A_215 = arith.constant 0 : i32
      %cond3A_216 = arith.cmpi ne, %convert_element_type3A_214, %cond3A_215 : i32
      scf.if %cond3A_216 {
        %add3A_235 = arith.constant 1 : i32
        %add3A_236 = arith.addi %add3A_205, %add3A_235 : i32
        %mul3A_237 = arith.constant 2 : i32
        %mul3A_238 = arith.muli %mul3A_237, %add3A_236 : i32
        %dma_start3A_239 = arith.constant 0 : i32
        %dma_start3A_240 = tpu.memref_slice %arg9[%mul3A_238, %dma_start3A_239] : memref<80x128xi32, #tpu.memory_space<vmem>> -> memref<1x128xi32, #tpu.memory_space<vmem>>
        %dma_start3A_241 = tpu.memref_squeeze %dma_start3A_240 : memref<1x128xi32, #tpu.memory_space<vmem>> -> memref<128xi32, #tpu.memory_space<vmem>>
        %dma_start3A_242 = arith.constant 0 : i32
        %dma_start3A_243 = arith.constant 0 : i32
        %dma_start3A_244 = tpu.memref_slice %arg2[%dma_start3A_242, %dma_start3A_243] : memref<10000x128xf32, #tpu.memory_space<hbm>> -> memref<10000x128xf32, #tpu.memory_space<hbm>>
        tpu.enqueue_indirect_dma source(%dma_start3A_244 : memref<10000x128xf32, #tpu.memory_space<hbm>>) target(%arg10 : memref<128x128xf32, #tpu.memory_space<vmem>>) offsets(%dma_start3A_241 : memref<128xi32, #tpu.memory_space<vmem>>) semaphore(%arg12 : memref<!tpu.dma_semaphore, #tpu.memory_space<semaphore_mem>>)
      } else {
      }
      %mul3A_217 = arith.constant 2 : i32
      %mul3A_218 = arith.muli %mul3A_217, %add3A_205 : i32
      %dma_wait3A_219 = arith.constant 0 : i32
      %dma_wait3A_220 = tpu.memref_slice %arg9[%mul3A_218, %dma_wait3A_219] : memref<80x128xi32, #tpu.memory_space<vmem>> -> memref<1x128xi32, #tpu.memory_space<vmem>>
      %dma_wait3A_221 = tpu.memref_squeeze %dma_wait3A_220 : memref<1x128xi32, #tpu.memory_space<vmem>> -> memref<128xi32, #tpu.memory_space<vmem>>
      %dma_wait3A_222 = arith.constant 0 : i32
      %dma_wait3A_223 = arith.constant 0 : i32
      %dma_wait3A_224 = tpu.memref_slice %arg2[%dma_wait3A_222, %dma_wait3A_223] : memref<10000x128xf32, #tpu.memory_space<hbm>> -> memref<10000x128xf32, #tpu.memory_space<hbm>>
      tpu.wait_indirect_dma semaphore(%arg13 : memref<!tpu.dma_semaphore, #tpu.memory_space<semaphore_mem>>) src(%dma_wait3A_224 : memref<10000x128xf32, #tpu.memory_space<hbm>>) dst(%arg11 : memref<128x128xf32, #tpu.memory_space<vmem>>)
      %mul3A_225 = arith.constant 2 : i32
      %mul3A_226 = arith.muli %mul3A_225, %add3A_205 : i32
      %add3A_227 = arith.constant 1 : i32
      %add3A_228 = arith.addi %mul3A_226, %add3A_227 : i32
      %dma_start3A_229 = arith.constant 0 : i32
      %dma_start3A_230 = tpu.memref_slice %arg9[%add3A_228, %dma_start3A_229] : memref<80x128xi32, #tpu.memory_space<vmem>> -> memref<1x128xi32, #tpu.memory_space<vmem>>
      %dma_start3A_231 = tpu.memref_squeeze %dma_start3A_230 : memref<1x128xi32, #tpu.memory_space<vmem>> -> memref<128xi32, #tpu.memory_space<vmem>>
      %dma_start3A_232 = arith.constant 0 : i32
      %dma_start3A_233 = arith.constant 0 : i32
      %dma_start3A_234 = tpu.memref_slice %arg7[%dma_start3A_232, %dma_start3A_233] : memref<10000x128xf32, #tpu.memory_space<vmem_shared>> -> memref<10000x128xf32, #tpu.memory_space<vmem_shared>>
      tpu.enqueue_indirect_dma source(%arg11 : memref<128x128xf32, #tpu.memory_space<vmem>>) target(%dma_start3A_234 : memref<10000x128xf32, #tpu.memory_space<vmem_shared>>) offsets(%dma_start3A_231 : memref<128xi32, #tpu.memory_space<vmem>>) semaphore(%arg15 : memref<!tpu.dma_semaphore, #tpu.memory_space<semaphore_mem>>) {add = true}
    }
    %sub3A_93 = arith.constant 1 : i32
    %sub3A_94 = arith.subi %sub3A_57, %sub3A_93 : i32
    %mul3A_95 = arith.constant 2 : i32
    %mul3A_96 = arith.muli %mul3A_95, %sub3A_94 : i32
    %add3A_97 = arith.constant 1 : i32
    %add3A_98 = arith.addi %mul3A_96, %add3A_97 : i32
    %dma_wait3A_99 = arith.constant 0 : i32
    %dma_wait3A_100 = tpu.memref_slice %arg9[%add3A_98, %dma_wait3A_99] : memref<80x128xi32, #tpu.memory_space<vmem>> -> memref<1x128xi32, #tpu.memory_space<vmem>>
    %dma_wait3A_101 = tpu.memref_squeeze %dma_wait3A_100 : memref<1x128xi32, #tpu.memory_space<vmem>> -> memref<128xi32, #tpu.memory_space<vmem>>
    %dma_wait3A_102 = arith.constant 0 : i32
    %dma_wait3A_103 = arith.constant 0 : i32
    %dma_wait3A_104 = tpu.memref_slice %arg7[%dma_wait3A_102, %dma_wait3A_103] : memref<10000x128xf32, #tpu.memory_space<vmem_shared>> -> memref<10000x128xf32, #tpu.memory_space<vmem_shared>>
    tpu.wait_indirect_dma semaphore(%arg15 : memref<!tpu.dma_semaphore, #tpu.memory_space<semaphore_mem>>) src(%arg11 : memref<128x128xf32, #tpu.memory_space<vmem>>) dst(%dma_wait3A_104 : memref<10000x128xf32, #tpu.memory_space<vmem_shared>>)
    "tpu.region"() ({
      %run_scoped3A = tpu.sem_alloc : memref<!tpu.dma_semaphore, #tpu.memory_space<semaphore_mem>>
      %dma_start3A_169 = arith.constant 0 : i32
      %dma_start3A_170 = arith.constant 0 : i32
      %dma_start3A_171 = tpu.memref_slice %arg10[%dma_start3A_169, %dma_start3A_170] : memref<128x128xf32, #tpu.memory_space<vmem>> -> memref<80x128xf32, #tpu.memory_space<vmem>>
      %dma_start3A_172 = arith.constant 0 : i32
      %dma_start3A_173 = arith.constant 0 : i32
      %dma_start3A_174 = tpu.memref_slice %arg10[%dma_start3A_172, %dma_start3A_173] : memref<128x128xf32, #tpu.memory_space<vmem>> -> memref<80x128xf32, #tpu.memory_space<vmem>>
      tpu.enqueue_dma source(%arg3 : memref<80x128xf32, #tpu.memory_space<hbm>>) target(%dma_start3A_174 : memref<80x128xf32, #tpu.memory_space<vmem>>) target_semaphore(%run_scoped3A : memref<!tpu.dma_semaphore, #tpu.memory_space<semaphore_mem>>)
      %dma_wait3A_175 = arith.constant 0 : i32
      %dma_wait3A_176 = arith.constant 0 : i32
      %dma_wait3A_177 = tpu.memref_slice %arg10[%dma_wait3A_175, %dma_wait3A_176] : memref<128x128xf32, #tpu.memory_space<vmem>> -> memref<80x128xf32, #tpu.memory_space<vmem>>
      %dma_wait3A_178 = arith.constant 0 : i32
      %dma_wait3A_179 = arith.constant 0 : i32
      %dma_wait3A_180 = tpu.memref_slice %arg10[%dma_wait3A_178, %dma_wait3A_179] : memref<128x128xf32, #tpu.memory_space<vmem>> -> memref<80x128xf32, #tpu.memory_space<vmem>>
      tpu.wait_dma2 semaphore(%run_scoped3A : memref<!tpu.dma_semaphore, #tpu.memory_space<semaphore_mem>>) src(%arg3 : memref<80x128xf32, #tpu.memory_space<hbm>>) dst(%dma_wait3A_180 : memref<80x128xf32, #tpu.memory_space<vmem>>)
      tpu.yield
    }) : () -> ()
    %broadcast_in_dim3A_105 = arith.constant 0.000000e+00 : f32
    %broadcast_in_dim3A_106 = vector.broadcast %broadcast_in_dim3A_105 : f32 to vector<16xf32>
    %scan3A_107 = arith.constant 0 : i32
    %scan3A_108 = arith.constant 0 : i32
    %scan3A_109 = arith.constant 640 : i32
    %scan3A_110 = arith.addi %scan3A_108, %scan3A_109 : i32
    %scan3A_111 = arith.constant 1 : i32
    scf.for %scan3A_169 = %scan3A_108 to %scan3A_110 step %scan3A_111  : i32 {
      %shift_right_arithmetic3A = arith.constant 3 : i32
      %shift_right_arithmetic3A_170 = arith.shrsi %scan3A_169, %shift_right_arithmetic3A : i32
      %and3A_171 = arith.constant 7 : i32
      %and3A_172 = arith.andi %scan3A_169, %and3A_171 : i32
      %mul3A_173 = arith.constant 16 : i32
      %mul3A_174 = arith.muli %and3A_172, %mul3A_173 : i32
      %swap3A = arith.index_cast %shift_right_arithmetic3A_170 : i32 to index
      %swap3A_175 = arith.index_cast %mul3A_174 : i32 to index
      %swap3A_176 = tpu.vector_load %arg11[%swap3A, %swap3A_175] {strides = array<i32>} : memref<128x128xf32, #tpu.memory_space<vmem>>, vector<16xf32>,
      tpu.vector_store %arg11[%swap3A, %swap3A_175], %broadcast_in_dim3A_106 {strides = array<i32>} : memref<128x128xf32, #tpu.memory_space<vmem>>, vector<16xf32>,
    }
    %scan3A_112 = arith.constant 640 : i32
    %add3A_113 = arith.constant 0 : i32
    %add3A_114 = arith.addi %sub3A_9, %add3A_113 : i32
    %mul3A_115 = arith.constant 2 : i32
    %mul3A_116 = arith.muli %mul3A_115, %add3A_114 : i32
    "tpu.region"() ({
      %run_scoped3A = tpu.sem_alloc : memref<!tpu.dma_semaphore, #tpu.memory_space<semaphore_mem>>
      %dma_start3A_169 = arith.constant 0 : i32
      %dma_start3A_170 = tpu.memref_slice %arg4[%mul3A_116, %dma_start3A_169] : memref<5080x128xi32, #tpu.memory_space<hbm>> -> memref<80x128xi32, #tpu.memory_space<hbm>>
      %dma_start3A_171 = arith.constant 0 : i32
      %dma_start3A_172 = tpu.memref_slice %arg4[%mul3A_116, %dma_start3A_171] : memref<5080x128xi32, #tpu.memory_space<hbm>> -> memref<80x128xi32, #tpu.memory_space<hbm>>
      tpu.enqueue_dma source(%dma_start3A_172 : memref<80x128xi32, #tpu.memory_space<hbm>>) target(%arg9 : memref<80x128xi32, #tpu.memory_space<vmem>>) target_semaphore(%run_scoped3A : memref<!tpu.dma_semaphore, #tpu.memory_space<semaphore_mem>>)
      %dma_wait3A_173 = arith.constant 0 : i32
      %dma_wait3A_174 = tpu.memref_slice %arg4[%mul3A_116, %dma_wait3A_173] : memref<5080x128xi32, #tpu.memory_space<hbm>> -> memref<80x128xi32, #tpu.memory_space<hbm>>
      %dma_wait3A_175 = arith.constant 0 : i32
      %dma_wait3A_176 = tpu.memref_slice %arg4[%mul3A_116, %dma_wait3A_175] : memref<5080x128xi32, #tpu.memory_space<hbm>> -> memref<80x128xi32, #tpu.memory_space<hbm>>
      tpu.wait_dma2 semaphore(%run_scoped3A : memref<!tpu.dma_semaphore, #tpu.memory_space<semaphore_mem>>) src(%dma_wait3A_176 : memref<80x128xi32, #tpu.memory_space<hbm>>) dst(%arg9 : memref<80x128xi32, #tpu.memory_space<vmem>>)
      tpu.yield
    }) : () -> ()
    %scan3A_117 = arith.constant 0 : i32
    %scan3A_118 = arith.constant 0 : i32
    %scan3A_119 = arith.constant 40 : i32
    %scan3A_120 = arith.addi %scan3A_118, %scan3A_119 : i32
    %scan3A_121 = arith.constant 1 : i32
    scf.for %scan3A_169 = %scan3A_118 to %scan3A_120 step %scan3A_121  : i32 {
      %mul3A_170 = arith.constant 2 : i32
      %mul3A_171 = arith.muli %mul3A_170, %scan3A_169 : i32
      %add3A_172 = arith.constant 1 : i32
      %add3A_173 = arith.addi %mul3A_171, %add3A_172 : i32
      %get3A = arith.index_cast %add3A_173 : i32 to index
      %get3A_174 = arith.constant 0 : index
      %get3A_175 = tpu.vector_load %arg9[%get3A, %get3A_174] {strides = array<i32>} : memref<80x128xi32, #tpu.memory_space<vmem>>, vector<16xi32>,
      %mul3A_176 = arith.constant 2 : i32
      %mul3A_177 = arith.muli %mul3A_176, %scan3A_169 : i32
      %get3A_178 = arith.index_cast %mul3A_177 : i32 to index
      %get3A_179 = arith.constant 0 : index
      %get3A_180 = tpu.vector_load %arg9[%get3A_178, %get3A_179] {strides = array<i32>} : memref<80x128xi32, #tpu.memory_space<vmem>>, vector<16xi32>,
      %shift_right_arithmetic3A = arith.constant 7 : i32
      %shift_right_arithmetic3A_181 = vector.broadcast %shift_right_arithmetic3A : i32 to vector<16xi32>
      %shift_right_arithmetic3A_182 = arith.shrsi %get3A_175, %shift_right_arithmetic3A_181 : vector<16xi32>
      %and3A_183 = arith.constant 127 : i32
      %and3A_184 = vector.broadcast %and3A_183 : i32 to vector<16xi32>
      %and3A_185 = arith.andi %get3A_175, %and3A_184 : vector<16xi32>
      %gather3A = tpu.vector_load_idx %arg10[%shift_right_arithmetic3A_182, %and3A_185] : memref<128x128xf32, #tpu.memory_space<vmem>>[vector<16xi32>, vector<16xi32>], vector<16xf32>,
      %shift_right_arithmetic3A_186 = arith.constant 7 : i32
      %shift_right_arithmetic3A_187 = vector.broadcast %shift_right_arithmetic3A_186 : i32 to vector<16xi32>
      %shift_right_arithmetic3A_188 = arith.shrsi %get3A_180, %shift_right_arithmetic3A_187 : vector<16xi32>
      %and3A_189 = arith.constant 127 : i32
      %and3A_190 = vector.broadcast %and3A_189 : i32 to vector<16xi32>
      %and3A_191 = arith.andi %get3A_180, %and3A_190 : vector<16xi32>
      tpu.vector_store_idx %arg11[%shift_right_arithmetic3A_188, %and3A_191], %gather3A {add = true} : memref<128x128xf32, #tpu.memory_space<vmem>>[vector<16xi32>, vector<16xi32>], vector<16xf32>,
      %mul3A_192 = arith.constant 2 : i32
      %mul3A_193 = arith.muli %mul3A_192, %scan3A_169 : i32
      %add3A_194 = arith.constant 1 : i32
      %add3A_195 = arith.addi %mul3A_193, %add3A_194 : i32
      %get3A_196 = arith.index_cast %add3A_195 : i32 to index
      %get3A_197 = arith.constant 16 : index
      %get3A_198 = tpu.vector_load %arg9[%get3A_196, %get3A_197] {strides = array<i32>} : memref<80x128xi32, #tpu.memory_space<vmem>>, vector<16xi32>,
      %mul3A_199 = arith.constant 2 : i32
      %mul3A_200 = arith.muli %mul3A_199, %scan3A_169 : i32
      %get3A_201 = arith.index_cast %mul3A_200 : i32 to index
      %get3A_202 = arith.constant 16 : index
      %get3A_203 = tpu.vector_load %arg9[%get3A_201, %get3A_202] {strides = array<i32>} : memref<80x128xi32, #tpu.memory_space<vmem>>, vector<16xi32>,
      %shift_right_arithmetic3A_204 = arith.constant 7 : i32
      %shift_right_arithmetic3A_205 = vector.broadcast %shift_right_arithmetic3A_204 : i32 to vector<16xi32>
      %shift_right_arithmetic3A_206 = arith.shrsi %get3A_198, %shift_right_arithmetic3A_205 : vector<16xi32>
      %and3A_207 = arith.constant 127 : i32
      %and3A_208 = vector.broadcast %and3A_207 : i32 to vector<16xi32>
      %and3A_209 = arith.andi %get3A_198, %and3A_208 : vector<16xi32>
      %gather3A_210 = tpu.vector_load_idx %arg10[%shift_right_arithmetic3A_206, %and3A_209] : memref<128x128xf32, #tpu.memory_space<vmem>>[vector<16xi32>, vector<16xi32>], vector<16xf32>,
      %shift_right_arithmetic3A_211 = arith.constant 7 : i32
      %shift_right_arithmetic3A_212 = vector.broadcast %shift_right_arithmetic3A_211 : i32 to vector<16xi32>
      %shift_right_arithmetic3A_213 = arith.shrsi %get3A_203, %shift_right_arithmetic3A_212 : vector<16xi32>
      %and3A_214 = arith.constant 127 : i32
      %and3A_215 = vector.broadcast %and3A_214 : i32 to vector<16xi32>
      %and3A_216 = arith.andi %get3A_203, %and3A_215 : vector<16xi32>
      tpu.vector_store_idx %arg11[%shift_right_arithmetic3A_213, %and3A_216], %gather3A_210 {add = true} : memref<128x128xf32, #tpu.memory_space<vmem>>[vector<16xi32>, vector<16xi32>], vector<16xf32>,
      %mul3A_217 = arith.constant 2 : i32
      %mul3A_218 = arith.muli %mul3A_217, %scan3A_169 : i32
      %add3A_219 = arith.constant 1 : i32
      %add3A_220 = arith.addi %mul3A_218, %add3A_219 : i32
      %get3A_221 = arith.index_cast %add3A_220 : i32 to index
      %get3A_222 = arith.constant 32 : index
      %get3A_223 = tpu.vector_load %arg9[%get3A_221, %get3A_222] {strides = array<i32>} : memref<80x128xi32, #tpu.memory_space<vmem>>, vector<16xi32>,
      %mul3A_224 = arith.constant 2 : i32
      %mul3A_225 = arith.muli %mul3A_224, %scan3A_169 : i32
      %get3A_226 = arith.index_cast %mul3A_225 : i32 to index
      %get3A_227 = arith.constant 32 : index
      %get3A_228 = tpu.vector_load %arg9[%get3A_226, %get3A_227] {strides = array<i32>} : memref<80x128xi32, #tpu.memory_space<vmem>>, vector<16xi32>,
      %shift_right_arithmetic3A_229 = arith.constant 7 : i32
      %shift_right_arithmetic3A_230 = vector.broadcast %shift_right_arithmetic3A_229 : i32 to vector<16xi32>
      %shift_right_arithmetic3A_231 = arith.shrsi %get3A_223, %shift_right_arithmetic3A_230 : vector<16xi32>
      %and3A_232 = arith.constant 127 : i32
      %and3A_233 = vector.broadcast %and3A_232 : i32 to vector<16xi32>
      %and3A_234 = arith.andi %get3A_223, %and3A_233 : vector<16xi32>
      %gather3A_235 = tpu.vector_load_idx %arg10[%shift_right_arithmetic3A_231, %and3A_234] : memref<128x128xf32, #tpu.memory_space<vmem>>[vector<16xi32>, vector<16xi32>], vector<16xf32>,
      %shift_right_arithmetic3A_236 = arith.constant 7 : i32
      %shift_right_arithmetic3A_237 = vector.broadcast %shift_right_arithmetic3A_236 : i32 to vector<16xi32>
      %shift_right_arithmetic3A_238 = arith.shrsi %get3A_228, %shift_right_arithmetic3A_237 : vector<16xi32>
      %and3A_239 = arith.constant 127 : i32
      %and3A_240 = vector.broadcast %and3A_239 : i32 to vector<16xi32>
      %and3A_241 = arith.andi %get3A_228, %and3A_240 : vector<16xi32>
      tpu.vector_store_idx %arg11[%shift_right_arithmetic3A_238, %and3A_241], %gather3A_235 {add = true} : memref<128x128xf32, #tpu.memory_space<vmem>>[vector<16xi32>, vector<16xi32>], vector<16xf32>,
      %mul3A_242 = arith.constant 2 : i32
      %mul3A_243 = arith.muli %mul3A_242, %scan3A_169 : i32
      %add3A_244 = arith.constant 1 : i32
      %add3A_245 = arith.addi %mul3A_243, %add3A_244 : i32
      %get3A_246 = arith.index_cast %add3A_245 : i32 to index
      %get3A_247 = arith.constant 48 : index
      %get3A_248 = tpu.vector_load %arg9[%get3A_246, %get3A_247] {strides = array<i32>} : memref<80x128xi32, #tpu.memory_space<vmem>>, vector<16xi32>,
      %mul3A_249 = arith.constant 2 : i32
      %mul3A_250 = arith.muli %mul3A_249, %scan3A_169 : i32
      %get3A_251 = arith.index_cast %mul3A_250 : i32 to index
      %get3A_252 = arith.constant 48 : index
      %get3A_253 = tpu.vector_load %arg9[%get3A_251, %get3A_252] {strides = array<i32>} : memref<80x128xi32, #tpu.memory_space<vmem>>, vector<16xi32>,
      %shift_right_arithmetic3A_254 = arith.constant 7 : i32
      %shift_right_arithmetic3A_255 = vector.broadcast %shift_right_arithmetic3A_254 : i32 to vector<16xi32>
      %shift_right_arithmetic3A_256 = arith.shrsi %get3A_248, %shift_right_arithmetic3A_255 : vector<16xi32>
      %and3A_257 = arith.constant 127 : i32
      %and3A_258 = vector.broadcast %and3A_257 : i32 to vector<16xi32>
      %and3A_259 = arith.andi %get3A_248, %and3A_258 : vector<16xi32>
      %gather3A_260 = tpu.vector_load_idx %arg10[%shift_right_arithmetic3A_256, %and3A_259] : memref<128x128xf32, #tpu.memory_space<vmem>>[vector<16xi32>, vector<16xi32>], vector<16xf32>,
      %shift_right_arithmetic3A_261 = arith.constant 7 : i32
      %shift_right_arithmetic3A_262 = vector.broadcast %shift_right_arithmetic3A_261 : i32 to vector<16xi32>
      %shift_right_arithmetic3A_263 = arith.shrsi %get3A_253, %shift_right_arithmetic3A_262 : vector<16xi32>
      %and3A_264 = arith.constant 127 : i32
      %and3A_265 = vector.broadcast %and3A_264 : i32 to vector<16xi32>
      %and3A_266 = arith.andi %get3A_253, %and3A_265 : vector<16xi32>
      tpu.vector_store_idx %arg11[%shift_right_arithmetic3A_263, %and3A_266], %gather3A_260 {add = true} : memref<128x128xf32, #tpu.memory_space<vmem>>[vector<16xi32>, vector<16xi32>], vector<16xf32>,
      %mul3A_267 = arith.constant 2 : i32
      %mul3A_268 = arith.muli %mul3A_267, %scan3A_169 : i32
      %add3A_269 = arith.constant 1 : i32
      %add3A_270 = arith.addi %mul3A_268, %add3A_269 : i32
      %get3A_271 = arith.index_cast %add3A_270 : i32 to index
      %get3A_272 = arith.constant 64 : index
      %get3A_273 = tpu.vector_load %arg9[%get3A_271, %get3A_272] {strides = array<i32>} : memref<80x128xi32, #tpu.memory_space<vmem>>, vector<16xi32>,
      %mul3A_274 = arith.constant 2 : i32
      %mul3A_275 = arith.muli %mul3A_274, %scan3A_169 : i32
      %get3A_276 = arith.index_cast %mul3A_275 : i32 to index
      %get3A_277 = arith.constant 64 : index
      %get3A_278 = tpu.vector_load %arg9[%get3A_276, %get3A_277] {strides = array<i32>} : memref<80x128xi32, #tpu.memory_space<vmem>>, vector<16xi32>,
      %shift_right_arithmetic3A_279 = arith.constant 7 : i32
      %shift_right_arithmetic3A_280 = vector.broadcast %shift_right_arithmetic3A_279 : i32 to vector<16xi32>
      %shift_right_arithmetic3A_281 = arith.shrsi %get3A_273, %shift_right_arithmetic3A_280 : vector<16xi32>
      %and3A_282 = arith.constant 127 : i32
      %and3A_283 = vector.broadcast %and3A_282 : i32 to vector<16xi32>
      %and3A_284 = arith.andi %get3A_273, %and3A_283 : vector<16xi32>
      %gather3A_285 = tpu.vector_load_idx %arg10[%shift_right_arithmetic3A_281, %and3A_284] : memref<128x128xf32, #tpu.memory_space<vmem>>[vector<16xi32>, vector<16xi32>], vector<16xf32>,
      %shift_right_arithmetic3A_286 = arith.constant 7 : i32
      %shift_right_arithmetic3A_287 = vector.broadcast %shift_right_arithmetic3A_286 : i32 to vector<16xi32>
      %shift_right_arithmetic3A_288 = arith.shrsi %get3A_278, %shift_right_arithmetic3A_287 : vector<16xi32>
      %and3A_289 = arith.constant 127 : i32
      %and3A_290 = vector.broadcast %and3A_289 : i32 to vector<16xi32>
      %and3A_291 = arith.andi %get3A_278, %and3A_290 : vector<16xi32>
      tpu.vector_store_idx %arg11[%shift_right_arithmetic3A_288, %and3A_291], %gather3A_285 {add = true} : memref<128x128xf32, #tpu.memory_space<vmem>>[vector<16xi32>, vector<16xi32>], vector<16xf32>,
      %mul3A_292 = arith.constant 2 : i32
      %mul3A_293 = arith.muli %mul3A_292, %scan3A_169 : i32
      %add3A_294 = arith.constant 1 : i32
      %add3A_295 = arith.addi %mul3A_293, %add3A_294 : i32
      %get3A_296 = arith.index_cast %add3A_295 : i32 to index
      %get3A_297 = arith.constant 80 : index
      %get3A_298 = tpu.vector_load %arg9[%get3A_296, %get3A_297] {strides = array<i32>} : memref<80x128xi32, #tpu.memory_space<vmem>>, vector<16xi32>,
      %mul3A_299 = arith.constant 2 : i32
      %mul3A_300 = arith.muli %mul3A_299, %scan3A_169 : i32
      %get3A_301 = arith.index_cast %mul3A_300 : i32 to index
      %get3A_302 = arith.constant 80 : index
      %get3A_303 = tpu.vector_load %arg9[%get3A_301, %get3A_302] {strides = array<i32>} : memref<80x128xi32, #tpu.memory_space<vmem>>, vector<16xi32>,
      %shift_right_arithmetic3A_304 = arith.constant 7 : i32
      %shift_right_arithmetic3A_305 = vector.broadcast %shift_right_arithmetic3A_304 : i32 to vector<16xi32>
      %shift_right_arithmetic3A_306 = arith.shrsi %get3A_298, %shift_right_arithmetic3A_305 : vector<16xi32>
      %and3A_307 = arith.constant 127 : i32
      %and3A_308 = vector.broadcast %and3A_307 : i32 to vector<16xi32>
      %and3A_309 = arith.andi %get3A_298, %and3A_308 : vector<16xi32>
      %gather3A_310 = tpu.vector_load_idx %arg10[%shift_right_arithmetic3A_306, %and3A_309] : memref<128x128xf32, #tpu.memory_space<vmem>>[vector<16xi32>, vector<16xi32>], vector<16xf32>,
      %shift_right_arithmetic3A_311 = arith.constant 7 : i32
      %shift_right_arithmetic3A_312 = vector.broadcast %shift_right_arithmetic3A_311 : i32 to vector<16xi32>
      %shift_right_arithmetic3A_313 = arith.shrsi %get3A_303, %shift_right_arithmetic3A_312 : vector<16xi32>
      %and3A_314 = arith.constant 127 : i32
      %and3A_315 = vector.broadcast %and3A_314 : i32 to vector<16xi32>
      %and3A_316 = arith.andi %get3A_303, %and3A_315 : vector<16xi32>
      tpu.vector_store_idx %arg11[%shift_right_arithmetic3A_313, %and3A_316], %gather3A_310 {add = true} : memref<128x128xf32, #tpu.memory_space<vmem>>[vector<16xi32>, vector<16xi32>], vector<16xf32>,
      %mul3A_317 = arith.constant 2 : i32
      %mul3A_318 = arith.muli %mul3A_317, %scan3A_169 : i32
      %add3A_319 = arith.constant 1 : i32
      %add3A_320 = arith.addi %mul3A_318, %add3A_319 : i32
      %get3A_321 = arith.index_cast %add3A_320 : i32 to index
      %get3A_322 = arith.constant 96 : index
      %get3A_323 = tpu.vector_load %arg9[%get3A_321, %get3A_322] {strides = array<i32>} : memref<80x128xi32, #tpu.memory_space<vmem>>, vector<16xi32>,
      %mul3A_324 = arith.constant 2 : i32
      %mul3A_325 = arith.muli %mul3A_324, %scan3A_169 : i32
      %get3A_326 = arith.index_cast %mul3A_325 : i32 to index
      %get3A_327 = arith.constant 96 : index
      %get3A_328 = tpu.vector_load %arg9[%get3A_326, %get3A_327] {strides = array<i32>} : memref<80x128xi32, #tpu.memory_space<vmem>>, vector<16xi32>,
      %shift_right_arithmetic3A_329 = arith.constant 7 : i32
      %shift_right_arithmetic3A_330 = vector.broadcast %shift_right_arithmetic3A_329 : i32 to vector<16xi32>
      %shift_right_arithmetic3A_331 = arith.shrsi %get3A_323, %shift_right_arithmetic3A_330 : vector<16xi32>
      %and3A_332 = arith.constant 127 : i32
      %and3A_333 = vector.broadcast %and3A_332 : i32 to vector<16xi32>
      %and3A_334 = arith.andi %get3A_323, %and3A_333 : vector<16xi32>
      %gather3A_335 = tpu.vector_load_idx %arg10[%shift_right_arithmetic3A_331, %and3A_334] : memref<128x128xf32, #tpu.memory_space<vmem>>[vector<16xi32>, vector<16xi32>], vector<16xf32>,
      %shift_right_arithmetic3A_336 = arith.constant 7 : i32
      %shift_right_arithmetic3A_337 = vector.broadcast %shift_right_arithmetic3A_336 : i32 to vector<16xi32>
      %shift_right_arithmetic3A_338 = arith.shrsi %get3A_328, %shift_right_arithmetic3A_337 : vector<16xi32>
      %and3A_339 = arith.constant 127 : i32
      %and3A_340 = vector.broadcast %and3A_339 : i32 to vector<16xi32>
      %and3A_341 = arith.andi %get3A_328, %and3A_340 : vector<16xi32>
      tpu.vector_store_idx %arg11[%shift_right_arithmetic3A_338, %and3A_341], %gather3A_335 {add = true} : memref<128x128xf32, #tpu.memory_space<vmem>>[vector<16xi32>, vector<16xi32>], vector<16xf32>,
      %mul3A_342 = arith.constant 2 : i32
      %mul3A_343 = arith.muli %mul3A_342, %scan3A_169 : i32
      %add3A_344 = arith.constant 1 : i32
      %add3A_345 = arith.addi %mul3A_343, %add3A_344 : i32
      %get3A_346 = arith.index_cast %add3A_345 : i32 to index
      %get3A_347 = arith.constant 112 : index
      %get3A_348 = tpu.vector_load %arg9[%get3A_346, %get3A_347] {strides = array<i32>} : memref<80x128xi32, #tpu.memory_space<vmem>>, vector<16xi32>,
      %mul3A_349 = arith.constant 2 : i32
      %mul3A_350 = arith.muli %mul3A_349, %scan3A_169 : i32
      %get3A_351 = arith.index_cast %mul3A_350 : i32 to index
      %get3A_352 = arith.constant 112 : index
      %get3A_353 = tpu.vector_load %arg9[%get3A_351, %get3A_352] {strides = array<i32>} : memref<80x128xi32, #tpu.memory_space<vmem>>, vector<16xi32>,
      %shift_right_arithmetic3A_354 = arith.constant 7 : i32
      %shift_right_arithmetic3A_355 = vector.broadcast %shift_right_arithmetic3A_354 : i32 to vector<16xi32>
      %shift_right_arithmetic3A_356 = arith.shrsi %get3A_348, %shift_right_arithmetic3A_355 : vector<16xi32>
      %and3A_357 = arith.constant 127 : i32
      %and3A_358 = vector.broadcast %and3A_357 : i32 to vector<16xi32>
      %and3A_359 = arith.andi %get3A_348, %and3A_358 : vector<16xi32>
      %gather3A_360 = tpu.vector_load_idx %arg10[%shift_right_arithmetic3A_356, %and3A_359] : memref<128x128xf32, #tpu.memory_space<vmem>>[vector<16xi32>, vector<16xi32>], vector<16xf32>,
      %shift_right_arithmetic3A_361 = arith.constant 7 : i32
      %shift_right_arithmetic3A_362 = vector.broadcast %shift_right_arithmetic3A_361 : i32 to vector<16xi32>
      %shift_right_arithmetic3A_363 = arith.shrsi %get3A_353, %shift_right_arithmetic3A_362 : vector<16xi32>
      %and3A_364 = arith.constant 127 : i32
      %and3A_365 = vector.broadcast %and3A_364 : i32 to vector<16xi32>
      %and3A_366 = arith.andi %get3A_353, %and3A_365 : vector<16xi32>
      tpu.vector_store_idx %arg11[%shift_right_arithmetic3A_363, %and3A_366], %gather3A_360 {add = true} : memref<128x128xf32, #tpu.memory_space<vmem>>[vector<16xi32>, vector<16xi32>], vector<16xf32>,
    }
    %scan3A_122 = arith.constant 40 : i32
    %add3A_123 = arith.constant 40 : i32
    %add3A_124 = arith.addi %sub3A_9, %add3A_123 : i32
    %sub3A_125 = arith.constant 40 : i32
    %sub3A_126 = arith.subi %select_n3A, %sub3A_125 : i32
    %mul3A_127 = arith.constant 2 : i32
    %mul3A_128 = arith.muli %mul3A_127, %add3A_124 : i32
    "tpu.region"() ({
      %run_scoped3A = tpu.sem_alloc : memref<!tpu.dma_semaphore, #tpu.memory_space<semaphore_mem>>
      %dma_start3A_169 = arith.constant 0 : i32
      %dma_start3A_170 = tpu.memref_slice %arg4[%mul3A_128, %dma_start3A_169] : memref<5080x128xi32, #tpu.memory_space<hbm>> -> memref<80x128xi32, #tpu.memory_space<hbm>>
      %dma_start3A_171 = arith.constant 0 : i32
      %dma_start3A_172 = tpu.memref_slice %arg4[%mul3A_128, %dma_start3A_171] : memref<5080x128xi32, #tpu.memory_space<hbm>> -> memref<80x128xi32, #tpu.memory_space<hbm>>
      tpu.enqueue_dma source(%dma_start3A_172 : memref<80x128xi32, #tpu.memory_space<hbm>>) target(%arg9 : memref<80x128xi32, #tpu.memory_space<vmem>>) target_semaphore(%run_scoped3A : memref<!tpu.dma_semaphore, #tpu.memory_space<semaphore_mem>>)
      %dma_wait3A_173 = arith.constant 0 : i32
      %dma_wait3A_174 = tpu.memref_slice %arg4[%mul3A_128, %dma_wait3A_173] : memref<5080x128xi32, #tpu.memory_space<hbm>> -> memref<80x128xi32, #tpu.memory_space<hbm>>
      %dma_wait3A_175 = arith.constant 0 : i32
      %dma_wait3A_176 = tpu.memref_slice %arg4[%mul3A_128, %dma_wait3A_175] : memref<5080x128xi32, #tpu.memory_space<hbm>> -> memref<80x128xi32, #tpu.memory_space<hbm>>
      tpu.wait_dma2 semaphore(%run_scoped3A : memref<!tpu.dma_semaphore, #tpu.memory_space<semaphore_mem>>) src(%dma_wait3A_176 : memref<80x128xi32, #tpu.memory_space<hbm>>) dst(%arg9 : memref<80x128xi32, #tpu.memory_space<vmem>>)
      tpu.yield
    }) : () -> ()
    %while3A_129 = arith.constant 0 : i32
    %while3A_130 = arith.constant 0 : i32
    %while3A_131 = arith.subi %sub3A_126, %while3A_130 : i32
    %while3A_132 = arith.addi %while3A_130, %while3A_131 : i32
    %while3A_133 = arith.constant 1 : i32
    %while3A_134 = arith.divsi %while3A_131, %while3A_133 : i32
    %while3A_135 = arith.muli %while3A_134, %while3A_133 : i32
    %while3A_136 = arith.addi %while3A_130, %while3A_135 : i32
    %while3A_137 = arith.constant 1 : i32
    scf.for %while3A_169 = %while3A_130 to %while3A_136 step %while3A_137  : i32 {
      %mul3A_170 = arith.constant 2 : i32
      %mul3A_171 = arith.muli %mul3A_170, %while3A_169 : i32
      %add3A_172 = arith.constant 1 : i32
      %add3A_173 = arith.addi %mul3A_171, %add3A_172 : i32
      %get3A = arith.index_cast %add3A_173 : i32 to index
      %get3A_174 = arith.constant 0 : index
      %get3A_175 = tpu.vector_load %arg9[%get3A, %get3A_174] {strides = array<i32>} : memref<80x128xi32, #tpu.memory_space<vmem>>, vector<16xi32>,
      %mul3A_176 = arith.constant 2 : i32
      %mul3A_177 = arith.muli %mul3A_176, %while3A_169 : i32
      %get3A_178 = arith.index_cast %mul3A_177 : i32 to index
      %get3A_179 = arith.constant 0 : index
      %get3A_180 = tpu.vector_load %arg9[%get3A_178, %get3A_179] {strides = array<i32>} : memref<80x128xi32, #tpu.memory_space<vmem>>, vector<16xi32>,
      %shift_right_arithmetic3A = arith.constant 7 : i32
      %shift_right_arithmetic3A_181 = vector.broadcast %shift_right_arithmetic3A : i32 to vector<16xi32>
      %shift_right_arithmetic3A_182 = arith.shrsi %get3A_175, %shift_right_arithmetic3A_181 : vector<16xi32>
      %and3A_183 = arith.constant 127 : i32
      %and3A_184 = vector.broadcast %and3A_183 : i32 to vector<16xi32>
      %and3A_185 = arith.andi %get3A_175, %and3A_184 : vector<16xi32>
      %gather3A = tpu.vector_load_idx %arg10[%shift_right_arithmetic3A_182, %and3A_185] : memref<128x128xf32, #tpu.memory_space<vmem>>[vector<16xi32>, vector<16xi32>], vector<16xf32>,
      %shift_right_arithmetic3A_186 = arith.constant 7 : i32
      %shift_right_arithmetic3A_187 = vector.broadcast %shift_right_arithmetic3A_186 : i32 to vector<16xi32>
      %shift_right_arithmetic3A_188 = arith.shrsi %get3A_180, %shift_right_arithmetic3A_187 : vector<16xi32>
      %and3A_189 = arith.constant 127 : i32
      %and3A_190 = vector.broadcast %and3A_189 : i32 to vector<16xi32>
      %and3A_191 = arith.andi %get3A_180, %and3A_190 : vector<16xi32>
      tpu.vector_store_idx %arg11[%shift_right_arithmetic3A_188, %and3A_191], %gather3A {add = true} : memref<128x128xf32, #tpu.memory_space<vmem>>[vector<16xi32>, vector<16xi32>], vector<16xf32>,
      %mul3A_192 = arith.constant 2 : i32
      %mul3A_193 = arith.muli %mul3A_192, %while3A_169 : i32
      %add3A_194 = arith.constant 1 : i32
      %add3A_195 = arith.addi %mul3A_193, %add3A_194 : i32
      %get3A_196 = arith.index_cast %add3A_195 : i32 to index
      %get3A_197 = arith.constant 16 : index
      %get3A_198 = tpu.vector_load %arg9[%get3A_196, %get3A_197] {strides = array<i32>} : memref<80x128xi32, #tpu.memory_space<vmem>>, vector<16xi32>,
      %mul3A_199 = arith.constant 2 : i32
      %mul3A_200 = arith.muli %mul3A_199, %while3A_169 : i32
      %get3A_201 = arith.index_cast %mul3A_200 : i32 to index
      %get3A_202 = arith.constant 16 : index
      %get3A_203 = tpu.vector_load %arg9[%get3A_201, %get3A_202] {strides = array<i32>} : memref<80x128xi32, #tpu.memory_space<vmem>>, vector<16xi32>,
      %shift_right_arithmetic3A_204 = arith.constant 7 : i32
      %shift_right_arithmetic3A_205 = vector.broadcast %shift_right_arithmetic3A_204 : i32 to vector<16xi32>
      %shift_right_arithmetic3A_206 = arith.shrsi %get3A_198, %shift_right_arithmetic3A_205 : vector<16xi32>
      %and3A_207 = arith.constant 127 : i32
      %and3A_208 = vector.broadcast %and3A_207 : i32 to vector<16xi32>
      %and3A_209 = arith.andi %get3A_198, %and3A_208 : vector<16xi32>
      %gather3A_210 = tpu.vector_load_idx %arg10[%shift_right_arithmetic3A_206, %and3A_209] : memref<128x128xf32, #tpu.memory_space<vmem>>[vector<16xi32>, vector<16xi32>], vector<16xf32>,
      %shift_right_arithmetic3A_211 = arith.constant 7 : i32
      %shift_right_arithmetic3A_212 = vector.broadcast %shift_right_arithmetic3A_211 : i32 to vector<16xi32>
      %shift_right_arithmetic3A_213 = arith.shrsi %get3A_203, %shift_right_arithmetic3A_212 : vector<16xi32>
      %and3A_214 = arith.constant 127 : i32
      %and3A_215 = vector.broadcast %and3A_214 : i32 to vector<16xi32>
      %and3A_216 = arith.andi %get3A_203, %and3A_215 : vector<16xi32>
      tpu.vector_store_idx %arg11[%shift_right_arithmetic3A_213, %and3A_216], %gather3A_210 {add = true} : memref<128x128xf32, #tpu.memory_space<vmem>>[vector<16xi32>, vector<16xi32>], vector<16xf32>,
      %mul3A_217 = arith.constant 2 : i32
      %mul3A_218 = arith.muli %mul3A_217, %while3A_169 : i32
      %add3A_219 = arith.constant 1 : i32
      %add3A_220 = arith.addi %mul3A_218, %add3A_219 : i32
      %get3A_221 = arith.index_cast %add3A_220 : i32 to index
      %get3A_222 = arith.constant 32 : index
      %get3A_223 = tpu.vector_load %arg9[%get3A_221, %get3A_222] {strides = array<i32>} : memref<80x128xi32, #tpu.memory_space<vmem>>, vector<16xi32>,
      %mul3A_224 = arith.constant 2 : i32
      %mul3A_225 = arith.muli %mul3A_224, %while3A_169 : i32
      %get3A_226 = arith.index_cast %mul3A_225 : i32 to index
      %get3A_227 = arith.constant 32 : index
      %get3A_228 = tpu.vector_load %arg9[%get3A_226, %get3A_227] {strides = array<i32>} : memref<80x128xi32, #tpu.memory_space<vmem>>, vector<16xi32>,
      %shift_right_arithmetic3A_229 = arith.constant 7 : i32
      %shift_right_arithmetic3A_230 = vector.broadcast %shift_right_arithmetic3A_229 : i32 to vector<16xi32>
      %shift_right_arithmetic3A_231 = arith.shrsi %get3A_223, %shift_right_arithmetic3A_230 : vector<16xi32>
      %and3A_232 = arith.constant 127 : i32
      %and3A_233 = vector.broadcast %and3A_232 : i32 to vector<16xi32>
      %and3A_234 = arith.andi %get3A_223, %and3A_233 : vector<16xi32>
      %gather3A_235 = tpu.vector_load_idx %arg10[%shift_right_arithmetic3A_231, %and3A_234] : memref<128x128xf32, #tpu.memory_space<vmem>>[vector<16xi32>, vector<16xi32>], vector<16xf32>,
      %shift_right_arithmetic3A_236 = arith.constant 7 : i32
      %shift_right_arithmetic3A_237 = vector.broadcast %shift_right_arithmetic3A_236 : i32 to vector<16xi32>
      %shift_right_arithmetic3A_238 = arith.shrsi %get3A_228, %shift_right_arithmetic3A_237 : vector<16xi32>
      %and3A_239 = arith.constant 127 : i32
      %and3A_240 = vector.broadcast %and3A_239 : i32 to vector<16xi32>
      %and3A_241 = arith.andi %get3A_228, %and3A_240 : vector<16xi32>
      tpu.vector_store_idx %arg11[%shift_right_arithmetic3A_238, %and3A_241], %gather3A_235 {add = true} : memref<128x128xf32, #tpu.memory_space<vmem>>[vector<16xi32>, vector<16xi32>], vector<16xf32>,
      %mul3A_242 = arith.constant 2 : i32
      %mul3A_243 = arith.muli %mul3A_242, %while3A_169 : i32
      %add3A_244 = arith.constant 1 : i32
      %add3A_245 = arith.addi %mul3A_243, %add3A_244 : i32
      %get3A_246 = arith.index_cast %add3A_245 : i32 to index
      %get3A_247 = arith.constant 48 : index
      %get3A_248 = tpu.vector_load %arg9[%get3A_246, %get3A_247] {strides = array<i32>} : memref<80x128xi32, #tpu.memory_space<vmem>>, vector<16xi32>,
      %mul3A_249 = arith.constant 2 : i32
      %mul3A_250 = arith.muli %mul3A_249, %while3A_169 : i32
      %get3A_251 = arith.index_cast %mul3A_250 : i32 to index
      %get3A_252 = arith.constant 48 : index
      %get3A_253 = tpu.vector_load %arg9[%get3A_251, %get3A_252] {strides = array<i32>} : memref<80x128xi32, #tpu.memory_space<vmem>>, vector<16xi32>,
      %shift_right_arithmetic3A_254 = arith.constant 7 : i32
      %shift_right_arithmetic3A_255 = vector.broadcast %shift_right_arithmetic3A_254 : i32 to vector<16xi32>
      %shift_right_arithmetic3A_256 = arith.shrsi %get3A_248, %shift_right_arithmetic3A_255 : vector<16xi32>
      %and3A_257 = arith.constant 127 : i32
      %and3A_258 = vector.broadcast %and3A_257 : i32 to vector<16xi32>
      %and3A_259 = arith.andi %get3A_248, %and3A_258 : vector<16xi32>
      %gather3A_260 = tpu.vector_load_idx %arg10[%shift_right_arithmetic3A_256, %and3A_259] : memref<128x128xf32, #tpu.memory_space<vmem>>[vector<16xi32>, vector<16xi32>], vector<16xf32>,
      %shift_right_arithmetic3A_261 = arith.constant 7 : i32
      %shift_right_arithmetic3A_262 = vector.broadcast %shift_right_arithmetic3A_261 : i32 to vector<16xi32>
      %shift_right_arithmetic3A_263 = arith.shrsi %get3A_253, %shift_right_arithmetic3A_262 : vector<16xi32>
      %and3A_264 = arith.constant 127 : i32
      %and3A_265 = vector.broadcast %and3A_264 : i32 to vector<16xi32>
      %and3A_266 = arith.andi %get3A_253, %and3A_265 : vector<16xi32>
      tpu.vector_store_idx %arg11[%shift_right_arithmetic3A_263, %and3A_266], %gather3A_260 {add = true} : memref<128x128xf32, #tpu.memory_space<vmem>>[vector<16xi32>, vector<16xi32>], vector<16xf32>,
      %mul3A_267 = arith.constant 2 : i32
      %mul3A_268 = arith.muli %mul3A_267, %while3A_169 : i32
      %add3A_269 = arith.constant 1 : i32
      %add3A_270 = arith.addi %mul3A_268, %add3A_269 : i32
      %get3A_271 = arith.index_cast %add3A_270 : i32 to index
      %get3A_272 = arith.constant 64 : index
      %get3A_273 = tpu.vector_load %arg9[%get3A_271, %get3A_272] {strides = array<i32>} : memref<80x128xi32, #tpu.memory_space<vmem>>, vector<16xi32>,
      %mul3A_274 = arith.constant 2 : i32
      %mul3A_275 = arith.muli %mul3A_274, %while3A_169 : i32
      %get3A_276 = arith.index_cast %mul3A_275 : i32 to index
      %get3A_277 = arith.constant 64 : index
      %get3A_278 = tpu.vector_load %arg9[%get3A_276, %get3A_277] {strides = array<i32>} : memref<80x128xi32, #tpu.memory_space<vmem>>, vector<16xi32>,
      %shift_right_arithmetic3A_279 = arith.constant 7 : i32
      %shift_right_arithmetic3A_280 = vector.broadcast %shift_right_arithmetic3A_279 : i32 to vector<16xi32>
      %shift_right_arithmetic3A_281 = arith.shrsi %get3A_273, %shift_right_arithmetic3A_280 : vector<16xi32>
      %and3A_282 = arith.constant 127 : i32
      %and3A_283 = vector.broadcast %and3A_282 : i32 to vector<16xi32>
      %and3A_284 = arith.andi %get3A_273, %and3A_283 : vector<16xi32>
      %gather3A_285 = tpu.vector_load_idx %arg10[%shift_right_arithmetic3A_281, %and3A_284] : memref<128x128xf32, #tpu.memory_space<vmem>>[vector<16xi32>, vector<16xi32>], vector<16xf32>,
      %shift_right_arithmetic3A_286 = arith.constant 7 : i32
      %shift_right_arithmetic3A_287 = vector.broadcast %shift_right_arithmetic3A_286 : i32 to vector<16xi32>
      %shift_right_arithmetic3A_288 = arith.shrsi %get3A_278, %shift_right_arithmetic3A_287 : vector<16xi32>
      %and3A_289 = arith.constant 127 : i32
      %and3A_290 = vector.broadcast %and3A_289 : i32 to vector<16xi32>
      %and3A_291 = arith.andi %get3A_278, %and3A_290 : vector<16xi32>
      tpu.vector_store_idx %arg11[%shift_right_arithmetic3A_288, %and3A_291], %gather3A_285 {add = true} : memref<128x128xf32, #tpu.memory_space<vmem>>[vector<16xi32>, vector<16xi32>], vector<16xf32>,
      %mul3A_292 = arith.constant 2 : i32
      %mul3A_293 = arith.muli %mul3A_292, %while3A_169 : i32
      %add3A_294 = arith.constant 1 : i32
      %add3A_295 = arith.addi %mul3A_293, %add3A_294 : i32
      %get3A_296 = arith.index_cast %add3A_295 : i32 to index
      %get3A_297 = arith.constant 80 : index
      %get3A_298 = tpu.vector_load %arg9[%get3A_296, %get3A_297] {strides = array<i32>} : memref<80x128xi32, #tpu.memory_space<vmem>>, vector<16xi32>,
      %mul3A_299 = arith.constant 2 : i32
      %mul3A_300 = arith.muli %mul3A_299, %while3A_169 : i32
      %get3A_301 = arith.index_cast %mul3A_300 : i32 to index
      %get3A_302 = arith.constant 80 : index
      %get3A_303 = tpu.vector_load %arg9[%get3A_301, %get3A_302] {strides = array<i32>} : memref<80x128xi32, #tpu.memory_space<vmem>>, vector<16xi32>,
      %shift_right_arithmetic3A_304 = arith.constant 7 : i32
      %shift_right_arithmetic3A_305 = vector.broadcast %shift_right_arithmetic3A_304 : i32 to vector<16xi32>
      %shift_right_arithmetic3A_306 = arith.shrsi %get3A_298, %shift_right_arithmetic3A_305 : vector<16xi32>
      %and3A_307 = arith.constant 127 : i32
      %and3A_308 = vector.broadcast %and3A_307 : i32 to vector<16xi32>
      %and3A_309 = arith.andi %get3A_298, %and3A_308 : vector<16xi32>
      %gather3A_310 = tpu.vector_load_idx %arg10[%shift_right_arithmetic3A_306, %and3A_309] : memref<128x128xf32, #tpu.memory_space<vmem>>[vector<16xi32>, vector<16xi32>], vector<16xf32>,
      %shift_right_arithmetic3A_311 = arith.constant 7 : i32
      %shift_right_arithmetic3A_312 = vector.broadcast %shift_right_arithmetic3A_311 : i32 to vector<16xi32>
      %shift_right_arithmetic3A_313 = arith.shrsi %get3A_303, %shift_right_arithmetic3A_312 : vector<16xi32>
      %and3A_314 = arith.constant 127 : i32
      %and3A_315 = vector.broadcast %and3A_314 : i32 to vector<16xi32>
      %and3A_316 = arith.andi %get3A_303, %and3A_315 : vector<16xi32>
      tpu.vector_store_idx %arg11[%shift_right_arithmetic3A_313, %and3A_316], %gather3A_310 {add = true} : memref<128x128xf32, #tpu.memory_space<vmem>>[vector<16xi32>, vector<16xi32>], vector<16xf32>,
      %mul3A_317 = arith.constant 2 : i32
      %mul3A_318 = arith.muli %mul3A_317, %while3A_169 : i32
      %add3A_319 = arith.constant 1 : i32
      %add3A_320 = arith.addi %mul3A_318, %add3A_319 : i32
      %get3A_321 = arith.index_cast %add3A_320 : i32 to index
      %get3A_322 = arith.constant 96 : index
      %get3A_323 = tpu.vector_load %arg9[%get3A_321, %get3A_322] {strides = array<i32>} : memref<80x128xi32, #tpu.memory_space<vmem>>, vector<16xi32>,
      %mul3A_324 = arith.constant 2 : i32
      %mul3A_325 = arith.muli %mul3A_324, %while3A_169 : i32
      %get3A_326 = arith.index_cast %mul3A_325 : i32 to index
      %get3A_327 = arith.constant 96 : index
      %get3A_328 = tpu.vector_load %arg9[%get3A_326, %get3A_327] {strides = array<i32>} : memref<80x128xi32, #tpu.memory_space<vmem>>, vector<16xi32>,
      %shift_right_arithmetic3A_329 = arith.constant 7 : i32
      %shift_right_arithmetic3A_330 = vector.broadcast %shift_right_arithmetic3A_329 : i32 to vector<16xi32>
      %shift_right_arithmetic3A_331 = arith.shrsi %get3A_323, %shift_right_arithmetic3A_330 : vector<16xi32>
      %and3A_332 = arith.constant 127 : i32
      %and3A_333 = vector.broadcast %and3A_332 : i32 to vector<16xi32>
      %and3A_334 = arith.andi %get3A_323, %and3A_333 : vector<16xi32>
      %gather3A_335 = tpu.vector_load_idx %arg10[%shift_right_arithmetic3A_331, %and3A_334] : memref<128x128xf32, #tpu.memory_space<vmem>>[vector<16xi32>, vector<16xi32>], vector<16xf32>,
      %shift_right_arithmetic3A_336 = arith.constant 7 : i32
      %shift_right_arithmetic3A_337 = vector.broadcast %shift_right_arithmetic3A_336 : i32 to vector<16xi32>
      %shift_right_arithmetic3A_338 = arith.shrsi %get3A_328, %shift_right_arithmetic3A_337 : vector<16xi32>
      %and3A_339 = arith.constant 127 : i32
      %and3A_340 = vector.broadcast %and3A_339 : i32 to vector<16xi32>
      %and3A_341 = arith.andi %get3A_328, %and3A_340 : vector<16xi32>
      tpu.vector_store_idx %arg11[%shift_right_arithmetic3A_338, %and3A_341], %gather3A_335 {add = true} : memref<128x128xf32, #tpu.memory_space<vmem>>[vector<16xi32>, vector<16xi32>], vector<16xf32>,
      %mul3A_342 = arith.constant 2 : i32
      %mul3A_343 = arith.muli %mul3A_342, %while3A_169 : i32
      %add3A_344 = arith.constant 1 : i32
      %add3A_345 = arith.addi %mul3A_343, %add3A_344 : i32
      %get3A_346 = arith.index_cast %add3A_345 : i32 to index
      %get3A_347 = arith.constant 112 : index
      %get3A_348 = tpu.vector_load %arg9[%get3A_346, %get3A_347] {strides = array<i32>} : memref<80x128xi32, #tpu.memory_space<vmem>>, vector<16xi32>,
      %mul3A_349 = arith.constant 2 : i32
      %mul3A_350 = arith.muli %mul3A_349, %while3A_169 : i32
      %get3A_351 = arith.index_cast %mul3A_350 : i32 to index
      %get3A_352 = arith.constant 112 : index
      %get3A_353 = tpu.vector_load %arg9[%get3A_351, %get3A_352] {strides = array<i32>} : memref<80x128xi32, #tpu.memory_space<vmem>>, vector<16xi32>,
      %shift_right_arithmetic3A_354 = arith.constant 7 : i32
      %shift_right_arithmetic3A_355 = vector.broadcast %shift_right_arithmetic3A_354 : i32 to vector<16xi32>
      %shift_right_arithmetic3A_356 = arith.shrsi %get3A_348, %shift_right_arithmetic3A_355 : vector<16xi32>
      %and3A_357 = arith.constant 127 : i32
      %and3A_358 = vector.broadcast %and3A_357 : i32 to vector<16xi32>
      %and3A_359 = arith.andi %get3A_348, %and3A_358 : vector<16xi32>
      %gather3A_360 = tpu.vector_load_idx %arg10[%shift_right_arithmetic3A_356, %and3A_359] : memref<128x128xf32, #tpu.memory_space<vmem>>[vector<16xi32>, vector<16xi32>], vector<16xf32>,
      %shift_right_arithmetic3A_361 = arith.constant 7 : i32
      %shift_right_arithmetic3A_362 = vector.broadcast %shift_right_arithmetic3A_361 : i32 to vector<16xi32>
      %shift_right_arithmetic3A_363 = arith.shrsi %get3A_353, %shift_right_arithmetic3A_362 : vector<16xi32>
      %and3A_364 = arith.constant 127 : i32
      %and3A_365 = vector.broadcast %and3A_364 : i32 to vector<16xi32>
      %and3A_366 = arith.andi %get3A_353, %and3A_365 : vector<16xi32>
      tpu.vector_store_idx %arg11[%shift_right_arithmetic3A_363, %and3A_366], %gather3A_360 {add = true} : memref<128x128xf32, #tpu.memory_space<vmem>>[vector<16xi32>, vector<16xi32>], vector<16xf32>,
    }
    %while3A_138 = arith.constant 1 : i32
    scf.for %while3A_169 = %while3A_136 to %while3A_132 step %while3A_138  : i32 {
      %mul3A_170 = arith.constant 2 : i32
      %mul3A_171 = arith.muli %mul3A_170, %while3A_169 : i32
      %add3A_172 = arith.constant 1 : i32
      %add3A_173 = arith.addi %mul3A_171, %add3A_172 : i32
      %get3A = arith.index_cast %add3A_173 : i32 to index
      %get3A_174 = arith.constant 0 : index
      %get3A_175 = tpu.vector_load %arg9[%get3A, %get3A_174] {strides = array<i32>} : memref<80x128xi32, #tpu.memory_space<vmem>>, vector<16xi32>,
      %mul3A_176 = arith.constant 2 : i32
      %mul3A_177 = arith.muli %mul3A_176, %while3A_169 : i32
      %get3A_178 = arith.index_cast %mul3A_177 : i32 to index
      %get3A_179 = arith.constant 0 : index
      %get3A_180 = tpu.vector_load %arg9[%get3A_178, %get3A_179] {strides = array<i32>} : memref<80x128xi32, #tpu.memory_space<vmem>>, vector<16xi32>,
      %shift_right_arithmetic3A = arith.constant 7 : i32
      %shift_right_arithmetic3A_181 = vector.broadcast %shift_right_arithmetic3A : i32 to vector<16xi32>
      %shift_right_arithmetic3A_182 = arith.shrsi %get3A_175, %shift_right_arithmetic3A_181 : vector<16xi32>
      %and3A_183 = arith.constant 127 : i32
      %and3A_184 = vector.broadcast %and3A_183 : i32 to vector<16xi32>
      %and3A_185 = arith.andi %get3A_175, %and3A_184 : vector<16xi32>
      %gather3A = tpu.vector_load_idx %arg10[%shift_right_arithmetic3A_182, %and3A_185] : memref<128x128xf32, #tpu.memory_space<vmem>>[vector<16xi32>, vector<16xi32>], vector<16xf32>,
      %shift_right_arithmetic3A_186 = arith.constant 7 : i32
      %shift_right_arithmetic3A_187 = vector.broadcast %shift_right_arithmetic3A_186 : i32 to vector<16xi32>
      %shift_right_arithmetic3A_188 = arith.shrsi %get3A_180, %shift_right_arithmetic3A_187 : vector<16xi32>
      %and3A_189 = arith.constant 127 : i32
      %and3A_190 = vector.broadcast %and3A_189 : i32 to vector<16xi32>
      %and3A_191 = arith.andi %get3A_180, %and3A_190 : vector<16xi32>
      tpu.vector_store_idx %arg11[%shift_right_arithmetic3A_188, %and3A_191], %gather3A {add = true} : memref<128x128xf32, #tpu.memory_space<vmem>>[vector<16xi32>, vector<16xi32>], vector<16xf32>,
      %mul3A_192 = arith.constant 2 : i32
      %mul3A_193 = arith.muli %mul3A_192, %while3A_169 : i32
      %add3A_194 = arith.constant 1 : i32
      %add3A_195 = arith.addi %mul3A_193, %add3A_194 : i32
      %get3A_196 = arith.index_cast %add3A_195 : i32 to index
      %get3A_197 = arith.constant 16 : index
      %get3A_198 = tpu.vector_load %arg9[%get3A_196, %get3A_197] {strides = array<i32>} : memref<80x128xi32, #tpu.memory_space<vmem>>, vector<16xi32>,
      %mul3A_199 = arith.constant 2 : i32
      %mul3A_200 = arith.muli %mul3A_199, %while3A_169 : i32
      %get3A_201 = arith.index_cast %mul3A_200 : i32 to index
      %get3A_202 = arith.constant 16 : index
      %get3A_203 = tpu.vector_load %arg9[%get3A_201, %get3A_202] {strides = array<i32>} : memref<80x128xi32, #tpu.memory_space<vmem>>, vector<16xi32>,
      %shift_right_arithmetic3A_204 = arith.constant 7 : i32
      %shift_right_arithmetic3A_205 = vector.broadcast %shift_right_arithmetic3A_204 : i32 to vector<16xi32>
      %shift_right_arithmetic3A_206 = arith.shrsi %get3A_198, %shift_right_arithmetic3A_205 : vector<16xi32>
      %and3A_207 = arith.constant 127 : i32
      %and3A_208 = vector.broadcast %and3A_207 : i32 to vector<16xi32>
      %and3A_209 = arith.andi %get3A_198, %and3A_208 : vector<16xi32>
      %gather3A_210 = tpu.vector_load_idx %arg10[%shift_right_arithmetic3A_206, %and3A_209] : memref<128x128xf32, #tpu.memory_space<vmem>>[vector<16xi32>, vector<16xi32>], vector<16xf32>,
      %shift_right_arithmetic3A_211 = arith.constant 7 : i32
      %shift_right_arithmetic3A_212 = vector.broadcast %shift_right_arithmetic3A_211 : i32 to vector<16xi32>
      %shift_right_arithmetic3A_213 = arith.shrsi %get3A_203, %shift_right_arithmetic3A_212 : vector<16xi32>
      %and3A_214 = arith.constant 127 : i32
      %and3A_215 = vector.broadcast %and3A_214 : i32 to vector<16xi32>
      %and3A_216 = arith.andi %get3A_203, %and3A_215 : vector<16xi32>
      tpu.vector_store_idx %arg11[%shift_right_arithmetic3A_213, %and3A_216], %gather3A_210 {add = true} : memref<128x128xf32, #tpu.memory_space<vmem>>[vector<16xi32>, vector<16xi32>], vector<16xf32>,
      %mul3A_217 = arith.constant 2 : i32
      %mul3A_218 = arith.muli %mul3A_217, %while3A_169 : i32
      %add3A_219 = arith.constant 1 : i32
      %add3A_220 = arith.addi %mul3A_218, %add3A_219 : i32
      %get3A_221 = arith.index_cast %add3A_220 : i32 to index
      %get3A_222 = arith.constant 32 : index
      %get3A_223 = tpu.vector_load %arg9[%get3A_221, %get3A_222] {strides = array<i32>} : memref<80x128xi32, #tpu.memory_space<vmem>>, vector<16xi32>,
      %mul3A_224 = arith.constant 2 : i32
      %mul3A_225 = arith.muli %mul3A_224, %while3A_169 : i32
      %get3A_226 = arith.index_cast %mul3A_225 : i32 to index
      %get3A_227 = arith.constant 32 : index
      %get3A_228 = tpu.vector_load %arg9[%get3A_226, %get3A_227] {strides = array<i32>} : memref<80x128xi32, #tpu.memory_space<vmem>>, vector<16xi32>,
      %shift_right_arithmetic3A_229 = arith.constant 7 : i32
      %shift_right_arithmetic3A_230 = vector.broadcast %shift_right_arithmetic3A_229 : i32 to vector<16xi32>
      %shift_right_arithmetic3A_231 = arith.shrsi %get3A_223, %shift_right_arithmetic3A_230 : vector<16xi32>
      %and3A_232 = arith.constant 127 : i32
      %and3A_233 = vector.broadcast %and3A_232 : i32 to vector<16xi32>
      %and3A_234 = arith.andi %get3A_223, %and3A_233 : vector<16xi32>
      %gather3A_235 = tpu.vector_load_idx %arg10[%shift_right_arithmetic3A_231, %and3A_234] : memref<128x128xf32, #tpu.memory_space<vmem>>[vector<16xi32>, vector<16xi32>], vector<16xf32>,
      %shift_right_arithmetic3A_236 = arith.constant 7 : i32
      %shift_right_arithmetic3A_237 = vector.broadcast %shift_right_arithmetic3A_236 : i32 to vector<16xi32>
      %shift_right_arithmetic3A_238 = arith.shrsi %get3A_228, %shift_right_arithmetic3A_237 : vector<16xi32>
      %and3A_239 = arith.constant 127 : i32
      %and3A_240 = vector.broadcast %and3A_239 : i32 to vector<16xi32>
      %and3A_241 = arith.andi %get3A_228, %and3A_240 : vector<16xi32>
      tpu.vector_store_idx %arg11[%shift_right_arithmetic3A_238, %and3A_241], %gather3A_235 {add = true} : memref<128x128xf32, #tpu.memory_space<vmem>>[vector<16xi32>, vector<16xi32>], vector<16xf32>,
      %mul3A_242 = arith.constant 2 : i32
      %mul3A_243 = arith.muli %mul3A_242, %while3A_169 : i32
      %add3A_244 = arith.constant 1 : i32
      %add3A_245 = arith.addi %mul3A_243, %add3A_244 : i32
      %get3A_246 = arith.index_cast %add3A_245 : i32 to index
      %get3A_247 = arith.constant 48 : index
      %get3A_248 = tpu.vector_load %arg9[%get3A_246, %get3A_247] {strides = array<i32>} : memref<80x128xi32, #tpu.memory_space<vmem>>, vector<16xi32>,
      %mul3A_249 = arith.constant 2 : i32
      %mul3A_250 = arith.muli %mul3A_249, %while3A_169 : i32
      %get3A_251 = arith.index_cast %mul3A_250 : i32 to index
      %get3A_252 = arith.constant 48 : index
      %get3A_253 = tpu.vector_load %arg9[%get3A_251, %get3A_252] {strides = array<i32>} : memref<80x128xi32, #tpu.memory_space<vmem>>, vector<16xi32>,
      %shift_right_arithmetic3A_254 = arith.constant 7 : i32
      %shift_right_arithmetic3A_255 = vector.broadcast %shift_right_arithmetic3A_254 : i32 to vector<16xi32>
      %shift_right_arithmetic3A_256 = arith.shrsi %get3A_248, %shift_right_arithmetic3A_255 : vector<16xi32>
      %and3A_257 = arith.constant 127 : i32
      %and3A_258 = vector.broadcast %and3A_257 : i32 to vector<16xi32>
      %and3A_259 = arith.andi %get3A_248, %and3A_258 : vector<16xi32>
      %gather3A_260 = tpu.vector_load_idx %arg10[%shift_right_arithmetic3A_256, %and3A_259] : memref<128x128xf32, #tpu.memory_space<vmem>>[vector<16xi32>, vector<16xi32>], vector<16xf32>,
      %shift_right_arithmetic3A_261 = arith.constant 7 : i32
      %shift_right_arithmetic3A_262 = vector.broadcast %shift_right_arithmetic3A_261 : i32 to vector<16xi32>
      %shift_right_arithmetic3A_263 = arith.shrsi %get3A_253, %shift_right_arithmetic3A_262 : vector<16xi32>
      %and3A_264 = arith.constant 127 : i32
      %and3A_265 = vector.broadcast %and3A_264 : i32 to vector<16xi32>
      %and3A_266 = arith.andi %get3A_253, %and3A_265 : vector<16xi32>
      tpu.vector_store_idx %arg11[%shift_right_arithmetic3A_263, %and3A_266], %gather3A_260 {add = true} : memref<128x128xf32, #tpu.memory_space<vmem>>[vector<16xi32>, vector<16xi32>], vector<16xf32>,
      %mul3A_267 = arith.constant 2 : i32
      %mul3A_268 = arith.muli %mul3A_267, %while3A_169 : i32
      %add3A_269 = arith.constant 1 : i32
      %add3A_270 = arith.addi %mul3A_268, %add3A_269 : i32
      %get3A_271 = arith.index_cast %add3A_270 : i32 to index
      %get3A_272 = arith.constant 64 : index
      %get3A_273 = tpu.vector_load %arg9[%get3A_271, %get3A_272] {strides = array<i32>} : memref<80x128xi32, #tpu.memory_space<vmem>>, vector<16xi32>,
      %mul3A_274 = arith.constant 2 : i32
      %mul3A_275 = arith.muli %mul3A_274, %while3A_169 : i32
      %get3A_276 = arith.index_cast %mul3A_275 : i32 to index
      %get3A_277 = arith.constant 64 : index
      %get3A_278 = tpu.vector_load %arg9[%get3A_276, %get3A_277] {strides = array<i32>} : memref<80x128xi32, #tpu.memory_space<vmem>>, vector<16xi32>,
      %shift_right_arithmetic3A_279 = arith.constant 7 : i32
      %shift_right_arithmetic3A_280 = vector.broadcast %shift_right_arithmetic3A_279 : i32 to vector<16xi32>
      %shift_right_arithmetic3A_281 = arith.shrsi %get3A_273, %shift_right_arithmetic3A_280 : vector<16xi32>
      %and3A_282 = arith.constant 127 : i32
      %and3A_283 = vector.broadcast %and3A_282 : i32 to vector<16xi32>
      %and3A_284 = arith.andi %get3A_273, %and3A_283 : vector<16xi32>
      %gather3A_285 = tpu.vector_load_idx %arg10[%shift_right_arithmetic3A_281, %and3A_284] : memref<128x128xf32, #tpu.memory_space<vmem>>[vector<16xi32>, vector<16xi32>], vector<16xf32>,
      %shift_right_arithmetic3A_286 = arith.constant 7 : i32
      %shift_right_arithmetic3A_287 = vector.broadcast %shift_right_arithmetic3A_286 : i32 to vector<16xi32>
      %shift_right_arithmetic3A_288 = arith.shrsi %get3A_278, %shift_right_arithmetic3A_287 : vector<16xi32>
      %and3A_289 = arith.constant 127 : i32
      %and3A_290 = vector.broadcast %and3A_289 : i32 to vector<16xi32>
      %and3A_291 = arith.andi %get3A_278, %and3A_290 : vector<16xi32>
      tpu.vector_store_idx %arg11[%shift_right_arithmetic3A_288, %and3A_291], %gather3A_285 {add = true} : memref<128x128xf32, #tpu.memory_space<vmem>>[vector<16xi32>, vector<16xi32>], vector<16xf32>,
      %mul3A_292 = arith.constant 2 : i32
      %mul3A_293 = arith.muli %mul3A_292, %while3A_169 : i32
      %add3A_294 = arith.constant 1 : i32
      %add3A_295 = arith.addi %mul3A_293, %add3A_294 : i32
      %get3A_296 = arith.index_cast %add3A_295 : i32 to index
      %get3A_297 = arith.constant 80 : index
      %get3A_298 = tpu.vector_load %arg9[%get3A_296, %get3A_297] {strides = array<i32>} : memref<80x128xi32, #tpu.memory_space<vmem>>, vector<16xi32>,
      %mul3A_299 = arith.constant 2 : i32
      %mul3A_300 = arith.muli %mul3A_299, %while3A_169 : i32
      %get3A_301 = arith.index_cast %mul3A_300 : i32 to index
      %get3A_302 = arith.constant 80 : index
      %get3A_303 = tpu.vector_load %arg9[%get3A_301, %get3A_302] {strides = array<i32>} : memref<80x128xi32, #tpu.memory_space<vmem>>, vector<16xi32>,
      %shift_right_arithmetic3A_304 = arith.constant 7 : i32
      %shift_right_arithmetic3A_305 = vector.broadcast %shift_right_arithmetic3A_304 : i32 to vector<16xi32>
      %shift_right_arithmetic3A_306 = arith.shrsi %get3A_298, %shift_right_arithmetic3A_305 : vector<16xi32>
      %and3A_307 = arith.constant 127 : i32
      %and3A_308 = vector.broadcast %and3A_307 : i32 to vector<16xi32>
      %and3A_309 = arith.andi %get3A_298, %and3A_308 : vector<16xi32>
      %gather3A_310 = tpu.vector_load_idx %arg10[%shift_right_arithmetic3A_306, %and3A_309] : memref<128x128xf32, #tpu.memory_space<vmem>>[vector<16xi32>, vector<16xi32>], vector<16xf32>,
      %shift_right_arithmetic3A_311 = arith.constant 7 : i32
      %shift_right_arithmetic3A_312 = vector.broadcast %shift_right_arithmetic3A_311 : i32 to vector<16xi32>
      %shift_right_arithmetic3A_313 = arith.shrsi %get3A_303, %shift_right_arithmetic3A_312 : vector<16xi32>
      %and3A_314 = arith.constant 127 : i32
      %and3A_315 = vector.broadcast %and3A_314 : i32 to vector<16xi32>
      %and3A_316 = arith.andi %get3A_303, %and3A_315 : vector<16xi32>
      tpu.vector_store_idx %arg11[%shift_right_arithmetic3A_313, %and3A_316], %gather3A_310 {add = true} : memref<128x128xf32, #tpu.memory_space<vmem>>[vector<16xi32>, vector<16xi32>], vector<16xf32>,
      %mul3A_317 = arith.constant 2 : i32
      %mul3A_318 = arith.muli %mul3A_317, %while3A_169 : i32
      %add3A_319 = arith.constant 1 : i32
      %add3A_320 = arith.addi %mul3A_318, %add3A_319 : i32
      %get3A_321 = arith.index_cast %add3A_320 : i32 to index
      %get3A_322 = arith.constant 96 : index
      %get3A_323 = tpu.vector_load %arg9[%get3A_321, %get3A_322] {strides = array<i32>} : memref<80x128xi32, #tpu.memory_space<vmem>>, vector<16xi32>,
      %mul3A_324 = arith.constant 2 : i32
      %mul3A_325 = arith.muli %mul3A_324, %while3A_169 : i32
      %get3A_326 = arith.index_cast %mul3A_325 : i32 to index
      %get3A_327 = arith.constant 96 : index
      %get3A_328 = tpu.vector_load %arg9[%get3A_326, %get3A_327] {strides = array<i32>} : memref<80x128xi32, #tpu.memory_space<vmem>>, vector<16xi32>,
      %shift_right_arithmetic3A_329 = arith.constant 7 : i32
      %shift_right_arithmetic3A_330 = vector.broadcast %shift_right_arithmetic3A_329 : i32 to vector<16xi32>
      %shift_right_arithmetic3A_331 = arith.shrsi %get3A_323, %shift_right_arithmetic3A_330 : vector<16xi32>
      %and3A_332 = arith.constant 127 : i32
      %and3A_333 = vector.broadcast %and3A_332 : i32 to vector<16xi32>
      %and3A_334 = arith.andi %get3A_323, %and3A_333 : vector<16xi32>
      %gather3A_335 = tpu.vector_load_idx %arg10[%shift_right_arithmetic3A_331, %and3A_334] : memref<128x128xf32, #tpu.memory_space<vmem>>[vector<16xi32>, vector<16xi32>], vector<16xf32>,
      %shift_right_arithmetic3A_336 = arith.constant 7 : i32
      %shift_right_arithmetic3A_337 = vector.broadcast %shift_right_arithmetic3A_336 : i32 to vector<16xi32>
      %shift_right_arithmetic3A_338 = arith.shrsi %get3A_328, %shift_right_arithmetic3A_337 : vector<16xi32>
      %and3A_339 = arith.constant 127 : i32
      %and3A_340 = vector.broadcast %and3A_339 : i32 to vector<16xi32>
      %and3A_341 = arith.andi %get3A_328, %and3A_340 : vector<16xi32>
      tpu.vector_store_idx %arg11[%shift_right_arithmetic3A_338, %and3A_341], %gather3A_335 {add = true} : memref<128x128xf32, #tpu.memory_space<vmem>>[vector<16xi32>, vector<16xi32>], vector<16xf32>,
      %mul3A_342 = arith.constant 2 : i32
      %mul3A_343 = arith.muli %mul3A_342, %while3A_169 : i32
      %add3A_344 = arith.constant 1 : i32
      %add3A_345 = arith.addi %mul3A_343, %add3A_344 : i32
      %get3A_346 = arith.index_cast %add3A_345 : i32 to index
      %get3A_347 = arith.constant 112 : index
      %get3A_348 = tpu.vector_load %arg9[%get3A_346, %get3A_347] {strides = array<i32>} : memref<80x128xi32, #tpu.memory_space<vmem>>, vector<16xi32>,
      %mul3A_349 = arith.constant 2 : i32
      %mul3A_350 = arith.muli %mul3A_349, %while3A_169 : i32
      %get3A_351 = arith.index_cast %mul3A_350 : i32 to index
      %get3A_352 = arith.constant 112 : index
      %get3A_353 = tpu.vector_load %arg9[%get3A_351, %get3A_352] {strides = array<i32>} : memref<80x128xi32, #tpu.memory_space<vmem>>, vector<16xi32>,
      %shift_right_arithmetic3A_354 = arith.constant 7 : i32
      %shift_right_arithmetic3A_355 = vector.broadcast %shift_right_arithmetic3A_354 : i32 to vector<16xi32>
      %shift_right_arithmetic3A_356 = arith.shrsi %get3A_348, %shift_right_arithmetic3A_355 : vector<16xi32>
      %and3A_357 = arith.constant 127 : i32
      %and3A_358 = vector.broadcast %and3A_357 : i32 to vector<16xi32>
      %and3A_359 = arith.andi %get3A_348, %and3A_358 : vector<16xi32>
      %gather3A_360 = tpu.vector_load_idx %arg10[%shift_right_arithmetic3A_356, %and3A_359] : memref<128x128xf32, #tpu.memory_space<vmem>>[vector<16xi32>, vector<16xi32>], vector<16xf32>,
      %shift_right_arithmetic3A_361 = arith.constant 7 : i32
      %shift_right_arithmetic3A_362 = vector.broadcast %shift_right_arithmetic3A_361 : i32 to vector<16xi32>
      %shift_right_arithmetic3A_363 = arith.shrsi %get3A_353, %shift_right_arithmetic3A_362 : vector<16xi32>
      %and3A_364 = arith.constant 127 : i32
      %and3A_365 = vector.broadcast %and3A_364 : i32 to vector<16xi32>
      %and3A_366 = arith.andi %get3A_353, %and3A_365 : vector<16xi32>
      tpu.vector_store_idx %arg11[%shift_right_arithmetic3A_363, %and3A_366], %gather3A_360 {add = true} : memref<128x128xf32, #tpu.memory_space<vmem>>[vector<16xi32>, vector<16xi32>], vector<16xf32>,
    }
    %iota3A = tpu.iota {dimensions = array<i32: 0>} : vector<16xi32>
    %add3A_139 = arith.constant 0 : i32
    %add3A_140 = vector.broadcast %add3A_139 : i32 to vector<16xi32>
    %add3A_141 = arith.addi %iota3A, %add3A_140 : vector<16xi32>
    "tpu.region"() ({
      %run_scoped3A = tpu.sem_alloc : memref<!tpu.dma_semaphore, #tpu.memory_space<semaphore_mem>>
      %dma_start3A_169 = arith.constant 0 : i32
      %dma_start3A_170 = arith.constant 0 : i32
      %dma_start3A_171 = tpu.memref_slice %arg11[%dma_start3A_169, %dma_start3A_170] : memref<128x128xf32, #tpu.memory_space<vmem>> -> memref<16x128xf32, #tpu.memory_space<vmem>>
      %dma_start3A_172 = arith.constant 0 : i32
      %dma_start3A_173 = arith.constant 0 : i32
      %dma_start3A_174 = tpu.memref_slice %arg8[%dma_start3A_172, %dma_start3A_173] : memref<80x128xf32, #tpu.memory_space<vmem_shared>> -> memref<80x128xf32, #tpu.memory_space<vmem_shared>>
      tpu.enqueue_indirect_dma source(%dma_start3A_171 : memref<16x128xf32, #tpu.memory_space<vmem>>) target(%dma_start3A_174 : memref<80x128xf32, #tpu.memory_space<vmem_shared>>) offsets(%add3A_141 : vector<16xi32>) semaphore(%run_scoped3A : memref<!tpu.dma_semaphore, #tpu.memory_space<semaphore_mem>>) {add = true}
      %dma_wait3A_175 = arith.constant 0 : i32
      %dma_wait3A_176 = arith.constant 0 : i32
      %dma_wait3A_177 = tpu.memref_slice %arg11[%dma_wait3A_175, %dma_wait3A_176] : memref<128x128xf32, #tpu.memory_space<vmem>> -> memref<16x128xf32, #tpu.memory_space<vmem>>
      %dma_wait3A_178 = arith.constant 0 : i32
      %dma_wait3A_179 = arith.constant 0 : i32
      %dma_wait3A_180 = tpu.memref_slice %arg8[%dma_wait3A_178, %dma_wait3A_179] : memref<80x128xf32, #tpu.memory_space<vmem_shared>> -> memref<80x128xf32, #tpu.memory_space<vmem_shared>>
      tpu.wait_indirect_dma semaphore(%run_scoped3A : memref<!tpu.dma_semaphore, #tpu.memory_space<semaphore_mem>>) src(%dma_wait3A_177 : memref<16x128xf32, #tpu.memory_space<vmem>>) dst(%dma_wait3A_180 : memref<80x128xf32, #tpu.memory_space<vmem_shared>>)
      tpu.yield
    }) : () -> ()
    %iota3A_142 = tpu.iota {dimensions = array<i32: 0>} : vector<16xi32>
    %add3A_143 = arith.constant 16 : i32
    %add3A_144 = vector.broadcast %add3A_143 : i32 to vector<16xi32>
    %add3A_145 = arith.addi %iota3A_142, %add3A_144 : vector<16xi32>
    "tpu.region"() ({
      %run_scoped3A = tpu.sem_alloc : memref<!tpu.dma_semaphore, #tpu.memory_space<semaphore_mem>>
      %dma_start3A_169 = arith.constant 16 : i32
      %dma_start3A_170 = arith.constant 0 : i32
      %dma_start3A_171 = tpu.memref_slice %arg11[%dma_start3A_169, %dma_start3A_170] : memref<128x128xf32, #tpu.memory_space<vmem>> -> memref<16x128xf32, #tpu.memory_space<vmem>>
      %dma_start3A_172 = arith.constant 0 : i32
      %dma_start3A_173 = arith.constant 0 : i32
      %dma_start3A_174 = tpu.memref_slice %arg8[%dma_start3A_172, %dma_start3A_173] : memref<80x128xf32, #tpu.memory_space<vmem_shared>> -> memref<80x128xf32, #tpu.memory_space<vmem_shared>>
      tpu.enqueue_indirect_dma source(%dma_start3A_171 : memref<16x128xf32, #tpu.memory_space<vmem>>) target(%dma_start3A_174 : memref<80x128xf32, #tpu.memory_space<vmem_shared>>) offsets(%add3A_145 : vector<16xi32>) semaphore(%run_scoped3A : memref<!tpu.dma_semaphore, #tpu.memory_space<semaphore_mem>>) {add = true}
      %dma_wait3A_175 = arith.constant 16 : i32
      %dma_wait3A_176 = arith.constant 0 : i32
      %dma_wait3A_177 = tpu.memref_slice %arg11[%dma_wait3A_175, %dma_wait3A_176] : memref<128x128xf32, #tpu.memory_space<vmem>> -> memref<16x128xf32, #tpu.memory_space<vmem>>
      %dma_wait3A_178 = arith.constant 0 : i32
      %dma_wait3A_179 = arith.constant 0 : i32
      %dma_wait3A_180 = tpu.memref_slice %arg8[%dma_wait3A_178, %dma_wait3A_179] : memref<80x128xf32, #tpu.memory_space<vmem_shared>> -> memref<80x128xf32, #tpu.memory_space<vmem_shared>>
      tpu.wait_indirect_dma semaphore(%run_scoped3A : memref<!tpu.dma_semaphore, #tpu.memory_space<semaphore_mem>>) src(%dma_wait3A_177 : memref<16x128xf32, #tpu.memory_space<vmem>>) dst(%dma_wait3A_180 : memref<80x128xf32, #tpu.memory_space<vmem_shared>>)
      tpu.yield
    }) : () -> ()
    %iota3A_146 = tpu.iota {dimensions = array<i32: 0>} : vector<16xi32>
    %add3A_147 = arith.constant 32 : i32
    %add3A_148 = vector.broadcast %add3A_147 : i32 to vector<16xi32>
    %add3A_149 = arith.addi %iota3A_146, %add3A_148 : vector<16xi32>
    "tpu.region"() ({
      %run_scoped3A = tpu.sem_alloc : memref<!tpu.dma_semaphore, #tpu.memory_space<semaphore_mem>>
      %dma_start3A_169 = arith.constant 32 : i32
      %dma_start3A_170 = arith.constant 0 : i32
      %dma_start3A_171 = tpu.memref_slice %arg11[%dma_start3A_169, %dma_start3A_170] : memref<128x128xf32, #tpu.memory_space<vmem>> -> memref<16x128xf32, #tpu.memory_space<vmem>>
      %dma_start3A_172 = arith.constant 0 : i32
      %dma_start3A_173 = arith.constant 0 : i32
      %dma_start3A_174 = tpu.memref_slice %arg8[%dma_start3A_172, %dma_start3A_173] : memref<80x128xf32, #tpu.memory_space<vmem_shared>> -> memref<80x128xf32, #tpu.memory_space<vmem_shared>>
      tpu.enqueue_indirect_dma source(%dma_start3A_171 : memref<16x128xf32, #tpu.memory_space<vmem>>) target(%dma_start3A_174 : memref<80x128xf32, #tpu.memory_space<vmem_shared>>) offsets(%add3A_149 : vector<16xi32>) semaphore(%run_scoped3A : memref<!tpu.dma_semaphore, #tpu.memory_space<semaphore_mem>>) {add = true}
      %dma_wait3A_175 = arith.constant 32 : i32
      %dma_wait3A_176 = arith.constant 0 : i32
      %dma_wait3A_177 = tpu.memref_slice %arg11[%dma_wait3A_175, %dma_wait3A_176] : memref<128x128xf32, #tpu.memory_space<vmem>> -> memref<16x128xf32, #tpu.memory_space<vmem>>
      %dma_wait3A_178 = arith.constant 0 : i32
      %dma_wait3A_179 = arith.constant 0 : i32
      %dma_wait3A_180 = tpu.memref_slice %arg8[%dma_wait3A_178, %dma_wait3A_179] : memref<80x128xf32, #tpu.memory_space<vmem_shared>> -> memref<80x128xf32, #tpu.memory_space<vmem_shared>>
      tpu.wait_indirect_dma semaphore(%run_scoped3A : memref<!tpu.dma_semaphore, #tpu.memory_space<semaphore_mem>>) src(%dma_wait3A_177 : memref<16x128xf32, #tpu.memory_space<vmem>>) dst(%dma_wait3A_180 : memref<80x128xf32, #tpu.memory_space<vmem_shared>>)
      tpu.yield
    }) : () -> ()
    %iota3A_150 = tpu.iota {dimensions = array<i32: 0>} : vector<16xi32>
    %add3A_151 = arith.constant 48 : i32
    %add3A_152 = vector.broadcast %add3A_151 : i32 to vector<16xi32>
    %add3A_153 = arith.addi %iota3A_150, %add3A_152 : vector<16xi32>
    "tpu.region"() ({
      %run_scoped3A = tpu.sem_alloc : memref<!tpu.dma_semaphore, #tpu.memory_space<semaphore_mem>>
      %dma_start3A_169 = arith.constant 48 : i32
      %dma_start3A_170 = arith.constant 0 : i32
      %dma_start3A_171 = tpu.memref_slice %arg11[%dma_start3A_169, %dma_start3A_170] : memref<128x128xf32, #tpu.memory_space<vmem>> -> memref<16x128xf32, #tpu.memory_space<vmem>>
      %dma_start3A_172 = arith.constant 0 : i32
      %dma_start3A_173 = arith.constant 0 : i32
      %dma_start3A_174 = tpu.memref_slice %arg8[%dma_start3A_172, %dma_start3A_173] : memref<80x128xf32, #tpu.memory_space<vmem_shared>> -> memref<80x128xf32, #tpu.memory_space<vmem_shared>>
      tpu.enqueue_indirect_dma source(%dma_start3A_171 : memref<16x128xf32, #tpu.memory_space<vmem>>) target(%dma_start3A_174 : memref<80x128xf32, #tpu.memory_space<vmem_shared>>) offsets(%add3A_153 : vector<16xi32>) semaphore(%run_scoped3A : memref<!tpu.dma_semaphore, #tpu.memory_space<semaphore_mem>>) {add = true}
      %dma_wait3A_175 = arith.constant 48 : i32
      %dma_wait3A_176 = arith.constant 0 : i32
      %dma_wait3A_177 = tpu.memref_slice %arg11[%dma_wait3A_175, %dma_wait3A_176] : memref<128x128xf32, #tpu.memory_space<vmem>> -> memref<16x128xf32, #tpu.memory_space<vmem>>
      %dma_wait3A_178 = arith.constant 0 : i32
      %dma_wait3A_179 = arith.constant 0 : i32
      %dma_wait3A_180 = tpu.memref_slice %arg8[%dma_wait3A_178, %dma_wait3A_179] : memref<80x128xf32, #tpu.memory_space<vmem_shared>> -> memref<80x128xf32, #tpu.memory_space<vmem_shared>>
      tpu.wait_indirect_dma semaphore(%run_scoped3A : memref<!tpu.dma_semaphore, #tpu.memory_space<semaphore_mem>>) src(%dma_wait3A_177 : memref<16x128xf32, #tpu.memory_space<vmem>>) dst(%dma_wait3A_180 : memref<80x128xf32, #tpu.memory_space<vmem_shared>>)
      tpu.yield
    }) : () -> ()
    %iota3A_154 = tpu.iota {dimensions = array<i32: 0>} : vector<16xi32>
    %add3A_155 = arith.constant 64 : i32
    %add3A_156 = vector.broadcast %add3A_155 : i32 to vector<16xi32>
    %add3A_157 = arith.addi %iota3A_154, %add3A_156 : vector<16xi32>
    "tpu.region"() ({
      %run_scoped3A = tpu.sem_alloc : memref<!tpu.dma_semaphore, #tpu.memory_space<semaphore_mem>>
      %dma_start3A_169 = arith.constant 64 : i32
      %dma_start3A_170 = arith.constant 0 : i32
      %dma_start3A_171 = tpu.memref_slice %arg11[%dma_start3A_169, %dma_start3A_170] : memref<128x128xf32, #tpu.memory_space<vmem>> -> memref<16x128xf32, #tpu.memory_space<vmem>>
      %dma_start3A_172 = arith.constant 0 : i32
      %dma_start3A_173 = arith.constant 0 : i32
      %dma_start3A_174 = tpu.memref_slice %arg8[%dma_start3A_172, %dma_start3A_173] : memref<80x128xf32, #tpu.memory_space<vmem_shared>> -> memref<80x128xf32, #tpu.memory_space<vmem_shared>>
      tpu.enqueue_indirect_dma source(%dma_start3A_171 : memref<16x128xf32, #tpu.memory_space<vmem>>) target(%dma_start3A_174 : memref<80x128xf32, #tpu.memory_space<vmem_shared>>) offsets(%add3A_157 : vector<16xi32>) semaphore(%run_scoped3A : memref<!tpu.dma_semaphore, #tpu.memory_space<semaphore_mem>>) {add = true}
      %dma_wait3A_175 = arith.constant 64 : i32
      %dma_wait3A_176 = arith.constant 0 : i32
      %dma_wait3A_177 = tpu.memref_slice %arg11[%dma_wait3A_175, %dma_wait3A_176] : memref<128x128xf32, #tpu.memory_space<vmem>> -> memref<16x128xf32, #tpu.memory_space<vmem>>
      %dma_wait3A_178 = arith.constant 0 : i32
      %dma_wait3A_179 = arith.constant 0 : i32
      %dma_wait3A_180 = tpu.memref_slice %arg8[%dma_wait3A_178, %dma_wait3A_179] : memref<80x128xf32, #tpu.memory_space<vmem_shared>> -> memref<80x128xf32, #tpu.memory_space<vmem_shared>>
      tpu.wait_indirect_dma semaphore(%run_scoped3A : memref<!tpu.dma_semaphore, #tpu.memory_space<semaphore_mem>>) src(%dma_wait3A_177 : memref<16x128xf32, #tpu.memory_space<vmem>>) dst(%dma_wait3A_180 : memref<80x128xf32, #tpu.memory_space<vmem_shared>>)
      tpu.yield
    }) : () -> ()
    %barrier3A_158 = arith.constant 0 : index
    tpu.barrier barrier_id(%barrier3A_158)
    "tpu.region"() ({
      %run_scoped3A = tpu.sem_alloc : memref<!tpu.dma_semaphore, #tpu.memory_space<semaphore_mem>>
      %dma_start3A_169 = arith.constant 0 : i32
      %dma_start3A_170 = tpu.memref_slice %arg5[%arg0, %multiple_of3A, %dma_start3A_169] : memref<2x10000x128xf32, #tpu.memory_space<hbm>> -> memref<1x624x128xf32, #tpu.memory_space<hbm>>
      %dma_start3A_171 = tpu.memref_squeeze %dma_start3A_170 : memref<1x624x128xf32, #tpu.memory_space<hbm>> -> memref<624x128xf32, #tpu.memory_space<hbm>>
      %dma_start3A_172 = arith.constant 0 : i32
      %dma_start3A_173 = tpu.memref_slice %arg7[%multiple_of3A, %dma_start3A_172] : memref<10000x128xf32, #tpu.memory_space<vmem_shared>> -> memref<624x128xf32, #tpu.memory_space<vmem_shared>>
      tpu.enqueue_dma source(%dma_start3A_173 : memref<624x128xf32, #tpu.memory_space<vmem_shared>>) target(%dma_start3A_171 : memref<624x128xf32, #tpu.memory_space<hbm>>) target_semaphore(%run_scoped3A : memref<!tpu.dma_semaphore, #tpu.memory_space<semaphore_mem>>)
      %dma_wait3A_174 = arith.constant 0 : i32
      %dma_wait3A_175 = tpu.memref_slice %arg5[%arg0, %multiple_of3A, %dma_wait3A_174] : memref<2x10000x128xf32, #tpu.memory_space<hbm>> -> memref<1x624x128xf32, #tpu.memory_space<hbm>>
      %dma_wait3A_176 = tpu.memref_squeeze %dma_wait3A_175 : memref<1x624x128xf32, #tpu.memory_space<hbm>> -> memref<624x128xf32, #tpu.memory_space<hbm>>
      %dma_wait3A_177 = arith.constant 0 : i32
      %dma_wait3A_178 = tpu.memref_slice %arg7[%multiple_of3A, %dma_wait3A_177] : memref<10000x128xf32, #tpu.memory_space<vmem_shared>> -> memref<624x128xf32, #tpu.memory_space<vmem_shared>>
      tpu.wait_dma2 semaphore(%run_scoped3A : memref<!tpu.dma_semaphore, #tpu.memory_space<semaphore_mem>>) src(%dma_wait3A_178 : memref<624x128xf32, #tpu.memory_space<vmem_shared>>) dst(%dma_wait3A_176 : memref<624x128xf32, #tpu.memory_space<hbm>>)
      tpu.yield
    }) : () -> ()
    %lt3A_159 = arith.constant 10 : i32
    %lt3A_160 = arith.cmpi slt, %arg1, %lt3A_159 : i32
    %convert_element_type3A_161 = arith.extui %lt3A_160 : i1 to i32
    %cond3A_162 = arith.constant 0 : i32
    %cond3A_163 = arith.cmpi ne, %convert_element_type3A_161, %cond3A_162 : i32
    scf.if %cond3A_163 {
      %mul3A_169 = arith.constant 8 : i32
      %mul3A_170 = arith.muli %arg1, %mul3A_169 : i32
      %mul3A_171 = arith.constant 80 : i32
      %mul3A_172 = arith.muli %arg0, %mul3A_171 : i32
      %mul3A_173 = arith.constant 8 : i32
      %mul3A_174 = arith.muli %arg1, %mul3A_173 : i32
      %add3A_175 = arith.addi %mul3A_172, %mul3A_174 : i32
      "tpu.region"() ({
        %run_scoped3A = tpu.sem_alloc : memref<!tpu.dma_semaphore, #tpu.memory_space<semaphore_mem>>
        %dma_start3A_176 = arith.constant 0 : i32
        %dma_start3A_177 = tpu.memref_slice %arg6[%add3A_175, %dma_start3A_176] : memref<160x128xf32, #tpu.memory_space<hbm>> -> memref<8x128xf32, #tpu.memory_space<hbm>>
        %dma_start3A_178 = arith.constant 0 : i32
        %dma_start3A_179 = tpu.memref_slice %arg8[%mul3A_170, %dma_start3A_178] : memref<80x128xf32, #tpu.memory_space<vmem_shared>> -> memref<8x128xf32, #tpu.memory_space<vmem_shared>>
        tpu.enqueue_dma source(%dma_start3A_179 : memref<8x128xf32, #tpu.memory_space<vmem_shared>>) target(%dma_start3A_177 : memref<8x128xf32, #tpu.memory_space<hbm>>) target_semaphore(%run_scoped3A : memref<!tpu.dma_semaphore, #tpu.memory_space<semaphore_mem>>)
        %dma_wait3A_180 = arith.constant 0 : i32
        %dma_wait3A_181 = tpu.memref_slice %arg6[%add3A_175, %dma_wait3A_180] : memref<160x128xf32, #tpu.memory_space<hbm>> -> memref<8x128xf32, #tpu.memory_space<hbm>>
        %dma_wait3A_182 = arith.constant 0 : i32
        %dma_wait3A_183 = tpu.memref_slice %arg8[%mul3A_170, %dma_wait3A_182] : memref<80x128xf32, #tpu.memory_space<vmem_shared>> -> memref<8x128xf32, #tpu.memory_space<vmem_shared>>
        tpu.wait_dma2 semaphore(%run_scoped3A : memref<!tpu.dma_semaphore, #tpu.memory_space<semaphore_mem>>) src(%dma_wait3A_183 : memref<8x128xf32, #tpu.memory_space<vmem_shared>>) dst(%dma_wait3A_181 : memref<8x128xf32, #tpu.memory_space<hbm>>)
        tpu.yield
      }) : () -> ()
    } else {
    }
    %eq3A_164 = arith.constant 0 : i32
    %eq3A_165 = arith.cmpi eq, %arg1, %eq3A_164 : i32
    %convert_element_type3A_166 = arith.extui %eq3A_165 : i1 to i32
    %cond3A_167 = arith.constant 0 : i32
    %cond3A_168 = arith.cmpi ne, %convert_element_type3A_166, %cond3A_167 : i32
    scf.if %cond3A_168 {
      "tpu.region"() ({
        %run_scoped3A = tpu.sem_alloc : memref<!tpu.dma_semaphore, #tpu.memory_space<semaphore_mem>>
        %dma_start3A_169 = arith.constant 9984 : i32
        %dma_start3A_170 = arith.constant 0 : i32
        %dma_start3A_171 = tpu.memref_slice %arg5[%arg0, %dma_start3A_169, %dma_start3A_170] : memref<2x10000x128xf32, #tpu.memory_space<hbm>> -> memref<1x16x128xf32, #tpu.memory_space<hbm>>
        %dma_start3A_172 = tpu.memref_squeeze %dma_start3A_171 : memref<1x16x128xf32, #tpu.memory_space<hbm>> -> memref<16x128xf32, #tpu.memory_space<hbm>>
        %dma_start3A_173 = arith.constant 9984 : i32
        %dma_start3A_174 = arith.constant 0 : i32
        %dma_start3A_175 = tpu.memref_slice %arg7[%dma_start3A_173, %dma_start3A_174] : memref<10000x128xf32, #tpu.memory_space<vmem_shared>> -> memref<16x128xf32, #tpu.memory_space<vmem_shared>>
        tpu.enqueue_dma source(%dma_start3A_175 : memref<16x128xf32, #tpu.memory_space<vmem_shared>>) target(%dma_start3A_172 : memref<16x128xf32, #tpu.memory_space<hbm>>) target_semaphore(%run_scoped3A : memref<!tpu.dma_semaphore, #tpu.memory_space<semaphore_mem>>)
        %dma_wait3A_176 = arith.constant 9984 : i32
        %dma_wait3A_177 = arith.constant 0 : i32
        %dma_wait3A_178 = tpu.memref_slice %arg5[%arg0, %dma_wait3A_176, %dma_wait3A_177] : memref<2x10000x128xf32, #tpu.memory_space<hbm>> -> memref<1x16x128xf32, #tpu.memory_space<hbm>>
        %dma_wait3A_179 = tpu.memref_squeeze %dma_wait3A_178 : memref<1x16x128xf32, #tpu.memory_space<hbm>> -> memref<16x128xf32, #tpu.memory_space<hbm>>
        %dma_wait3A_180 = arith.constant 9984 : i32
        %dma_wait3A_181 = arith.constant 0 : i32
        %dma_wait3A_182 = tpu.memref_slice %arg7[%dma_wait3A_180, %dma_wait3A_181] : memref<10000x128xf32, #tpu.memory_space<vmem_shared>> -> memref<16x128xf32, #tpu.memory_space<vmem_shared>>
        tpu.wait_dma2 semaphore(%run_scoped3A : memref<!tpu.dma_semaphore, #tpu.memory_space<semaphore_mem>>) src(%dma_wait3A_182 : memref<16x128xf32, #tpu.memory_space<vmem_shared>>) dst(%dma_wait3A_179 : memref<16x128xf32, #tpu.memory_space<hbm>>)
        tpu.yield
      }) : () -> ()
    } else {
    }
    return
  }
}

module attributes {stable_mosaic.version = 14 : i64} {
  func.func @_prep_body(%arg0: i32, %arg1: memref<10000x2xf32, #tpu.memory_space<vmem>>, %arg2: memref<10000x128xf32, #tpu.memory_space<vmem>>, %arg3: memref<128x128xf32, #tpu.memory_space<vmem>>, %arg4: memref<10000x1xf32, #tpu.memory_space<vmem>>, %arg5: memref<10000x128xf32, #tpu.memory_space<vmem>>) attributes {dimension_semantics = [#tpu.dimension_semantics<arbitrary>], iteration_bounds = array<i64: 1>, scalar_prefetch = 0 : i64, scratch_operands = 0 : i64, tpu.core_type = #tpu.core_type<tc>, window_params = [{transform_indices = @transform_0, window_bounds = array<i64: 10000, 2>}, {transform_indices = @transform_1, window_bounds = array<i64: 10000, 128>}, {pipeline_mode = #tpu.pipeline_mode<synchronous>, transform_indices = @transform_2, window_bounds = array<i64: 128, 128>}, {transform_indices = @transform_3, window_bounds = array<i64: 10000, 1>}, {transform_indices = @transform_4, window_bounds = array<i64: 10000, 128>}]} {
    %get3A = arith.constant 0 : index
    %get3A_0 = arith.constant 0 : index
    %get3A_1 = vector.load %arg1[%get3A, %get3A_0] : memref<10000x2xf32, #tpu.memory_space<vmem>>, vector<10000x2xf32>
    %reduce_sum3A = arith.constant dense<0.000000e+00> : vector<10000xf32>
    %reduce_sum3A_2 = vector.multi_reduction <add>, %get3A_1, %reduce_sum3A [1] : vector<10000x2xf32> to vector<10000xf32>
    %add3A = arith.constant 1.000000e+00 : f32
    %add3A_3 = vector.broadcast %add3A : f32 to vector<10000xf32>
    %add3A_4 = arith.addf %reduce_sum3A_2, %add3A_3 : vector<10000xf32>
    %rsqrt3A = math.rsqrt %add3A_4 : vector<10000xf32>
    %broadcast_in_dim3A = vector.shape_cast %rsqrt3A : vector<10000xf32> to vector<10000x1xf32>
    %swap3A = arith.constant 0 : index
    %swap3A_5 = arith.constant 0 : index
    %swap3A_6 = vector.load %arg4[%swap3A, %swap3A_5] : memref<10000x1xf32, #tpu.memory_space<vmem>>, vector<10000x1xf32>
    tpu.vector_store %arg4[%swap3A, %swap3A_5], %broadcast_in_dim3A {strides = array<i32>} : memref<10000x1xf32, #tpu.memory_space<vmem>>, vector<10000x1xf32>,
    %get3A_7 = arith.constant 0 : index
    %get3A_8 = arith.constant 0 : index
    %get3A_9 = vector.load %arg2[%get3A_7, %get3A_8] : memref<10000x128xf32, #tpu.memory_space<vmem>>, vector<10000x128xf32>
    %get3A_10 = arith.constant 0 : index
    %get3A_11 = arith.constant 0 : index
    %get3A_12 = vector.load %arg3[%get3A_10, %get3A_11] : memref<128x128xf32, #tpu.memory_space<vmem>>, vector<128x128xf32>
    %dot_general3A = arith.constant dense<0.000000e+00> : vector<10000x128xf32>
    %dot_general3A_13 = tpu.matmul %get3A_9, %get3A_12, %dot_general3A {dimension_numbers = #tpu.dot_dimension_numbers<[1], [0], [0], [1], [0, 0, 1, 1], [], []>, transpose_lhs_hint = false} : vector<10000x128xf32>, vector<128x128xf32>, vector<10000x128xf32> -> vector<10000x128xf32>
    %broadcast_in_dim3A_14 = vector.shape_cast %rsqrt3A : vector<10000xf32> to vector<10000x1xf32>
    %mul3A = vector.broadcast %broadcast_in_dim3A_14 : vector<10000x1xf32> to vector<10000x128xf32>
    %mul3A_15 = arith.mulf %dot_general3A_13, %mul3A : vector<10000x128xf32>
    %swap3A_16 = arith.constant 0 : index
    %swap3A_17 = arith.constant 0 : index
    %swap3A_18 = vector.load %arg5[%swap3A_16, %swap3A_17] : memref<10000x128xf32, #tpu.memory_space<vmem>>, vector<10000x128xf32>
    tpu.vector_store %arg5[%swap3A_16, %swap3A_17], %mul3A_15 {strides = array<i32>} : memref<10000x128xf32, #tpu.memory_space<vmem>>, vector<10000x128xf32>,
    return
  }
  func.func @transform_0(%arg0: i32) -> (i32, i32) {
    %c0_i32 = arith.constant 0 : i32
    %c0_i32_0 = arith.constant 0 : i32
    return %arg0, %c0_i32 : i32, i32
  }
  func.func @transform_1(%arg0: i32) -> (i32, i32) {
    %c0_i32 = arith.constant 0 : i32
    %c0_i32_0 = arith.constant 0 : i32
    return %arg0, %c0_i32 : i32, i32
  }
  func.func @transform_2(%arg0: i32) -> (i32, i32) {
    %c0_i32 = arith.constant 0 : i32
    %c0_i32_0 = arith.constant 0 : i32
    %c0_i32_1 = arith.constant 0 : i32
    return %c0_i32, %c0_i32_0 : i32, i32
  }
  func.func @transform_3(%arg0: i32) -> (i32, i32) {
    %c0_i32 = arith.constant 0 : i32
    %c0_i32_0 = arith.constant 0 : i32
    return %arg0, %c0_i32 : i32, i32
  }
  func.func @transform_4(%arg0: i32) -> (i32, i32) {
    %c0_i32 = arith.constant 0 : i32
    %c0_i32_0 = arith.constant 0 : i32
    return %arg0, %c0_i32 : i32, i32
  }
}

module attributes {stable_mosaic.version = 14 : i64} {
  func.func @_final_body(%arg0: i32, %arg1: memref<2x10000x128xf32, #tpu.memory_space<vmem>>, %arg2: memref<10000x128xf32, #tpu.memory_space<vmem>>, %arg3: memref<10000x1xf32, #tpu.memory_space<vmem>>, %arg4: memref<10000x2xf32, #tpu.memory_space<vmem>>, %arg5: memref<1x128xf32, #tpu.memory_space<vmem>>, %arg6: memref<128x128xf32, #tpu.memory_space<vmem>>, %arg7: memref<1x128xf32, #tpu.memory_space<vmem>>, %arg8: memref<128x128xf32, #tpu.memory_space<vmem>>, %arg9: memref<1x128xf32, #tpu.memory_space<vmem>>, %arg10: memref<1x128xf32, #tpu.memory_space<vmem>>, %arg11: memref<1x128xf32, #tpu.memory_space<vmem>>) attributes {dimension_semantics = [#tpu.dimension_semantics<arbitrary>], iteration_bounds = array<i64: 1>, scalar_prefetch = 0 : i64, scratch_operands = 1 : i64, tpu.core_type = #tpu.core_type<tc>, window_params = [{transform_indices = @transform_0, window_bounds = array<i64: 2, 10000, 128>}, {transform_indices = @transform_1, window_bounds = array<i64: 10000, 128>}, {transform_indices = @transform_2, window_bounds = array<i64: 10000, 1>}, {transform_indices = @transform_3, window_bounds = array<i64: 10000, 2>}, {pipeline_mode = #tpu.pipeline_mode<synchronous>, transform_indices = @transform_4, window_bounds = array<i64: 1, 128>}, {pipeline_mode = #tpu.pipeline_mode<synchronous>, transform_indices = @transform_5, window_bounds = array<i64: 128, 128>}, {pipeline_mode = #tpu.pipeline_mode<synchronous>, transform_indices = @transform_6, window_bounds = array<i64: 1, 128>}, {pipeline_mode = #tpu.pipeline_mode<synchronous>, transform_indices = @transform_7, window_bounds = array<i64: 128, 128>}, {pipeline_mode = #tpu.pipeline_mode<synchronous>, transform_indices = @transform_8, window_bounds = array<i64: 1, 128>}, {pipeline_mode = #tpu.pipeline_mode<synchronous>, transform_indices = @transform_9, window_bounds = array<i64: 1, 128>}]} {
    %eq3A = arith.constant 0 : i32
    %eq3A_0 = arith.cmpi eq, %arg0, %eq3A : i32
    %convert_element_type3A = arith.extui %eq3A_0 : i1 to i32
    %cond3A = arith.constant 0 : i32
    %cond3A_1 = arith.cmpi ne, %convert_element_type3A, %cond3A : i32
    scf.if %cond3A_1 {
      %broadcast_in_dim3A_44 = arith.constant 0.000000e+00 : f32
      %broadcast_in_dim3A_45 = vector.broadcast %broadcast_in_dim3A_44 : f32 to vector<1x128xf32>
      %swap3A_46 = arith.constant 0 : index
      %swap3A_47 = arith.constant 0 : index
      %swap3A_48 = vector.load %arg11[%swap3A_46, %swap3A_47] : memref<1x128xf32, #tpu.memory_space<vmem>>, vector<1x128xf32>
      tpu.vector_store %arg11[%swap3A_46, %swap3A_47], %broadcast_in_dim3A_45 {strides = array<i32>} : memref<1x128xf32, #tpu.memory_space<vmem>>, vector<1x128xf32>,
    } else {
    }
    %get3A = arith.constant 0 : index
    %get3A_2 = arith.constant 0 : index
    %get3A_3 = vector.load %arg3[%get3A, %get3A_2] : memref<10000x1xf32, #tpu.memory_space<vmem>>, vector<10000x1xf32>
    %get3A_4 = arith.constant 0 : index
    %get3A_5 = arith.constant 0 : index
    %get3A_6 = arith.constant 0 : index
    %get3A_7 = vector.load %arg1[%get3A_4, %get3A_5, %get3A_6] : memref<2x10000x128xf32, #tpu.memory_space<vmem>>, vector<1x10000x128xf32>
    %get3A_8 = vector.shape_cast %get3A_7 : vector<1x10000x128xf32> to vector<10000x128xf32>
    %get3A_9 = arith.constant 1 : index
    %get3A_10 = arith.constant 0 : index
    %get3A_11 = arith.constant 0 : index
    %get3A_12 = vector.load %arg1[%get3A_9, %get3A_10, %get3A_11] : memref<2x10000x128xf32, #tpu.memory_space<vmem>>, vector<1x10000x128xf32>
    %get3A_13 = vector.shape_cast %get3A_12 : vector<1x10000x128xf32> to vector<10000x128xf32>
    %add3A = arith.addf %get3A_8, %get3A_13 : vector<10000x128xf32>
    %get3A_14 = arith.constant 0 : index
    %get3A_15 = arith.constant 0 : index
    %get3A_16 = vector.load %arg2[%get3A_14, %get3A_15] : memref<10000x128xf32, #tpu.memory_space<vmem>>, vector<10000x128xf32>
    %sub3A = arith.subf %add3A, %get3A_16 : vector<10000x128xf32>
    %mul3A = vector.broadcast %get3A_3 : vector<10000x1xf32> to vector<10000x128xf32>
    %mul3A_17 = arith.mulf %sub3A, %mul3A : vector<10000x128xf32>
    %get3A_18 = arith.constant 0 : index
    %get3A_19 = arith.constant 0 : index
    %get3A_20 = vector.load %arg5[%get3A_18, %get3A_19] : memref<1x128xf32, #tpu.memory_space<vmem>>, vector<1x128xf32>
    %add3A_21 = vector.broadcast %get3A_20 : vector<1x128xf32> to vector<10000x128xf32>
    %add3A_22 = arith.addf %mul3A_17, %add3A_21 : vector<10000x128xf32>
    %max3A = arith.constant 0.000000e+00 : f32
    %max3A_23 = vector.broadcast %max3A : f32 to vector<10000x128xf32>
    %max3A_24 = arith.maximumf %add3A_22, %max3A_23 : vector<10000x128xf32>
    %get3A_25 = arith.constant 0 : index
    %get3A_26 = arith.constant 0 : index
    %get3A_27 = vector.load %arg4[%get3A_25, %get3A_26] : memref<10000x2xf32, #tpu.memory_space<vmem>>, vector<10000x2xf32>
    %reduce_sum3A = arith.constant dense<0.000000e+00> : vector<10000xf32>
    %reduce_sum3A_28 = vector.multi_reduction <add>, %get3A_27, %reduce_sum3A [1] : vector<10000x2xf32> to vector<10000xf32>
    %squeeze3A = vector.shape_cast %get3A_3 : vector<10000x1xf32> to vector<10000xf32>
    %squeeze3A_29 = vector.shape_cast %get3A_3 : vector<10000x1xf32> to vector<10000xf32>
    %add3A_30 = arith.addf %squeeze3A_29, %reduce_sum3A_28 : vector<10000xf32>
    %mul3A_31 = arith.mulf %squeeze3A, %add3A_30 : vector<10000xf32>
    %get3A_32 = arith.constant 0 : index
    %get3A_33 = arith.constant 0 : index
    %get3A_34 = vector.load %arg11[%get3A_32, %get3A_33] : memref<1x128xf32, #tpu.memory_space<vmem>>, vector<1x128xf32>
    %broadcast_in_dim3A = vector.shape_cast %mul3A_31 : vector<10000xf32> to vector<1x10000xf32>
    %dot_general3A = arith.constant dense<0.000000e+00> : vector<1x128xf32>
    %dot_general3A_35 = tpu.matmul %broadcast_in_dim3A, %max3A_24, %dot_general3A {dimension_numbers = #tpu.dot_dimension_numbers<[1], [0], [0], [1], [0, 0, 1, 1], [], []>, transpose_lhs_hint = false} : vector<1x10000xf32>, vector<10000x128xf32>, vector<1x128xf32> -> vector<1x128xf32>
    %add3A_36 = arith.addf %get3A_34, %dot_general3A_35 : vector<1x128xf32>
    %swap3A = arith.constant 0 : index
    %swap3A_37 = arith.constant 0 : index
    %swap3A_38 = vector.load %arg11[%swap3A, %swap3A_37] : memref<1x128xf32, #tpu.memory_space<vmem>>, vector<1x128xf32>
    tpu.vector_store %arg11[%swap3A, %swap3A_37], %add3A_36 {strides = array<i32>} : memref<1x128xf32, #tpu.memory_space<vmem>>, vector<1x128xf32>,
    %eq3A_39 = arith.constant 0 : i32
    %eq3A_40 = arith.cmpi eq, %arg0, %eq3A_39 : i32
    %convert_element_type3A_41 = arith.extui %eq3A_40 : i1 to i32
    %cond3A_42 = arith.constant 0 : i32
    %cond3A_43 = arith.cmpi ne, %convert_element_type3A_41, %cond3A_42 : i32
    scf.if %cond3A_43 {
      %get3A_44 = arith.constant 0 : index
      %get3A_45 = arith.constant 0 : index
      %get3A_46 = vector.load %arg11[%get3A_44, %get3A_45] : memref<1x128xf32, #tpu.memory_space<vmem>>, vector<1x128xf32>
      %div3A = arith.constant 1.000000e+04 : f32
      %div3A_47 = vector.broadcast %div3A : f32 to vector<1x128xf32>
      %div3A_48 = arith.divf %get3A_46, %div3A_47 : vector<1x128xf32>
      %get3A_49 = arith.constant 0 : index
      %get3A_50 = arith.constant 0 : index
      %get3A_51 = vector.load %arg6[%get3A_49, %get3A_50] : memref<128x128xf32, #tpu.memory_space<vmem>>, vector<128x128xf32>
      %dot_general3A_52 = arith.constant dense<0.000000e+00> : vector<1x128xf32>
      %dot_general3A_53 = tpu.matmul %div3A_48, %get3A_51, %dot_general3A_52 {dimension_numbers = #tpu.dot_dimension_numbers<[1], [0], [0], [1], [0, 0, 1, 1], [], []>, transpose_lhs_hint = false} : vector<1x128xf32>, vector<128x128xf32>, vector<1x128xf32> -> vector<1x128xf32>
      %get3A_54 = arith.constant 0 : index
      %get3A_55 = arith.constant 0 : index
      %get3A_56 = vector.load %arg7[%get3A_54, %get3A_55] : memref<1x128xf32, #tpu.memory_space<vmem>>, vector<1x128xf32>
      %add3A_57 = arith.addf %dot_general3A_53, %get3A_56 : vector<1x128xf32>
      %get3A_58 = arith.constant 0 : index
      %get3A_59 = arith.constant 0 : index
      %get3A_60 = vector.load %arg8[%get3A_58, %get3A_59] : memref<128x128xf32, #tpu.memory_space<vmem>>, vector<128x128xf32>
      %dot_general3A_61 = arith.constant dense<0.000000e+00> : vector<1x128xf32>
      %dot_general3A_62 = tpu.matmul %add3A_57, %get3A_60, %dot_general3A_61 {dimension_numbers = #tpu.dot_dimension_numbers<[1], [0], [0], [1], [0, 0, 1, 1], [], []>, transpose_lhs_hint = false} : vector<1x128xf32>, vector<128x128xf32>, vector<1x128xf32> -> vector<1x128xf32>
      %get3A_63 = arith.constant 0 : index
      %get3A_64 = arith.constant 0 : index
      %get3A_65 = vector.load %arg9[%get3A_63, %get3A_64] : memref<1x128xf32, #tpu.memory_space<vmem>>, vector<1x128xf32>
      %add3A_66 = arith.addf %dot_general3A_62, %get3A_65 : vector<1x128xf32>
      %mul3A_67 = arith.mulf %add3A_66, %add3A_66 : vector<1x128xf32>
      %reduce_sum3A_68 = vector.shape_cast %mul3A_67 : vector<1x128xf32> to vector<1x1x128xf32>
      %reduce_sum3A_69 = arith.constant dense<0.000000e+00> : vector<1xf32>
      %reduce_sum3A_70 = vector.multi_reduction <add>, %reduce_sum3A_68, %reduce_sum3A_69 [1, 2] : vector<1x1x128xf32> to vector<1xf32>
      %reduce_sum3A_71 = vector.shape_cast %reduce_sum3A_70 : vector<1xf32> to vector<1x1x1xf32>
      %reduce_sum3A_72 = vector.extract %reduce_sum3A_71[0, 0, 0] : f32 from vector<1x1x1xf32>
      %sqrt3A = math.sqrt %reduce_sum3A_72 : f32
      %max3A_73 = arith.constant 9.99999996E-13 : f32
      %max3A_74 = arith.maximumf %sqrt3A, %max3A_73 : f32
      %div3A_75 = vector.broadcast %max3A_74 : f32 to vector<1x128xf32>
      %div3A_76 = arith.divf %add3A_66, %div3A_75 : vector<1x128xf32>
      %swap3A_77 = arith.constant 0 : index
      %swap3A_78 = arith.constant 0 : index
      %swap3A_79 = vector.load %arg10[%swap3A_77, %swap3A_78] : memref<1x128xf32, #tpu.memory_space<vmem>>, vector<1x128xf32>
      tpu.vector_store %arg10[%swap3A_77, %swap3A_78], %div3A_76 {strides = array<i32>} : memref<1x128xf32, #tpu.memory_space<vmem>>, vector<1x128xf32>,
    } else {
    }
    return
  }
  func.func @transform_0(%arg0: i32) -> (i32, i32, i32) {
    %c0_i32 = arith.constant 0 : i32
    %c0_i32_0 = arith.constant 0 : i32
    %c0_i32_1 = arith.constant 0 : i32
    return %c0_i32, %arg0, %c0_i32_0 : i32, i32, i32
  }
  func.func @transform_1(%arg0: i32) -> (i32, i32) {
    %c0_i32 = arith.constant 0 : i32
    %c0_i32_0 = arith.constant 0 : i32
    return %arg0, %c0_i32 : i32, i32
  }
  func.func @transform_2(%arg0: i32) -> (i32, i32) {
    %c0_i32 = arith.constant 0 : i32
    %c0_i32_0 = arith.constant 0 : i32
    return %arg0, %c0_i32 : i32, i32
  }
  func.func @transform_3(%arg0: i32) -> (i32, i32) {
    %c0_i32 = arith.constant 0 : i32
    %c0_i32_0 = arith.constant 0 : i32
    return %arg0, %c0_i32 : i32, i32
  }
  func.func @transform_4(%arg0: i32) -> (i32, i32) {
    %c0_i32 = arith.constant 0 : i32
    %c0_i32_0 = arith.constant 0 : i32
    %c0_i32_1 = arith.constant 0 : i32
    return %c0_i32, %c0_i32_0 : i32, i32
  }
  func.func @transform_5(%arg0: i32) -> (i32, i32) {
    %c0_i32 = arith.constant 0 : i32
    %c0_i32_0 = arith.constant 0 : i32
    %c0_i32_1 = arith.constant 0 : i32
    return %c0_i32, %c0_i32_0 : i32, i32
  }
  func.func @transform_6(%arg0: i32) -> (i32, i32) {
    %c0_i32 = arith.constant 0 : i32
    %c0_i32_0 = arith.constant 0 : i32
    %c0_i32_1 = arith.constant 0 : i32
    return %c0_i32, %c0_i32_0 : i32, i32
  }
  func.func @transform_7(%arg0: i32) -> (i32, i32) {
    %c0_i32 = arith.constant 0 : i32
    %c0_i32_0 = arith.constant 0 : i32
    %c0_i32_1 = arith.constant 0 : i32
    return %c0_i32, %c0_i32_0 : i32, i32
  }
  func.func @transform_8(%arg0: i32) -> (i32, i32) {
    %c0_i32 = arith.constant 0 : i32
    %c0_i32_0 = arith.constant 0 : i32
    %c0_i32_1 = arith.constant 0 : i32
    return %c0_i32, %c0_i32_0 : i32, i32
  }
  func.func @transform_9(%arg0: i32) -> (i32, i32) {
    %c0_i32 = arith.constant 0 : i32
    %c0_i32_0 = arith.constant 0 : i32
    %c0_i32_1 = arith.constant 0 : i32
    return %c0_i32, %c0_i32_0 : i32, i32
  }
}

</mosaic_0001>

<sc_bundles>
// kernel: kernel.6.cloned.1.call-start
scs
__scs_entry_jumppad:
0x0: {  	(pc) =	sbr.rel $0x88, $3  }
0x1: {  	(tag) =	ssettag $0x0;
	lr =	simm.s32 $0x1  }
0x2: {  	[smem:$0x3F99] =	sst lr;
	_ =	strace $0xD0000000  }
0x3: {  	_ = 	snop  }
0x4: {  	_ = 	snop  }
0x5: {  	_ = 	snop  }
0x6: {  	_ = 	snop  }
0x7: {  	_ = 	snop  }
__scs_overlays_trampoline_lowered:
0x8: {  	[smem:$0x3FA8] =	sst s0  }
0x9: {  	[smem:$0x3FA9] =	sst s1  }
0xa: {  	[smem:$0x3FAA] =	sst s2  }
0xb: {  	[smem:$0x3FAB] =	sst s3  }
0xc: {  	[smem:$0x3FAC] =	sst s4  }
0xd: {  	[smem:$0x3FAD] =	sst s5  }
0xe: {  	[smem:$0x3FAE] =	sst s6  }
0xf: {  	[smem:$0x3FAF] =	sst s7  }
0x10: {  	[smem:$0x3FB0] =	sst s8  }
0x11: {  	[smem:$0x3FB1] =	sst s9;
	s0 =	simm.s32 @!p0 $0x0  }
0x12: {  	s1 =	sld [smem:$0x3F97];
	s0 =	simm.s32 @p0 $0x1  }
0x13: {  	[smem:$0x3FB2] =	sst s0;
	s0 =	simm.s32 @!p1 $0x0  }
0x14: {  	s2 =	sld [smem:$0x3F96];
	s0 =	simm.s32 @p1 $0x1  }
0x15: {  	[smem:$0x3FB3] =	sst s0;
	s0 =	simm.s32 @!p2 $0x0  }
0x16: {  	s3 =	sld [smem:$0x3FDB];
	s0 =	simm.s32 @p2 $0x1  }
0x17: {  	s4 =	simm.s32 $0x1BF5;
	[smem:$0x3FB5] =	sst s0  }
0x18: {  	s0 =	sld [smem:$0x3F98];
	_ =	swait.ge [sflag:s4], $0x0  }
0x19: {  	s7 =	sld [smem:$0x3F99]  }
0x1a: {  	s8 =	sadd.s32 $0xFFFFE003, lr  }
0x1b: {  	s9 =	sadd.s32 $0xFFFFFEF7, lr;
	s5 =	simm.s32 $0xFFFFFFFF;
	p2 =	slt.u32 s8, $0xFFFFF086  }
0x1c: {  	p1 =	slt.u32 s9, $0xF7A;
	s5 =	simm.s32 @!p2 $0x0  }
0x1d: {  	s5 =	simm.s32 @p1 $0x1;
	p0 =	seq.s32 s7, s2  }
0x1e: {  	s7 =	smul.u32 @!p0 $0xF7A, s2;
	p2 =	seq.s32 @!p0 s5, $0x0  }
0x1f: {  	s9 =	smul.u32 $0xF7A, s1;
	s8 =	simm.s32 @!p0 $0x1BF5;
	p2 =	por !p2, p0  }
0x20: {  	[sflag:s8] =	ssyncset.s32 @!p0 $0xFFFFF086;
	s6 =	sadd.s32 @!p0 s3, s7;
	s7 =	simm.s32 @!p0 $0x108  }
0x21: {  	s3 =	sadd.s32 s3, s9;
	s6 =	sadd.s32 @!p0 $0x88, s6;
	s7 =	simm.s32 @p2 $0x1082  }
0x22: {  	[simem:s7], [sflag:s8] =	dma.local @!p0 [hbm:s6], $0xF7A  }
0x23: {  	s9 =	sor.u32 $0xD0000000, s2;
	s6 =	simm.s32 $0x108;
	_ =	swait.ge @!p0 [sflag:s8], $0x0  }
0x24: {  	s3 =	sadd.s32 $0x88, s3;
	s6 =	simm.s32 @!p1 $0x1082;
	[sflag:s4] =	ssyncset.s32 $0xFFFFF086  }
0x25: {  	[simem:s6], [sflag:s4] =	dma.local [hbm:s3], $0xF7A  }
0x26: {  	[smem:$0x3F99] =	sst s1;
	(tag) =	ssettag s2;
	_ =	strace s9  }
0x27: {  	s1 =	sld [smem:$0x3FA9]  }
0x28: {  	s2 =	sld [smem:$0x3FAA]  }
0x29: {  	s4 =	sld [smem:$0x3FAC]  }
0x2a: {  	p0 =	seq.s32 s5, $0x0;
	s5 =	sld [smem:$0x3FAD]  }
0x2b: {  	s6 =	sld [smem:$0x3FAE]  }
0x2c: {  	s7 =	sld [smem:$0x3FAF]  }
0x2d: {  	s3 =	simm.s32 $0x108;
	s8 =	sld [smem:$0x3FB0]  }
0x2e: {  	s3 =	simm.s32 @!p0 $0x1082;
	s9 =	sld [smem:$0x3FB1]  }
0x2f: {  	lr =	sadd.s32 s0, s3;
	s0 =	sld [smem:$0x3FA8]  }
0x30: {  	s3 =	sld [smem:$0x3FAB]  }
0x31: {  	[smem:$0x3FB4] =	sst s10  }
0x32: {  	s10 =	sld [smem:$0x3FB2];
	_ =	sdelay $0x3  }
0x33: {  	p0 =	seq.s32 s10, $0x1;
	s10 =	sld [smem:$0x3FB4];
	_ =	sdelay $0x3  }
0x34: {  	[smem:$0x3FB4] =	sst s10  }
0x35: {  	s10 =	sld [smem:$0x3FB3];
	_ =	sdelay $0x3  }
0x36: {  	p1 =	seq.s32 s10, $0x1;
	s10 =	sld [smem:$0x3FB4];
	_ =	sdelay $0x3  }
0x37: {  	[smem:$0x3FB4] =	sst s10  }
0x38: {  	s10 =	sld [smem:$0x3FB5]  }
0x39: {  	_ = 	snop;
	(pc) =	sbr.ind lr, $3  }
0x3a: {  	_ = 	snop  }
0x3b: {  	_ = 	snop  }
0x3c: {  	p2 =	seq.s32 s10, $0x1;
	s10 =	sld [smem:$0x3FB4]  }
0x3d: {  	_ =	shalt  }
0x3e: {  	_ =	shalt  }
0x3f: {  	_ =	shalt  }
0x40: {  	_ =	shalt  }
0x41: {  	_ =	shalt  }
0x42: {  	_ =	shalt  }
0x43: {  	_ =	shalt  }
0x44: {  	_ =	shalt  }
0x45: {  	_ =	shalt  }
0x46: {  	_ =	shalt  }
0x47: {  	_ =	shalt  }
0x48: {  	_ =	shalt  }
0x49: {  	_ =	shalt  }
0x4a: {  	_ =	shalt  }
0x4b: {  	_ =	shalt  }
0x4c: {  	_ =	shalt  }
0x4d: {  	_ =	shalt  }
0x4e: {  	_ =	shalt  }
0x4f: {  	_ =	shalt  }
0x50: {  	_ =	shalt  }
0x51: {  	_ =	shalt  }
0x52: {  	_ =	shalt  }
0x53: {  	_ =	shalt  }
0x54: {  	_ =	shalt  }
0x55: {  	_ =	shalt  }
0x56: {  	_ =	shalt  }
0x57: {  	_ =	shalt  }
0x58: {  	_ =	shalt  }
0x59: {  	_ =	shalt  }
0x5a: {  	_ =	shalt  }
0x5b: {  	_ =	shalt  }
0x5c: {  	_ =	shalt  }
0x5d: {  	_ =	shalt  }
0x5e: {  	_ =	shalt  }
0x5f: {  	_ =	shalt  }
0x60: {  	_ =	shalt  }
0x61: {  	_ =	shalt  }
0x62: {  	_ =	shalt  }
0x63: {  	_ =	shalt  }
0x64: {  	_ =	shalt  }
0x65: {  	_ =	shalt  }
0x66: {  	_ =	shalt  }
0x67: {  	_ =	shalt  }
0x68: {  	_ =	shalt  }
0x69: {  	_ =	shalt  }
0x6a: {  	_ =	shalt  }
0x6b: {  	_ =	shalt  }
0x6c: {  	_ =	shalt  }
0x6d: {  	_ =	shalt  }
0x6e: {  	_ =	shalt  }
0x6f: {  	_ =	shalt  }
0x70: {  	_ =	shalt  }
0x71: {  	_ =	shalt  }
0x72: {  	_ =	shalt  }
0x73: {  	_ =	shalt  }
0x74: {  	_ =	shalt  }
0x75: {  	_ =	shalt  }
0x76: {  	_ =	shalt  }
0x77: {  	_ =	shalt  }
0x78: {  	_ =	shalt  }
0x79: {  	_ =	shalt  }
0x7a: {  	_ =	shalt  }
0x7b: {  	_ =	shalt  }
0x7c: {  	_ =	shalt  }
0x7d: {  	_ =	shalt  }
0x7e: {  	_ =	shalt  }
0x7f: {  	_ =	shalt  }
0x80: {  	_ =	shalt  }
0x81: {  	_ =	shalt  }
0x82: {  	_ =	shalt  }
0x83: {  	_ =	shalt  }
0x84: {  	_ =	shalt  }
0x85: {  	_ =	shalt  }
0x86: {  	_ =	shalt  }
0x87: {  	_ =	shalt  }
.Lfunc_end0:
.L_simem_size_0:
called_computation_lowered:
.L_overlay_start_0:
0x88: {  	s2 =	sld [smem:$0x3FD9]  }
0x89: {  	s3 =	sld [smem:$0x3FFE];
	_ =	sdelay $0x1  }
0x8a: {  	s1 =	srdreg.scid  }
0x8b: {  	s0 =	sand.u32 $0x1, s1  }
0x8c: {  	s16 =	sshll.u32 s0, $0xA;
	s2 =	sadd.s32 s3, s2  }
0x8d: {  	s2 =	sadd.s32 s2, s16  }
0x8e: {  	[smem:$0x3FC0] =	sst s2  }
0x8f: {  	_ = 	snop  }
0x90: {  	(tm) =	ssettm $0x1  }
0x91: {  	s17 =	sld [smem:$0x3FFB];
	_ =	sdelay $0x3  }
0x92: {  	_ =	strace s17  }
0x93: {  	s2 =	sld [smem:$0x3FFC];
	_ =	sdelay $0x3  }
0x94: {  	_ =	strace s2  }
0x95: {  	s2 =	sld [smem:$0x3FFD];
	_ =	sdelay $0x3  }
0x96: {  	_ =	strace s2  }
0x97: {  	_ =	strace $0x8FFFFFFF  }
0x98: {  	s18 =	sld [smem:$0x3FDB];
	_ =	sdelay $0x1  }
0x99: {  	s19 =	simm.s32 $_scs_section_size  }
0x9a: {  	s4 =	simm.s32 $_size__tile_overlayer_lowered;
	s5 =	simm.s32 $_tile_overlayer_lowered  }
0x9b: {  	s22 =	simm.s32 $0x1BFF;
	s21 =	sshll.u32 s5, $0x1;
	s2 =	sadd.s32 s19, s18  }
0x9c: {  	s6 =	simm.s32 $0x0;
	s20 =	sshll.u32 s4, $0x1;
	s4 =	sadd.s32 s21, s2  }
0x9d: {  	[timem:s6], [sflag:s22] =	dma.local [hbm:s4], s20  }
0x9e: {  	_ =	swait.ge [sflag:s22], s20  }
0x9f: {  	s3 =	ssub.s32 $0x0, s20;
	[sflag:s22] =	ssyncset.done $0x0  }
0xa0: {  	[sflag:s22] =	ssyncadd.s32 s3;
	_ =	sdelay $0x1  }
0xa1: {  	s23 =	simm.s32 $0x1B8B  }
0xa2: {  	_ =	swait.ge [sflag:s23], $0x1  }
0xa3: {  	[sflag:s23] =	ssyncset.done $0x0  }
0xa4: {  	s25 =	simm.s32 $0x1B8E;
	s24 =	sld [smem:$0x3FFE];
	[sflag:s23] =	ssyncadd.s32 $0xFFFFFFFF  }
0xa5: {  	s26 =	simm.s32 $execute0_lowered;
	[smem:$0x3FD2] =	sst s25  }
0xa6: {  	s4 =	sshll.u32 s26, $0x1;
	_ =	strace $0x80000046;
	[dreg:$0x1] =	wrdreg $0xFFFFFFFF  }
0xa7: {  	s28 =	simm.s32 $_size_execute0_lowered;
	s2 =	sadd.s32 s2, s4;
	[dreg:$0x0] =	wrdreg $0x0  }
0xa8: {  	s4 =	sshll.u32 s28, $0x1;
	[dreg:$0x2] =	wrdreg s2  }
0xa9: {  	[dreg:$0x3] =	wrdreg s4  }
0xaa: {  	[dreg:$0x4] =	wrdreg $0xC0  }
0xab: {  	_ =	task [dreg:s6], $0x5FFFF  }
0xac: {  	[dreg:$0x1] =	wrdreg $0xFFFFFFFF  }
0xad: {  	[dreg:$0x0] =	wrdreg $0x60  }
0xae: {  	[dreg:$0x2] =	wrdreg s24  }
0xaf: {  	[dreg:$0x3] =	wrdreg $0x0  }
0xb0: {  	[dreg:$0x4] =	wrdreg $0x9  }
0xb1: {  	_ =	task.clear_ibuf [dreg:s6], $0x5FFFF;
	_ =	strace $0x90000046  }
0xb2: {  	s29 =	simm.s32 $0x9;
	_ =	strace $0x80000048  }
0xb3: {  	_ =	swait.ge [sflag:s29], $0x1  }
0xb4: {  	[sflag:s29] =	ssyncadd.s32 $0xFFFFFFFF  }
0xb5: {  	_ =	strace $0x90000048  }
0xb6: {  	_ =	sfence  }
0xb7: {  	s30 =	sld [smem:$0x0];
	_ =	sdelay $0x2  }
0xb8: {  	s31 =	sshll.u32 s1, $0xD;
	s1 =	sshrl.u32 s1, $0x2  }
0xb9: {  	s3 =	sand.u32 $0x4000, s31;
	s1 =	sadd.s32 s1, s30  }
0xba: {  	s0 =	sor.u32 s3, s0;
	s1 =	sshll.u32 s1, $0x11  }
0xbb: {  	s0 =	sor.u32 s1, s0  }
0xbc: {  	s0 =	sadd.s32 $0x8F2B, s0  }
0xbd: {  	[sflag:s0] =	ssyncadd.remote.s32 $0x1  }
0xbe: {  	_ =	sfence.sel $0xFFFF  }
0xbf: {  	[dreg:$0x0] =	wrdreg $0xFFFFFFFF;
	(pc) =	sbr.abs _section_cstart, $3  }
0xc0: {  	[dreg:$0x1] =	wrdreg $0xFFFFFFFF  }
0xc1: {  	_ =	task.clear_ibuf [dreg:s6], $0x2FFFF;
	_ =	strace $0x9FFFFFFF  }
0xc2: {  	(tm) =	ssettm $0x7FFFFFFF  }
0xc3: {  	_ =	shalt  }
tec
execute0_lowered:
.L_overlay_start_1:
0x0: {  	(tag) =	ssettag $0x1  }
0x1: {  	s4 =	rddreg [dreg:$0x0]  }
0x2: {  	s2 =	rddreg [dreg:$0x1]  }
0x3: {  	s3 =	srdreg.scid;
	s1 =	stileid.u32  }
0x4: {  	s0 =	rddreg [dreg:$0x2];
	s11 =	simm.s32 $0xA80;
	s12 =	simm.s32 $0x1280  }
0x5: {  	s13 =	simm.s32 $0x1A80;
	s14 =	simm.s32 $0x2280;
	s17 =	simm.s32 $0x0  }
0x6: {  	s5 =	sand.u32 $0x1, s3;
	s6 =	sshll.u32 s1, $0x1;
	s3 =	simm.s32 $0x0  }
0x7: {  	s8 =	sshll.u32 s1, $0xA;
	s9 =	smul.u32 $0xA00, s1;
	p0 =	sgt.u32 s1, $0x9  }
0x8: {  	s6 =	sor.u32 s5, s6;
	s7 =	smul.u32 $0x2800, s5;
	[smem:$0x7FF] =	sst s3  }
0x9: {  	s5 =	ssub.s32 $0x2, s5;
	s16 =	sadd.s32 s8, s2;
	s15 =	sshll.u32 @!p0 s1, $0x6  }
0xa: {  	s6 =	smul.u32 $0x4E2, s6;
	_ =	strace $0x80000047;
	s31 =	sshrl.u32 s5, $0x1  }
0xb: {  	s9 =	sshrl.u32 s9, $0x2;
	s15 =	sor.u32 @!p0 $0x1C01, s15;
	s16 =	sshrl.u32 @!p0 s16, $0x3  }
0xc: {  	s7 =	sadd.s32 s7, s8;
	s10 =	ssub.s32 s5, s31;
	s5 =	sadd.s32 s9, s2  }
0xd: {  	v0 =	vimm.f32 $0.0e+00;
	v1 =	vlaneseq.u32;
	s8 =	simm.s32 $0x2A80;
	s6 =	sadd.s32 s6, s4;
	s7 =	sshrl.u32 s7, $0x3  }
0xe: {  	v2 =	vimm.f32 $1.000000000e+00;
	vm0 =	vmmov $0xffff;
	v3 =	vor.u32 $0x10, v1;
	s9 =	simm.s32 $0x1;
	s7 =	sadd.s32 s7, s4;
	s4 =	sadd.s32 $0x2000, s6  }
0xf: {  	v4 =	vor.u32 $0x20, v1;
	v5 =	vor.u32 $0x30, v1;
	v6 =	vor.u32 $0x40, v1;
	s6 =	sadd.s32 $0xBE00, s7;
	s7 =	smax.u32 s10, $0x1;
	s10 =	simm.s32 $0x280  }
.LBB2_1:
0x10: {  	[tilespmem:s8], [sflag:$0x1] =	stream.linear.gather [hbm4b:s4+s3], $0x2710, $0x38;
	[tilespmem:$0x5200] =	vst v63  }
0x11: {  	_ =	swait.ge [sflag:s9], $0x2710  }
0x12: {  	[sflag:s9] =	ssyncset.done $0x0  }
0x13: {  	s18 =	simm.s32 $0x10;
	s19 =	sand.u32 $0x3FF0, s3;
	[sflag:s9] =	ssyncadd.s32 $0xFFFFD8F0  }
.LBB2_2:
0x14: {  	p1 =	sne.s32 s18, $0x27F0;
	[tilespmem:s19+$0x280] =	vst v0;
	s19 =	smov.u32 s18;
	s18 =	sadd.s32 $0x10, s18  }
.Ltmp0:
0x15: {  	(pc) =	sbr.rel @p1 .LBB2_2-.Ltmp0, $2  }
0x16: {  	_ =	sdelay $0x2  }
0x17: {  	s19 =	sand.u32 $0x3FF0, s19  }
0x18: {  	[tilespmem:s19+$0x280] =	vst v0  }
0x19: {  	[spmem:s5] =	stream.linear.scatter [tilespmem:s10], [sflag:$0x1], $0x280, $0x38;
	[tilespmem:$0x5200] =	vst v63  }
0x1a: {  	_ =	swait.ge [sflag:s9], $0x280  }
0x1b: {  	[sflag:s9] =	ssyncset.done $0x0  }
0x1c: {  	s19 =	simm.s32 $0x0;
	s18 =	simm.s32 $0x40;
	[sflag:s9] =	ssyncadd.s32 $0xFFFFFD80  }
.LBB2_4:
0x1d: {  	p1 =	sne.s32 s18, $0x9C00;
	v7 =	vld [tilespmem:s19+$0x2A80];
	_ =	sdelay $0x3  }
.Ltmp1:
0x1e: {  	(pc) =	sbr.rel @p1 .LBB2_4-.Ltmp1, $2  }
0x1f: {  	_ =	sdelay $0x2  }
0x20: {  	s19 =	sshra.s32 s18, $0x2;
	s18 =	sadd.s32 $0x40, s18;
	[tilespmem:v7+s10+$0x0] =	vst.idx.add.f32.msk $0xffff, v2  }
0x21: {  	v7 =	vld [tilespmem:s19+$0x2A80];
	_ =	sdelay $0x7  }
0x22: {  	[tilespmem:v7+s10+$0x0] =	vst.idx.add.f32.msk $0xffff, v2  }
0x23: {  	[bflag:$0x0] =	sbarrier.arrive $0xFFFF  }
0x24: {  	[spmem:s2] =	stream.indirect_vreg.scatter.add.f32 [tilespmem:s10], [sflag:$0x1], $0x80, v1, vm0, $0xb8;
	[tilespmem:$0x5200] =	vst v63  }
0x25: {  	_ =	swait.ge [sflag:s9], $0x800  }
0x26: {  	[sflag:s9] =	ssyncset.done $0x0  }
0x27: {  	[sflag:s9] =	ssyncadd.s32 $0xFFFFF800  }
0x28: {  	[spmem:s2] =	stream.indirect_vreg.scatter.add.f32 [tilespmem:s11], [sflag:$0x1], $0x80, v3, vm0, $0xb8;
	[tilespmem:$0x5200] =	vst v63  }
0x29: {  	_ =	swait.ge [sflag:s9], $0x800  }
0x2a: {  	[sflag:s9] =	ssyncset.done $0x0  }
0x2b: {  	[sflag:s9] =	ssyncadd.s32 $0xFFFFF800  }
0x2c: {  	[spmem:s2] =	stream.indirect_vreg.scatter.add.f32 [tilespmem:s12], [sflag:$0x1], $0x80, v4, vm0, $0xb8;
	[tilespmem:$0x5200] =	vst v63  }
0x2d: {  	_ =	swait.ge [sflag:s9], $0x800  }
0x2e: {  	[sflag:s9] =	ssyncset.done $0x0  }
0x2f: {  	[sflag:s9] =	ssyncadd.s32 $0xFFFFF800  }
0x30: {  	[spmem:s2] =	stream.indirect_vreg.scatter.add.f32 [tilespmem:s13], [sflag:$0x1], $0x80, v5, vm0, $0xb8;
	[tilespmem:$0x5200] =	vst v63  }
0x31: {  	_ =	swait.ge [sflag:s9], $0x800  }
0x32: {  	[sflag:s9] =	ssyncset.done $0x0  }
0x33: {  	[sflag:s9] =	ssyncadd.s32 $0xFFFFF800  }
0x34: {  	[spmem:s2] =	stream.indirect_vreg.scatter.add.f32 [tilespmem:s14], [sflag:$0x1], $0x80, v6, vm0, $0xb8;
	[tilespmem:$0x5200] =	vst v63  }
0x35: {  	_ =	swait.ge [sflag:s9], $0x800  }
0x36: {  	s17 =	sadd.s32 $0x1, s17;
	[sflag:s9] =	ssyncset.done $0x0  }
0x37: {  	p1 =	sne.s32 s17, s7;
	[sflag:s9] =	ssyncadd.s32 $0xFFFFF800  }
.Ltmp2:
0x38: {  	s18 =	simm.s32 @!p0 $0x1;
	[bflag:$0x0] =	sbarrier.arrive $0xFFFF;
	(pc) =	sbr.rel @p1 .LBB2_1-.Ltmp2, $4  }
0x39: {  	[hbm:s6], [sflag:s15] =	dma.local @!p0 [spmem:s16], $0x80  }
0x3a: {  	_ =	swait.ge @!p0 [sflag:s18], $0x80  }
0x3b: {  	[sflag:s18] =	ssyncset.done @!p0 $0x0  }
0x3c: {  	[sflag:s18] =	ssyncadd.s32 @!p0 $0xFFFFFF80  }
0x3d: {  	_ =	sfence.sel $0x180000  }
0x3e: {  	[bflag:$0x0] =	sbarrier.arrive $0xFFFF  }
0x3f: {  	p0 =	sne.s32 s1, $0x0;
	_ =	strace $0x90000047  }
0x40: {  	s0 =	sadd.s32 @!p0 $0x100000, s0;
	[bflag:$0x2] =	sbarrier.arrive $0xFFFF  }
0x41: {  	[sflag:s0] =	ssyncadd.tile.s32 @!p0 $0x1;
	_ =	shalt  }
.Lfunc_end2:
_tile_overlayer_lowered:
.L_overlay_start_2:
0x42: {  	(tag) =	ssettag $0x2  }
0x43: {  	s0 =	rddreg [dreg:$0x0];
	s2 =	stileid.u32  }
0x44: {  	s1 =	rddreg [dreg:$0x1];
	p0 =	sne.s32 s2, $0x0  }
0x45: {  	s3 =	rddreg [dreg:$0x2];
	[bflag:$0x3] =	sbarrier.arrive $0xFFFF;
	s2 =	simm.s32 @!p0 $0x1C01  }
0x46: {  	[timem:s3], [sflag:s2] =	dma.local @!p0 [hbm:s0], s1  }
0x47: {  	s0 =	simm.s32 @!p0 $0x1  }
0x48: {  	_ =	swait.ge @!p0 [sflag:s0], s1  }
0x49: {  	s1 =	ssub.s32 @!p0 $0x0, s1;
	[sflag:s0] =	ssyncset.done @!p0 $0x0  }
0x4a: {  	[sflag:s0] =	ssyncadd.s32 @!p0 s1  }
0x4b: {  	[bflag:$0x3] =	sbarrier.arrive $0xFFFF  }
0x4c: {  	_ =	shalt  }

// kernel: kernel.9.cloned.1.call-start
scs
__scs_entry_jumppad:
0x0: {  	(pc) =	sbr.rel $0x88, $3  }
0x1: {  	(tag) =	ssettag $0x0;
	lr =	simm.s32 $0x1  }
0x2: {  	[smem:$0x3F99] =	sst lr;
	_ =	strace $0xD0000000  }
0x3: {  	_ = 	snop  }
0x4: {  	_ = 	snop  }
0x5: {  	_ = 	snop  }
0x6: {  	_ = 	snop  }
0x7: {  	_ = 	snop  }
__scs_overlays_trampoline_lowered:
0x8: {  	[smem:$0x3FA8] =	sst s0  }
0x9: {  	[smem:$0x3FA9] =	sst s1  }
0xa: {  	[smem:$0x3FAA] =	sst s2  }
0xb: {  	[smem:$0x3FAB] =	sst s3  }
0xc: {  	[smem:$0x3FAC] =	sst s4  }
0xd: {  	[smem:$0x3FAD] =	sst s5  }
0xe: {  	[smem:$0x3FAE] =	sst s6  }
0xf: {  	[smem:$0x3FAF] =	sst s7  }
0x10: {  	[smem:$0x3FB0] =	sst s8  }
0x11: {  	[smem:$0x3FB1] =	sst s9;
	s0 =	simm.s32 @!p0 $0x0  }
0x12: {  	s1 =	sld [smem:$0x3F97];
	s0 =	simm.s32 @p0 $0x1  }
0x13: {  	[smem:$0x3FB2] =	sst s0;
	s0 =	simm.s32 @!p1 $0x0  }
0x14: {  	s2 =	sld [smem:$0x3F96];
	s0 =	simm.s32 @p1 $0x1  }
0x15: {  	[smem:$0x3FB3] =	sst s0;
	s0 =	simm.s32 @!p2 $0x0  }
0x16: {  	s3 =	sld [smem:$0x3FDB];
	s0 =	simm.s32 @p2 $0x1  }
0x17: {  	s4 =	simm.s32 $0x1BF5;
	[smem:$0x3FB5] =	sst s0  }
0x18: {  	s0 =	sld [smem:$0x3F98];
	_ =	swait.ge [sflag:s4], $0x0  }
0x19: {  	s7 =	sld [smem:$0x3F99]  }
0x1a: {  	s8 =	sadd.s32 $0xFFFFE003, lr  }
0x1b: {  	s9 =	sadd.s32 $0xFFFFFEF7, lr;
	s5 =	simm.s32 $0xFFFFFFFF;
	p2 =	slt.u32 s8, $0xFFFFF086  }
0x1c: {  	p1 =	slt.u32 s9, $0xF7A;
	s5 =	simm.s32 @!p2 $0x0  }
0x1d: {  	s5 =	simm.s32 @p1 $0x1;
	p0 =	seq.s32 s7, s2  }
0x1e: {  	s7 =	smul.u32 @!p0 $0xF7A, s2;
	p2 =	seq.s32 @!p0 s5, $0x0  }
0x1f: {  	s9 =	smul.u32 $0xF7A, s1;
	s8 =	simm.s32 @!p0 $0x1BF5;
	p2 =	por !p2, p0  }
0x20: {  	[sflag:s8] =	ssyncset.s32 @!p0 $0xFFFFF086;
	s6 =	sadd.s32 @!p0 s3, s7;
	s7 =	simm.s32 @!p0 $0x108  }
0x21: {  	s3 =	sadd.s32 s3, s9;
	s6 =	sadd.s32 @!p0 $0x88, s6;
	s7 =	simm.s32 @p2 $0x1082  }
0x22: {  	[simem:s7], [sflag:s8] =	dma.local @!p0 [hbm:s6], $0xF7A  }
0x23: {  	s9 =	sor.u32 $0xD0000000, s2;
	s6 =	simm.s32 $0x108;
	_ =	swait.ge @!p0 [sflag:s8], $0x0  }
0x24: {  	s3 =	sadd.s32 $0x88, s3;
	s6 =	simm.s32 @!p1 $0x1082;
	[sflag:s4] =	ssyncset.s32 $0xFFFFF086  }
0x25: {  	[simem:s6], [sflag:s4] =	dma.local [hbm:s3], $0xF7A  }
0x26: {  	[smem:$0x3F99] =	sst s1;
	(tag) =	ssettag s2;
	_ =	strace s9  }
0x27: {  	s1 =	sld [smem:$0x3FA9]  }
0x28: {  	s2 =	sld [smem:$0x3FAA]  }
0x29: {  	s4 =	sld [smem:$0x3FAC]  }
0x2a: {  	p0 =	seq.s32 s5, $0x0;
	s5 =	sld [smem:$0x3FAD]  }
0x2b: {  	s6 =	sld [smem:$0x3FAE]  }
0x2c: {  	s7 =	sld [smem:$0x3FAF]  }
0x2d: {  	s3 =	simm.s32 $0x108;
	s8 =	sld [smem:$0x3FB0]  }
0x2e: {  	s3 =	simm.s32 @!p0 $0x1082;
	s9 =	sld [smem:$0x3FB1]  }
0x2f: {  	lr =	sadd.s32 s0, s3;
	s0 =	sld [smem:$0x3FA8]  }
0x30: {  	s3 =	sld [smem:$0x3FAB]  }
0x31: {  	[smem:$0x3FB4] =	sst s10  }
0x32: {  	s10 =	sld [smem:$0x3FB2];
	_ =	sdelay $0x3  }
0x33: {  	p0 =	seq.s32 s10, $0x1;
	s10 =	sld [smem:$0x3FB4];
	_ =	sdelay $0x3  }
0x34: {  	[smem:$0x3FB4] =	sst s10  }
0x35: {  	s10 =	sld [smem:$0x3FB3];
	_ =	sdelay $0x3  }
0x36: {  	p1 =	seq.s32 s10, $0x1;
	s10 =	sld [smem:$0x3FB4];
	_ =	sdelay $0x3  }
0x37: {  	[smem:$0x3FB4] =	sst s10  }
0x38: {  	s10 =	sld [smem:$0x3FB5]  }
0x39: {  	_ = 	snop;
	(pc) =	sbr.ind lr, $3  }
0x3a: {  	_ = 	snop  }
0x3b: {  	_ = 	snop  }
0x3c: {  	p2 =	seq.s32 s10, $0x1;
	s10 =	sld [smem:$0x3FB4]  }
0x3d: {  	_ =	shalt  }
0x3e: {  	_ =	shalt  }
0x3f: {  	_ =	shalt  }
0x40: {  	_ =	shalt  }
0x41: {  	_ =	shalt  }
0x42: {  	_ =	shalt  }
0x43: {  	_ =	shalt  }
0x44: {  	_ =	shalt  }
0x45: {  	_ =	shalt  }
0x46: {  	_ =	shalt  }
0x47: {  	_ =	shalt  }
0x48: {  	_ =	shalt  }
0x49: {  	_ =	shalt  }
0x4a: {  	_ =	shalt  }
0x4b: {  	_ =	shalt  }
0x4c: {  	_ =	shalt  }
0x4d: {  	_ =	shalt  }
0x4e: {  	_ =	shalt  }
0x4f: {  	_ =	shalt  }
0x50: {  	_ =	shalt  }
0x51: {  	_ =	shalt  }
0x52: {  	_ =	shalt  }
0x53: {  	_ =	shalt  }
0x54: {  	_ =	shalt  }
0x55: {  	_ =	shalt  }
0x56: {  	_ =	shalt  }
0x57: {  	_ =	shalt  }
0x58: {  	_ =	shalt  }
0x59: {  	_ =	shalt  }
0x5a: {  	_ =	shalt  }
0x5b: {  	_ =	shalt  }
0x5c: {  	_ =	shalt  }
0x5d: {  	_ =	shalt  }
0x5e: {  	_ =	shalt  }
0x5f: {  	_ =	shalt  }
0x60: {  	_ =	shalt  }
0x61: {  	_ =	shalt  }
0x62: {  	_ =	shalt  }
0x63: {  	_ =	shalt  }
0x64: {  	_ =	shalt  }
0x65: {  	_ =	shalt  }
0x66: {  	_ =	shalt  }
0x67: {  	_ =	shalt  }
0x68: {  	_ =	shalt  }
0x69: {  	_ =	shalt  }
0x6a: {  	_ =	shalt  }
0x6b: {  	_ =	shalt  }
0x6c: {  	_ =	shalt  }
0x6d: {  	_ =	shalt  }
0x6e: {  	_ =	shalt  }
0x6f: {  	_ =	shalt  }
0x70: {  	_ =	shalt  }
0x71: {  	_ =	shalt  }
0x72: {  	_ =	shalt  }
0x73: {  	_ =	shalt  }
0x74: {  	_ =	shalt  }
0x75: {  	_ =	shalt  }
0x76: {  	_ =	shalt  }
0x77: {  	_ =	shalt  }
0x78: {  	_ =	shalt  }
0x79: {  	_ =	shalt  }
0x7a: {  	_ =	shalt  }
0x7b: {  	_ =	shalt  }
0x7c: {  	_ =	shalt  }
0x7d: {  	_ =	shalt  }
0x7e: {  	_ =	shalt  }
0x7f: {  	_ =	shalt  }
0x80: {  	_ =	shalt  }
0x81: {  	_ =	shalt  }
0x82: {  	_ =	shalt  }
0x83: {  	_ =	shalt  }
0x84: {  	_ =	shalt  }
0x85: {  	_ =	shalt  }
0x86: {  	_ =	shalt  }
0x87: {  	_ =	shalt  }
.Lfunc_end0:
.L_simem_size_0:
called_computation.1_lowered:
.L_overlay_start_0:
0x88: {  	s2 =	sld [smem:$0x3FD9]  }
0x89: {  	s3 =	sld [smem:$0x3FFE];
	_ =	sdelay $0x1  }
0x8a: {  	s1 =	srdreg.scid  }
0x8b: {  	s0 =	sand.u32 $0x1, s1  }
0x8c: {  	s16 =	sshll.u32 s0, $0xA;
	s2 =	sadd.s32 s3, s2  }
0x8d: {  	s2 =	sadd.s32 s2, s16  }
0x8e: {  	[smem:$0x3FC0] =	sst s2  }
0x8f: {  	_ = 	snop  }
0x90: {  	(tm) =	ssettm $0x1  }
0x91: {  	s17 =	sld [smem:$0x3FFB];
	_ =	sdelay $0x3  }
0x92: {  	_ =	strace s17  }
0x93: {  	s2 =	sld [smem:$0x3FFC];
	_ =	sdelay $0x3  }
0x94: {  	_ =	strace s2  }
0x95: {  	s2 =	sld [smem:$0x3FFD];
	_ =	sdelay $0x3  }
0x96: {  	_ =	strace s2  }
0x97: {  	_ =	strace $0x8FFFFFFF  }
0x98: {  	s18 =	sld [smem:$0x3FDB];
	_ =	sdelay $0x1  }
0x99: {  	s19 =	simm.s32 $_scs_section_size  }
0x9a: {  	s4 =	simm.s32 $_size__tile_overlayer_lowered;
	s5 =	simm.s32 $_tile_overlayer_lowered  }
0x9b: {  	s22 =	simm.s32 $0x1BFF;
	s21 =	sshll.u32 s5, $0x1;
	s2 =	sadd.s32 s19, s18  }
0x9c: {  	s6 =	simm.s32 $0x0;
	s20 =	sshll.u32 s4, $0x1;
	s4 =	sadd.s32 s21, s2  }
0x9d: {  	[timem:s6], [sflag:s22] =	dma.local [hbm:s4], s20  }
0x9e: {  	_ =	swait.ge [sflag:s22], s20  }
0x9f: {  	s3 =	ssub.s32 $0x0, s20;
	[sflag:s22] =	ssyncset.done $0x0  }
0xa0: {  	[sflag:s22] =	ssyncadd.s32 s3;
	_ =	sdelay $0x1  }
0xa1: {  	s23 =	simm.s32 $0x1B8B  }
0xa2: {  	_ =	swait.ge [sflag:s23], $0x1  }
0xa3: {  	[sflag:s23] =	ssyncset.done $0x0  }
0xa4: {  	s25 =	simm.s32 $0x1B8E;
	s24 =	sld [smem:$0x3FFE];
	[sflag:s23] =	ssyncadd.s32 $0xFFFFFFFF  }
0xa5: {  	s26 =	simm.s32 $execute0_lowered;
	[smem:$0x3FD2] =	sst s25  }
0xa6: {  	s4 =	sshll.u32 s26, $0x1;
	_ =	strace $0x80000049;
	[dreg:$0x1] =	wrdreg $0xFFFFFFFF  }
0xa7: {  	s28 =	simm.s32 $_size_execute0_lowered;
	s2 =	sadd.s32 s2, s4;
	[dreg:$0x0] =	wrdreg $0x0  }
0xa8: {  	s4 =	sshll.u32 s28, $0x1;
	[dreg:$0x2] =	wrdreg s2  }
0xa9: {  	[dreg:$0x3] =	wrdreg s4  }
0xaa: {  	[dreg:$0x4] =	wrdreg $0xC0  }
0xab: {  	_ =	task [dreg:s6], $0x5FFFF  }
0xac: {  	[dreg:$0x1] =	wrdreg $0xFFFFFFFF  }
0xad: {  	[dreg:$0x0] =	wrdreg $0x60  }
0xae: {  	[dreg:$0x2] =	wrdreg s24  }
0xaf: {  	[dreg:$0x3] =	wrdreg $0x0  }
0xb0: {  	[dreg:$0x4] =	wrdreg $0x138800  }
0xb1: {  	[dreg:$0x5] =	wrdreg $0x9  }
0xb2: {  	_ =	task.clear_ibuf [dreg:s6], $0x6FFFF;
	_ =	strace $0x90000049  }
0xb3: {  	s29 =	simm.s32 $0x9;
	_ =	strace $0x8000004B  }
0xb4: {  	_ =	swait.ge [sflag:s29], $0x1  }
0xb5: {  	[sflag:s29] =	ssyncadd.s32 $0xFFFFFFFF  }
0xb6: {  	_ =	strace $0x9000004B  }
0xb7: {  	_ =	sfence  }
0xb8: {  	s30 =	sld [smem:$0x0];
	_ =	sdelay $0x2  }
0xb9: {  	s31 =	sshll.u32 s1, $0xD;
	s1 =	sshrl.u32 s1, $0x2  }
0xba: {  	s3 =	sand.u32 $0x4000, s31;
	s1 =	sadd.s32 s1, s30  }
0xbb: {  	s0 =	sor.u32 s3, s0;
	s1 =	sshll.u32 s1, $0x11  }
0xbc: {  	s0 =	sor.u32 s1, s0  }
0xbd: {  	s0 =	sadd.s32 $0x8F2B, s0  }
0xbe: {  	[sflag:s0] =	ssyncadd.remote.s32 $0x1  }
0xbf: {  	_ =	sfence.sel $0xFFFF  }
0xc0: {  	[dreg:$0x0] =	wrdreg $0xFFFFFFFF;
	(pc) =	sbr.abs _section_cstart, $3  }
0xc1: {  	[dreg:$0x1] =	wrdreg $0xFFFFFFFF  }
0xc2: {  	_ =	task.clear_ibuf [dreg:s6], $0x2FFFF;
	_ =	strace $0x9FFFFFFF  }
0xc3: {  	(tm) =	ssettm $0x7FFFFFFF  }
tec
execute0_lowered:
.L_overlay_start_1:
0x0: {  	(tag) =	ssettag $0x1  }
0x1: {  	s0 =	rddreg [dreg:$0x0]  }
0x2: {  	s1 =	rddreg [dreg:$0x1]  }
0x3: {  	s2 =	rddreg [dreg:$0x2]  }
0x4: {  	s3 =	simm.s32 $0x0;
	s5 =	srdreg.scid;
	s7 =	stileid.u32  }
0x5: {  	s29 =	simm.s32 $0x1;
	s31 =	simm.s32 $0x3;
	[smem:$0x7FF] =	sst s3  }
0x6: {  	s4 =	sadd.s32 $0x20600, s0;
	s6 =	sadd.s32 $0x2000, s0;
	s5 =	sand.u32 $0x1, s5  }
0x7: {  	s25 =	sshll.u32 s7, $0x1;
	s8 =	sadd.s32 $0xC800, s0;
	s28 =	smul.u32 $0x4E000, s7  }
0x8: {  	s11 =	sshll.u32 s7, $0xA;
	s15 =	sadd.s32 $0x47800, s0;
	s17 =	smul.u32 $0x13800, s7  }
0x9: {  	s19 =	sshll.u32 s7, $0x6;
	s20 =	smul.u32 $0xA00, s7;
	p1 =	sgt.u32 s7, $0x9  }
0xa: {  	_ =	strace $0x8000004A;
	[dreg:$0x4] =	wrdreg s6;
	s9 =	smul.u32 $0x2800, s5  }
0xb: {  	s6 =	sor.u32 s5, s25;
	s13 =	ssub.s32 $0x2, s5;
	s5 =	smul.u32 $0x138800, s5  }
0xc: {  	p2 =	sne.s32 @!p1 s7, $0x0;
	s10 =	smul.u32 $0x50, s6;
	s12 =	smax.u32 s6, $0x11  }
0xd: {  	s26 =	sshrl.u32 s13, $0x1;
	p0 =	slt.u32 s6, $0x11;
	s18 =	sshrl.u32 s17, $0x3  }
0xe: {  	p2 =	por p2, p1;
	s9 =	sadd.s32 s9, s11;
	s12 =	sshll.u32 s12, $0x2  }
0xf: {  	s17 =	sadd.s32 s17, s5;
	s25 =	sshrl.u32 s5, $0x3;
	s5 =	sadd.s32 s11, s2  }
0x10: {  	s11 =	simm.s32 $0x0;
	s9 =	sshrl.u32 s9, $0x3;
	s10 =	ssub.s32 s10, s12  }
0x11: {  	s12 =	ssub.s32 s13, s26;
	s23 =	sshrl.u32 s17, $0x3;
	s14 =	sadd.s32 $0x44, s10  }
0x12: {  	s16 =	sadd.s32 s9, s0;
	s10 =	sshrl.u32 s28, $0x2;
	s0 =	sadd.s32 $0x47600, s0  }
0x13: {  	s28 =	smax.u32 s12, $0x1;
	s30 =	sshll.u32 s14, $0x5;
	s13 =	sadd.s32 s10, s1  }
0x14: {  	s10 =	sadd.s32 $0x138000, s1;
	s14 =	sshll.u32 s14, $0x8;
	[dreg:$0x7] =	wrdreg s0  }
0x15: {  	s26 =	sadd.s32 $0x2600, s16;
	[dreg:$0xc] =	wrdreg s28;
	s9 =	sand.u32 $0x1FFFFF80, s30  }
0x16: {  	[dreg:$0x5] =	wrdreg s13;
	s13 =	sshrl.u32 s20, $0x2;
	s22 =	sadd.s32 $0x2800, s14  }
0x17: {  	[dreg:$0xa] =	wrdreg s26;
	s20 =	simm.s32 $0x13B00;
	s26 =	simm.s32 $0x16300  }
0x18: {  	s6 =	sadd.s32 s8, s9;
	s9 =	sadd.s32 s4, s18;
	s21 =	sadd.s32 s13, s2  }
0x19: {  	s0 =	sshrl.u32 s22, $0x3;
	s13 =	simm.s32 $0x28;
	s22 =	simm.s32 $0x1A300  }
0x1a: {  	s18 =	simm.s32 $0x13C00;
	[dreg:$0x6] =	wrdreg s9;
	s9 =	sor.u32 $0x1C06, s19  }
0x1b: {  	[dreg:$0x8] =	wrdreg s21;
	s14 =	sadd.s32 s8, s0;
	s13 =	simm.s32 @!p0 $0x24  }
0x1c: {  	s0 =	sadd.s32 s15, s23;
	p0 =	sne.s32 s7, $0x0;
	s21 =	simm.s32 $0x6  }
0x1d: {  	s23 =	simm.s32 $0x5;
	s19 =	simm.s32 $0x13B80;
	s7 =	simm.s32 $0x13C80  }
0x1e: {  	s8 =	simm.s32 $0x4;
	[dreg:$0x9] =	wrdreg s0;
	s0 =	sadd.s32 s15, s25  }
0x1f: {  	v0 =	vlaneseq.u32;
	s24 =	sshrl.u32 s13, $0x1;
	s25 =	sshrl.u32 @!p1 s5, $0x3;
	s0 =	sadd.s32 $0x27000, s0  }
0x20: {  	v1 =	vimm.f32 $0.0e+00;
	vm0 =	vmmov $0xffff;
	v2 =	vor.u32 $0x10, v0;
	s5 =	simm.s32 $0x2;
	s30 =	sadd.s32 $0xFFFFFFFE, s24;
	[dreg:$0xb] =	wrdreg s0  }
0x21: {  	v3 =	vor.u32 $0x20, v0;
	v4 =	vor.u32 $0x30, v0;
	v5 =	vor.u32 $0x40, v0;
	s24 =	simm.s32 $0x80;
	[dreg:$0xd] =	wrdreg s30;
	s0 =	simm.s32 $0x13D00  }
.LBB2_1:
0x22: {  	[tilespmem:s20], [sflag:$0x5] =	stream.linear.gather [hbm4b:s6+s3], $0x2800, $0x38;
	[tilespmem:$0x1E300] =	vst v63  }
0x23: {  	s12 =	rddreg [dreg:$0x5]  }
0x24: {  	s15 =	rddreg [dreg:$0x6];
	s12 =	sshrl.u32 s12, $0x3  }
0x25: {  	[spmem:s12], [sflag:s9] =	dma.local [hbm:s15], $0x2700  }
0x26: {  	_ =	swait.ge [sflag:s21], $0x2700  }
0x27: {  	[sflag:s21] =	ssyncset.done $0x0  }
0x28: {  	s15 =	sshrl.u32 @!p0 s10, $0x3;
	s16 =	rddreg [dreg:$0x7];
	[sflag:s21] =	ssyncadd.s32 $0xFFFFD900  }
0x29: {  	[spmem:s15], [sflag:s9] =	dma.local @!p0 [hbm:s16], $0x100  }
0x2a: {  	s15 =	simm.s32 @!p0 $0x6  }
0x2b: {  	_ =	swait.ge @!p0 [sflag:s15], $0x100  }
0x2c: {  	[sflag:s15] =	ssyncset.done @!p0 $0x0  }
0x2d: {  	s16 =	sand.u32 $0x3F0, s3;
	[sflag:s15] =	ssyncadd.s32 @!p0 $0xFFFFFF00;
	s15 =	simm.s32 $0x10  }
.LBB2_2:
0x2e: {  	p3 =	sne.s32 s15, $0x270;
	[tilespmem:s16+$0x1A300] =	vst v1;
	s16 =	smov.u32 s15;
	s15 =	sadd.s32 $0x10, s15  }
.Ltmp0:
0x2f: {  	(pc) =	sbr.rel @p3 .LBB2_2-.Ltmp0, $2  }
0x30: {  	_ =	sdelay $0x2  }
0x31: {  	s16 =	sand.u32 $0x3F0, s16  }
0x32: {  	[tilespmem:s16+$0x1A300] =	vst v1;
	s15 =	rddreg [dreg:$0x8]  }
0x33: {  	[spmem:s15] =	stream.linear.scatter [tilespmem:s22], [sflag:$0x6], $0x280, $0x38;
	[tilespmem:$0x1E300] =	vst v63  }
0x34: {  	_ =	swait.ge [sflag:s21], $0x280  }
0x35: {  	[sflag:s21] =	ssyncset.done $0x0  }
0x36: {  	[sflag:s21] =	ssyncadd.s32 $0xFFFFFD80  }
0x37: {  	[bflag:$0x0] =	sbarrier.arrive $0xFFFF  }
0x38: {  	_ =	swait.ge [sflag:s23], $0x2800  }
0x39: {  	[sflag:s23] =	ssyncset.done $0x0  }
0x3a: {  	[sflag:s23] =	ssyncadd.s32 $0xFFFFD800  }
0x3b: {  	[tilespmem:s26], [sflag:$0x1] =	stream.indirect.gather [hbm4b:s4+s24], $0x80, s20, s24, $0xb8;
	[tilespmem:$0x1E300] =	vst v63  }
0x3c: {  	_ = 	snop  }
0x3d: {  	[tilespmem:s22], [sflag:$0x2] =	stream.indirect.gather [hbm4b:s4+s24], $0x80, s18, s24, $0xb8;
	[tilespmem:$0x1E300] =	vst v63  }
0x3e: {  	_ =	swait.ge [sflag:s29], $0x4000  }
0x3f: {  	[sflag:s29] =	ssyncset.done $0x0  }
0x40: {  	[sflag:s29] =	ssyncadd.s32 $0xFFFFC000  }
0x41: {  	[spmem:s1] =	stream.indirect.scatter.add.f32 [tilespmem:s26], [sflag:$0x3], $0x80, s19, s24, $0xb8;
	[tilespmem:$0x1E300] =	vst v63  }
0x42: {  	_ =	swait.ge [sflag:s31], $0x4000  }
0x43: {  	[sflag:s31] =	ssyncset.done $0x0  }
0x44: {  	[sflag:s31] =	ssyncadd.s32 $0xFFFFC000  }
0x45: {  	[tilespmem:s26], [sflag:$0x1] =	stream.indirect.gather [hbm4b:s4+s24], $0x80, s0, s24, $0xb8;
	[tilespmem:$0x1E300] =	vst v63  }
0x46: {  	_ =	swait.ge [sflag:s5], $0x4000  }
0x47: {  	[sflag:s5] =	ssyncset.done $0x0  }
0x48: {  	[sflag:s5] =	ssyncadd.s32 $0xFFFFC000  }
0x49: {  	[spmem:s1] =	stream.indirect.scatter.add.f32 [tilespmem:s22], [sflag:$0x4], $0x80, s7, s24, $0xb8;
	[tilespmem:$0x1E300] =	vst v63  }
0x4a: {  	_ =	swait.ge [sflag:s8], $0x4000  }
0x4b: {  	[sflag:s8] =	ssyncset.done $0x0  }
0x4c: {  	s17 =	simm.s32 $0x13E00;
	[sflag:s8] =	ssyncadd.s32 $0xFFFFC000  }
0x4d: {  	[tilespmem:s22], [sflag:$0x2] =	stream.indirect.gather [hbm4b:s4+s24], $0x80, s17, s24, $0xb8;
	[tilespmem:$0x1E300] =	vst v63  }
0x4e: {  	_ =	swait.ge [sflag:s29], $0x4000  }
0x4f: {  	[sflag:s29] =	ssyncset.done $0x0  }
0x50: {  	s28 =	simm.s32 $0x13D80;
	[sflag:s29] =	ssyncadd.s32 $0xFFFFC000  }
0x51: {  	[spmem:s1] =	stream.indirect.scatter.add.f32 [tilespmem:s26], [sflag:$0x3], $0x80, s28, s24, $0xb8;
	[tilespmem:$0x1E300] =	vst v63  }
0x52: {  	_ =	swait.ge [sflag:s31], $0x4000  }
0x53: {  	[sflag:s31] =	ssyncset.done $0x0  }
0x54: {  	s30 =	simm.s32 $0x13F00;
	[sflag:s31] =	ssyncadd.s32 $0xFFFFC000  }
0x55: {  	[tilespmem:s26], [sflag:$0x1] =	stream.indirect.gather [hbm4b:s4+s24], $0x80, s30, s24, $0xb8;
	[tilespmem:$0x1E300] =	vst v63  }
0x56: {  	_ =	swait.ge [sflag:s5], $0x4000  }
0x57: {  	[sflag:s5] =	ssyncset.done $0x0  }
0x58: {  	s16 =	simm.s32 $0x13E80;
	s15 =	simm.s32 $0xFFFF7800;
	[sflag:s5] =	ssyncadd.s32 $0xFFFFC000  }
.LBB2_4:
0x59: {  	[spmem:s1] =	stream.indirect.scatter.add.f32 [tilespmem:s22], [sflag:$0x4], $0x80, s16, s24, $0xb8;
	[tilespmem:$0x1E300] =	vst v63  }
0x5a: {  	s16 =	smov.u32 s15  }
0x5b: {  	p3 =	sne.s32 s15, $0xFFFFF800;
	s15 =	sadd.s32 $0x800, s15;
	_ =	swait.ge [sflag:s8], $0x4000  }
0x5c: {  	s16 =	sshra.s32 s16, $0x2;
	[sflag:s8] =	ssyncset.done $0x0  }
0x5d: {  	s17 =	sadd.s32 $0x16200, s16;
	[sflag:s8] =	ssyncadd.s32 $0xFFFFC000  }
0x5e: {  	[tilespmem:s22], [sflag:$0x2] =	stream.indirect.gather [hbm4b:s4+s24], $0x80, s17, s24, $0xb8;
	[tilespmem:$0x1E300] =	vst v63  }
0x5f: {  	_ =	swait.ge [sflag:s29], $0x4000  }
0x60: {  	[sflag:s29] =	ssyncset.done $0x0  }
0x61: {  	s17 =	sadd.s32 $0x16180, s16;
	[sflag:s29] =	ssyncadd.s32 $0xFFFFC000  }
0x62: {  	[spmem:s1] =	stream.indirect.scatter.add.f32 [tilespmem:s26], [sflag:$0x3], $0x80, s17, s24, $0xb8;
	[tilespmem:$0x1E300] =	vst v63  }
0x63: {  	_ =	swait.ge [sflag:s31], $0x4000  }
0x64: {  	[sflag:s31] =	ssyncset.done $0x0  }
.Ltmp1:
0x65: {  	s17 =	sadd.s32 $0x16300, s16;
	[sflag:s31] =	ssyncadd.s32 $0xFFFFC000;
	(pc) =	sbr.rel @p3 .LBB2_4-.Ltmp1, $4  }
0x66: {  	[tilespmem:s26], [sflag:$0x1] =	stream.indirect.gather [hbm4b:s4+s24], $0x80, s17, s24, $0xb8;
	[tilespmem:$0x1E300] =	vst v63  }
0x67: {  	_ =	swait.ge [sflag:s5], $0x4000  }
0x68: {  	[sflag:s5] =	ssyncset.done $0x0  }
0x69: {  	s16 =	sadd.s32 $0x16280, s16;
	[sflag:s5] =	ssyncadd.s32 $0xFFFFC000  }
0x6a: {  	[spmem:s1] =	stream.indirect.scatter.add.f32 [tilespmem:s22], [sflag:$0x4], $0x80, s16, s24, $0xb8;
	[tilespmem:$0x1E300] =	vst v63  }
0x6b: {  	s15 =	simm.s32 $0x4  }
0x6c: {  	_ =	swait.ge [sflag:s15], $0x4000  }
0x6d: {  	[sflag:s15] =	ssyncset.done $0x0  }
0x6e: {  	s28 =	simm.s32 $0x16200;
	[sflag:s15] =	ssyncadd.s32 $0xFFFFC000  }
0x6f: {  	[tilespmem:s22], [sflag:$0x2] =	stream.indirect.gather [hbm4b:s4+s24], $0x80, s28, s24, $0xb8;
	[tilespmem:$0x1E300] =	vst v63  }
0x70: {  	_ =	swait.ge [sflag:s29], $0x4000  }
0x71: {  	[sflag:s29] =	ssyncset.done $0x0  }
0x72: {  	s30 =	simm.s32 $0x16180;
	[sflag:s29] =	ssyncadd.s32 $0xFFFFC000  }
0x73: {  	[spmem:s1] =	stream.indirect.scatter.add.f32 [tilespmem:s26], [sflag:$0x3], $0x80, s30, s24, $0xb8;
	[tilespmem:$0x1E300] =	vst v63  }
0x74: {  	_ =	swait.ge [sflag:s31], $0x4000  }
0x75: {  	[sflag:s31] =	ssyncset.done $0x0  }
0x76: {  	[sflag:s31] =	ssyncadd.s32 $0xFFFFC000  }
0x77: {  	_ =	swait.ge [sflag:s5], $0x4000  }
0x78: {  	[sflag:s5] =	ssyncset.done $0x0  }
0x79: {  	s17 =	simm.s32 $0x16280;
	[sflag:s5] =	ssyncadd.s32 $0xFFFFC000  }
0x7a: {  	[spmem:s1] =	stream.indirect.scatter.add.f32 [tilespmem:s22], [sflag:$0x4], $0x80, s17, s24, $0xb8;
	[tilespmem:$0x1E300] =	vst v63  }
0x7b: {  	_ =	swait.ge [sflag:s15], $0x4000  }
0x7c: {  	[sflag:s15] =	ssyncset.done $0x0  }
0x7d: {  	[sflag:s15] =	ssyncadd.s32 $0xFFFFC000  }
0x7e: {  	[tilespmem:s20], [sflag:$0x6] =	stream.linear.gather [hbm4b:s14+s3], $0x2800, $0x38;
	[tilespmem:$0x1E300] =	vst v63  }
0x7f: {  	_ =	swait.ge [sflag:s21], $0x2800  }
0x80: {  	[sflag:s21] =	ssyncset.done $0x0  }
0x81: {  	[sflag:s21] =	ssyncadd.s32 $0xFFFFD800  }
0x82: {  	[tilespmem:s26], [sflag:$0x1] =	stream.indirect.gather [hbm4b:s4+s24], $0x80, s20, s24, $0xb8;
	[tilespmem:$0x1E300] =	vst v63  }
0x83: {  	_ = 	snop  }
0x84: {  	[tilespmem:s22], [sflag:$0x2] =	stream.indirect.gather [hbm4b:s4+s24], $0x80, s18, s24, $0xb8;
	[tilespmem:$0x1E300] =	vst v63  }
0x85: {  	_ =	swait.ge [sflag:s29], $0x4000  }
0x86: {  	[sflag:s29] =	ssyncset.done $0x0  }
0x87: {  	[sflag:s29] =	ssyncadd.s32 $0xFFFFC000  }
0x88: {  	[spmem:s1] =	stream.indirect.scatter.add.f32 [tilespmem:s26], [sflag:$0x3], $0x80, s19, s24, $0xb8;
	[tilespmem:$0x1E300] =	vst v63  }
0x89: {  	_ =	swait.ge [sflag:s31], $0x4000  }
0x8a: {  	[sflag:s31] =	ssyncset.done $0x0  }
0x8b: {  	[sflag:s31] =	ssyncadd.s32 $0xFFFFC000  }
0x8c: {  	[tilespmem:s26], [sflag:$0x1] =	stream.indirect.gather [hbm4b:s4+s24], $0x80, s0, s24, $0xb8;
	[tilespmem:$0x1E300] =	vst v63  }
0x8d: {  	_ =	swait.ge [sflag:s5], $0x4000  }
0x8e: {  	[sflag:s5] =	ssyncset.done $0x0  }
0x8f: {  	[sflag:s5] =	ssyncadd.s32 $0xFFFFC000  }
0x90: {  	[spmem:s1] =	stream.indirect.scatter.add.f32 [tilespmem:s22], [sflag:$0x4], $0x80, s7, s24, $0xb8;
	[tilespmem:$0x1E300] =	vst v63  }
0x91: {  	p3 =	sle.u32 s13, $0x3;
	_ =	swait.ge [sflag:s8], $0x4000  }
0x92: {  	s16 =	simm.s32 @!p3 $0x80;
	[sflag:s8] =	ssyncset.done $0x0  }
0x93: {  	s17 =	simm.s32 @!p3 $0x1A300;
	s15 =	simm.s32 @!p3 $0x13E00;
	[sflag:s8] =	ssyncadd.s32 $0xFFFFC000  }
0x94: {  	[tilespmem:s17], [sflag:$0x2] =	stream.indirect.gather @!p3 [hbm4b:s4+s16], $0x80, s15, s16, $0xb8;
	[tilespmem:$0x1E300] =	vst v63  }
0x95: {  	_ =	swait.ge [sflag:s29], $0x4000  }
0x96: {  	[sflag:s29] =	ssyncset.done $0x0  }
0x97: {  	s28 =	simm.s32 $0x13D80;
	[sflag:s29] =	ssyncadd.s32 $0xFFFFC000  }
0x98: {  	[spmem:s1] =	stream.indirect.scatter.add.f32 [tilespmem:s26], [sflag:$0x3], $0x80, s28, s24, $0xb8;
	[tilespmem:$0x1E300] =	vst v63  }
0x99: {  	s16 =	simm.s32 $0x13F00;
	p3 =	sle.u32 s13, $0x4;
	_ =	swait.ge [sflag:s31], $0x4000  }
0x9a: {  	s15 =	simm.s32 @!p3 $0x80;
	[sflag:s31] =	ssyncset.done $0x0;
	s30 =	rddreg [dreg:$0xd]  }
0x9b: {  	s17 =	simm.s32 @!p3 $0x16300;
	[sflag:s31] =	ssyncadd.s32 $0xFFFFC000;
	s18 =	sadd.s32 $0xFFFFFFFF, s30  }
0x9c: {  	[tilespmem:s17], [sflag:$0x1] =	stream.indirect.gather @!p3 [hbm4b:s4+s15], $0x80, s16, s15, $0xb8;
	[tilespmem:$0x1E300] =	vst v63  }
0x9d: {  	p3 =	sne.s32 s18, $0x0  }
.Ltmp2:
0x9e: {  	_ = 	snop;
	(pc) =	sbr.rel @!p3 .LBB2_7-.Ltmp2, $4  }
0x9f: {  	_ = 	snop  }
0xa0: {  	_ =	swait.ge [sflag:s5], $0x4000  }
0xa1: {  	s19 =	simm.s32 $0x13E80;
	[sflag:s5] =	ssyncset.done $0x0  }
0xa2: {  	s17 =	simm.s32 $0x6;
	s15 =	simm.s32 $0x14100;
	[sflag:s5] =	ssyncadd.s32 $0xFFFFC000  }
.LBB2_6:
0xa3: {  	s16 =	smov.u32 s15  }
0xa4: {  	[spmem:s1] =	stream.indirect.scatter.add.f32 [tilespmem:s22], [sflag:$0x4], $0x80, s19, s24, $0xb8;
	[tilespmem:$0x1E300] =	vst v63  }
0xa5: {  	s18 =	sadd.s32 $0xFFFFFFFF, s18;
	_ =	swait.ge [sflag:s8], $0x4000  }
0xa6: {  	s19 =	sadd.s32 $0xFFFFFFFF, s17;
	p3 =	sne.s32 s18, $0x0;
	[sflag:s8] =	ssyncset.done $0x0  }
0xa7: {  	p4 =	sge.u32 s19, s13;
	[sflag:s8] =	ssyncadd.s32 $0xFFFFC000  }
0xa8: {  	s19 =	sadd.s32 @!p4 $0xFFFFFF00, s15;
	s28 =	simm.s32 @!p4 $0x80;
	s30 =	simm.s32 @!p4 $0x1A300  }
0xa9: {  	[tilespmem:s30], [sflag:$0x2] =	stream.indirect.gather @!p4 [hbm4b:s4+s28], $0x80, s19, s28, $0xb8;
	[tilespmem:$0x1E300] =	vst v63  }
0xaa: {  	_ =	swait.ge [sflag:s29], $0x4000  }
0xab: {  	[sflag:s29] =	ssyncset.done $0x0  }
0xac: {  	s19 =	sadd.s32 $0xFFFFFE80, s15;
	[sflag:s29] =	ssyncadd.s32 $0xFFFFC000  }
0xad: {  	[spmem:s1] =	stream.indirect.scatter.add.f32 [tilespmem:s26], [sflag:$0x3], $0x80, s19, s24, $0xb8;
	[tilespmem:$0x1E300] =	vst v63  }
0xae: {  	p4 =	sge.u32 s17, s13;
	_ =	swait.ge [sflag:s31], $0x4000  }
0xaf: {  	s28 =	simm.s32 @!p4 $0x16300;
	[sflag:s31] =	ssyncset.done $0x0  }
.Ltmp3:
0xb0: {  	s19 =	simm.s32 @!p4 $0x80;
	[sflag:s31] =	ssyncadd.s32 $0xFFFFC000;
	(pc) =	sbr.rel @p3 .LBB2_6-.Ltmp3, $4  }
0xb1: {  	[tilespmem:s28], [sflag:$0x1] =	stream.indirect.gather @!p4 [hbm4b:s4+s19], $0x80, s15, s19, $0xb8;
	[tilespmem:$0x1E300] =	vst v63  }
0xb2: {  	_ =	swait.ge [sflag:s5], $0x4000  }
0xb3: {  	s17 =	sadd.s32 $0x2, s17;
	[sflag:s5] =	ssyncset.done $0x0  }
0xb4: {  	s19 =	sadd.s32 $0xFFFFFF80, s15;
	s15 =	sadd.s32 $0x200, s15;
	[sflag:s5] =	ssyncadd.s32 $0xFFFFC000  }
.LBB2_7:
0xb5: {  	[spmem:s1] =	stream.indirect.scatter.add.f32 [tilespmem:s22], [sflag:$0x4], $0x80, s19, s24, $0xb8;
	[tilespmem:$0x1E300] =	vst v63  }
0xb6: {  	s18 =	sadd.s32 $0xFFFFFFFF, s17  }
0xb7: {  	_ =	swait.ge [sflag:s8], $0x4000;
	p3 =	sge.u32 s18, s13  }
0xb8: {  	[sflag:s8] =	ssyncset.done $0x0;
	s18 =	sadd.s32 @!p3 $0x100, s16  }
0xb9: {  	s19 =	simm.s32 @!p3 $0x80;
	s28 =	simm.s32 @!p3 $0x1A300;
	[sflag:s8] =	ssyncadd.s32 $0xFFFFC000  }
0xba: {  	[tilespmem:s28], [sflag:$0x2] =	stream.indirect.gather @!p3 [hbm4b:s4+s19], $0x80, s18, s19, $0xb8;
	[tilespmem:$0x1E300] =	vst v63  }
0xbb: {  	_ =	swait.ge [sflag:s29], $0x4000  }
0xbc: {  	[sflag:s29] =	ssyncset.done $0x0  }
0xbd: {  	s30 =	sadd.s32 $0x80, s16;
	[sflag:s29] =	ssyncadd.s32 $0xFFFFC000  }
0xbe: {  	[spmem:s1] =	stream.indirect.scatter.add.f32 [tilespmem:s26], [sflag:$0x3], $0x80, s30, s24, $0xb8;
	[tilespmem:$0x1E300] =	vst v63  }
0xbf: {  	_ =	swait.ge [sflag:s31], $0x4000  }
0xc0: {  	p3 =	sge.u32 s17, s13;
	[sflag:s31] =	ssyncset.done $0x0  }
0xc1: {  	s17 =	simm.s32 @!p3 $0x80;
	s18 =	simm.s32 @!p3 $0x16300;
	[sflag:s31] =	ssyncadd.s32 $0xFFFFC000  }
0xc2: {  	[tilespmem:s18], [sflag:$0x1] =	stream.indirect.gather @!p3 [hbm4b:s4+s17], $0x80, s15, s17, $0xb8;
	[tilespmem:$0x1E300] =	vst v63  }
0xc3: {  	_ =	swait.ge [sflag:s5], $0x4000  }
0xc4: {  	[sflag:s5] =	ssyncset.done $0x0  }
0xc5: {  	s19 =	sadd.s32 $0x180, s16;
	[sflag:s5] =	ssyncadd.s32 $0xFFFFC000  }
0xc6: {  	[spmem:s1] =	stream.indirect.scatter.add.f32 [tilespmem:s22], [sflag:$0x4], $0x80, s19, s24, $0xb8;
	[tilespmem:$0x1E300] =	vst v63  }
0xc7: {  	_ =	swait.ge [sflag:s8], $0x4000  }
0xc8: {  	[sflag:s8] =	ssyncset.done $0x0  }
0xc9: {  	s28 =	simm.s32 $0x0;
	s30 =	rddreg [dreg:$0x4];
	[sflag:s8] =	ssyncadd.s32 $0xFFFFC000  }
0xca: {  	[tilespmem:s26], [sflag:$0x6] =	stream.linear.gather [hbm4b:s30+s28], $0x2800, $0x38;
	[tilespmem:$0x1E300] =	vst v63  }
0xcb: {  	_ =	swait.ge [sflag:s21], $0x2800  }
0xcc: {  	[sflag:s21] =	ssyncset.done $0x0  }
0xcd: {  	s16 =	sand.u32 $0x3FF0, s28;
	s15 =	simm.s32 $0x10;
	[sflag:s21] =	ssyncadd.s32 $0xFFFFD800  }
.LBB2_8:
0xce: {  	p3 =	sne.s32 s15, $0x27F0;
	[tilespmem:s16+$0x1A300] =	vst v1;
	s16 =	smov.u32 s15;
	s15 =	sadd.s32 $0x10, s15  }
.Ltmp4:
0xcf: {  	(pc) =	sbr.rel @p3 .LBB2_8-.Ltmp4, $2  }
0xd0: {  	_ =	sdelay $0x2  }
0xd1: {  	s16 =	sand.u32 $0x3FF0, s16  }
0xd2: {  	[tilespmem:s16+$0x1A300] =	vst v1;
	s15 =	simm.s32 $0x0  }
0xd3: {  	[tilespmem:s20], [sflag:$0x6] =	stream.linear.gather [hbm4b:s6+s15], $0x2800, $0x38;
	[tilespmem:$0x1E300] =	vst v63  }
0xd4: {  	_ =	swait.ge [sflag:s21], $0x2800  }
0xd5: {  	[sflag:s21] =	ssyncset.done $0x0  }
0xd6: {  	s18 =	simm.s32 $0x13C00;
	s19 =	simm.s32 $0x13B80;
	[sflag:s21] =	ssyncadd.s32 $0xFFFFD800  }
.LBB2_10:
0xd7: {  	s16 =	sshra.s32 s15, $0x2  }
0xd8: {  	v6 =	vld [tilespmem:s16+$0x13B80];
	_ =	sdelay $0x4  }
0xd9: {  	v7 =	vld [tilespmem:s16+$0x13B00];
	_ =	sdelay $0x2  }
0xda: {  	v6 =	vld.idx.msk [tilespmem:v6+s26+$0x0], $0xffff;
	_ =	sdelay $0x4  }
0xdb: {  	[tilespmem:v7+s22+$0x0] =	vst.idx.add.f32.msk $0xffff, v6  }
0xdc: {  	v6 =	vld [tilespmem:s16+$0x13B90];
	_ =	sdelay $0x4  }
0xdd: {  	v7 =	vld [tilespmem:s16+$0x13B10];
	_ =	sdelay $0x2  }
0xde: {  	v6 =	vld.idx.msk [tilespmem:v6+s26+$0x0], $0xffff;
	_ =	sdelay $0x4  }
0xdf: {  	[tilespmem:v7+s22+$0x0] =	vst.idx.add.f32.msk $0xffff, v6  }
0xe0: {  	v6 =	vld [tilespmem:s16+$0x13BA0];
	_ =	sdelay $0x4  }
0xe1: {  	v7 =	vld [tilespmem:s16+$0x13B20];
	_ =	sdelay $0x2  }
0xe2: {  	v6 =	vld.idx.msk [tilespmem:v6+s26+$0x0], $0xffff;
	_ =	sdelay $0x4  }
0xe3: {  	[tilespmem:v7+s22+$0x0] =	vst.idx.add.f32.msk $0xffff, v6  }
0xe4: {  	v6 =	vld [tilespmem:s16+$0x13BB0];
	_ =	sdelay $0x4  }
0xe5: {  	v7 =	vld [tilespmem:s16+$0x13B30];
	_ =	sdelay $0x2  }
0xe6: {  	v6 =	vld.idx.msk [tilespmem:v6+s26+$0x0], $0xffff;
	_ =	sdelay $0x4  }
0xe7: {  	[tilespmem:v7+s22+$0x0] =	vst.idx.add.f32.msk $0xffff, v6  }
0xe8: {  	v6 =	vld [tilespmem:s16+$0x13BC0];
	_ =	sdelay $0x4  }
0xe9: {  	v7 =	vld [tilespmem:s16+$0x13B40];
	_ =	sdelay $0x2  }
0xea: {  	v6 =	vld.idx.msk [tilespmem:v6+s26+$0x0], $0xffff;
	_ =	sdelay $0x4  }
0xeb: {  	[tilespmem:v7+s22+$0x0] =	vst.idx.add.f32.msk $0xffff, v6  }
0xec: {  	v6 =	vld [tilespmem:s16+$0x13BD0];
	_ =	sdelay $0x4  }
0xed: {  	v7 =	vld [tilespmem:s16+$0x13B50];
	_ =	sdelay $0x2  }
0xee: {  	v6 =	vld.idx.msk [tilespmem:v6+s26+$0x0], $0xffff;
	_ =	sdelay $0x4  }
0xef: {  	[tilespmem:v7+s22+$0x0] =	vst.idx.add.f32.msk $0xffff, v6  }
0xf0: {  	v6 =	vld [tilespmem:s16+$0x13BE0];
	_ =	sdelay $0x4  }
0xf1: {  	v7 =	vld [tilespmem:s16+$0x13B60];
	_ =	sdelay $0x2  }
0xf2: {  	v6 =	vld.idx.msk [tilespmem:v6+s26+$0x0], $0xffff;
	_ =	sdelay $0x4  }
0xf3: {  	[tilespmem:v7+s22+$0x0] =	vst.idx.add.f32.msk $0xffff, v6  }
0xf4: {  	v6 =	vld [tilespmem:s16+$0x13BF0];
	_ =	sdelay $0x4  }
0xf5: {  	v7 =	vld [tilespmem:s16+$0x13B70];
	_ =	sdelay $0x2  }
0xf6: {  	p3 =	sne.s32 s15, $0x9C00;
	v6 =	vld.idx.msk [tilespmem:v6+s26+$0x0], $0xffff  }
.Ltmp5:
0xf7: {  	_ = 	snop;
	(pc) =	sbr.rel @p3 .LBB2_10-.Ltmp5, $2  }
0xf8: {  	_ =	sdelay $0x2  }
0xf9: {  	s15 =	sadd.s32 $0x400, s15;
	[tilespmem:v7+s22+$0x0] =	vst.idx.add.f32.msk $0xffff, v6  }
0xfa: {  	[tilespmem:s20], [sflag:$0x6] =	stream.linear.gather [hbm4b:s14+s3], $0x2800, $0x38;
	[tilespmem:$0x1E300] =	vst v63  }
0xfb: {  	_ =	swait.ge [sflag:s21], $0x2800  }
0xfc: {  	[sflag:s21] =	ssyncset.done $0x0  }
0xfd: {  	s15 =	simm.s32 $0x13B80;
	s16 =	smov.u32 s13;
	[sflag:s21] =	ssyncadd.s32 $0xFFFFD800  }
.LBB2_12:
0xfe: {  	v6 =	vld [tilespmem:s15+$0x0];
	_ =	sdelay $0x4  }
0xff: {  	v7 =	vld [tilespmem:s15+$0xFFFFFF80];
	_ =	sdelay $0x2  }
0x100: {  	v6 =	vld.idx.msk [tilespmem:v6+s26+$0x0], $0xffff;
	_ =	sdelay $0x4  }
0x101: {  	[tilespmem:v7+s22+$0x0] =	vst.idx.add.f32.msk $0xffff, v6  }
0x102: {  	v6 =	vld [tilespmem:s15+$0x10];
	_ =	sdelay $0x4  }
0x103: {  	v7 =	vld [tilespmem:s15+$0xFFFFFF90];
	_ =	sdelay $0x2  }
0x104: {  	v6 =	vld.idx.msk [tilespmem:v6+s26+$0x0], $0xffff;
	_ =	sdelay $0x4  }
0x105: {  	[tilespmem:v7+s22+$0x0] =	vst.idx.add.f32.msk $0xffff, v6  }
0x106: {  	v6 =	vld [tilespmem:s15+$0x20];
	_ =	sdelay $0x4  }
0x107: {  	v7 =	vld [tilespmem:s15+$0xFFFFFFA0];
	_ =	sdelay $0x2  }
0x108: {  	v6 =	vld.idx.msk [tilespmem:v6+s26+$0x0], $0xffff;
	_ =	sdelay $0x4  }
0x109: {  	[tilespmem:v7+s22+$0x0] =	vst.idx.add.f32.msk $0xffff, v6  }
0x10a: {  	v6 =	vld [tilespmem:s15+$0x30];
	_ =	sdelay $0x4  }
0x10b: {  	v7 =	vld [tilespmem:s15+$0xFFFFFFB0];
	_ =	sdelay $0x2  }
0x10c: {  	v6 =	vld.idx.msk [tilespmem:v6+s26+$0x0], $0xffff;
	_ =	sdelay $0x4  }
0x10d: {  	[tilespmem:v7+s22+$0x0] =	vst.idx.add.f32.msk $0xffff, v6  }
0x10e: {  	v6 =	vld [tilespmem:s15+$0x40];
	_ =	sdelay $0x4  }
0x10f: {  	v7 =	vld [tilespmem:s15+$0xFFFFFFC0];
	_ =	sdelay $0x2  }
0x110: {  	v6 =	vld.idx.msk [tilespmem:v6+s26+$0x0], $0xffff;
	_ =	sdelay $0x4  }
0x111: {  	[tilespmem:v7+s22+$0x0] =	vst.idx.add.f32.msk $0xffff, v6  }
0x112: {  	v6 =	vld [tilespmem:s15+$0x50];
	_ =	sdelay $0x4  }
0x113: {  	v7 =	vld [tilespmem:s15+$0xFFFFFFD0];
	_ =	sdelay $0x2  }
0x114: {  	v6 =	vld.idx.msk [tilespmem:v6+s26+$0x0], $0xffff;
	_ =	sdelay $0x4  }
0x115: {  	[tilespmem:v7+s22+$0x0] =	vst.idx.add.f32.msk $0xffff, v6  }
0x116: {  	v6 =	vld [tilespmem:s15+$0x60];
	_ =	sdelay $0x4  }
0x117: {  	v7 =	vld [tilespmem:s15+$0xFFFFFFE0];
	_ =	sdelay $0x2  }
0x118: {  	v6 =	vld.idx.msk [tilespmem:v6+s26+$0x0], $0xffff;
	_ =	sdelay $0x4  }
0x119: {  	[tilespmem:v7+s22+$0x0] =	vst.idx.add.f32.msk $0xffff, v6  }
0x11a: {  	v6 =	vld [tilespmem:s15+$0x70];
	_ =	sdelay $0x4  }
0x11b: {  	v7 =	vld [tilespmem:s15+$0xFFFFFFF0];
	_ =	sdelay $0x2  }
0x11c: {  	p3 =	sne.s32 s16, $0x1;
	v6 =	vld.idx.msk [tilespmem:v6+s26+$0x0], $0xffff  }
.Ltmp6:
0x11d: {  	_ = 	snop;
	(pc) =	sbr.rel @p3 .LBB2_12-.Ltmp6, $2  }
0x11e: {  	_ =	sdelay $0x2  }
0x11f: {  	s16 =	sadd.s32 $0xFFFFFFFF, s16;
	s15 =	sadd.s32 $0x100, s15;
	[tilespmem:v7+s22+$0x0] =	vst.idx.add.f32.msk $0xffff, v6  }
0x120: {  	_ =	sdelay $0x3  }
0x121: {  	[spmem:s2] =	stream.indirect_vreg.scatter.add.f32 [tilespmem:s22], [sflag:$0x6], $0x80, v0, vm0, $0xb8;
	[tilespmem:$0x1E300] =	vst v63  }
0x122: {  	_ =	swait.ge [sflag:s21], $0x800  }
0x123: {  	[sflag:s21] =	ssyncset.done $0x0  }
0x124: {  	s15 =	simm.s32 $0x1AB00;
	[sflag:s21] =	ssyncadd.s32 $0xFFFFF800  }
0x125: {  	[spmem:s2] =	stream.indirect_vreg.scatter.add.f32 [tilespmem:s15], [sflag:$0x6], $0x80, v2, vm0, $0xb8;
	[tilespmem:$0x1E300] =	vst v63  }
0x126: {  	_ =	swait.ge [sflag:s21], $0x800  }
0x127: {  	[sflag:s21] =	ssyncset.done $0x0  }
0x128: {  	s30 =	simm.s32 $0x1B300;
	[sflag:s21] =	ssyncadd.s32 $0xFFFFF800  }
0x129: {  	[spmem:s2] =	stream.indirect_vreg.scatter.add.f32 [tilespmem:s30], [sflag:$0x6], $0x80, v3, vm0, $0xb8;
	[tilespmem:$0x1E300] =	vst v63  }
0x12a: {  	_ =	swait.ge [sflag:s21], $0x800  }
0x12b: {  	[sflag:s21] =	ssyncset.done $0x0  }
0x12c: {  	s16 =	simm.s32 $0x1BB00;
	[sflag:s21] =	ssyncadd.s32 $0xFFFFF800  }
0x12d: {  	[spmem:s2] =	stream.indirect_vreg.scatter.add.f32 [tilespmem:s16], [sflag:$0x6], $0x80, v4, vm0, $0xb8;
	[tilespmem:$0x1E300] =	vst v63  }
0x12e: {  	_ =	swait.ge [sflag:s21], $0x800  }
0x12f: {  	[sflag:s21] =	ssyncset.done $0x0  }
0x130: {  	s17 =	simm.s32 $0x1C300;
	[sflag:s21] =	ssyncadd.s32 $0xFFFFF800  }
0x131: {  	[spmem:s2] =	stream.indirect_vreg.scatter.add.f32 [tilespmem:s17], [sflag:$0x6], $0x80, v5, vm0, $0xb8;
	[tilespmem:$0x1E300] =	vst v63  }
0x132: {  	_ =	swait.ge [sflag:s21], $0x800  }
0x133: {  	[sflag:s21] =	ssyncset.done $0x0  }
0x134: {  	[sflag:s21] =	ssyncadd.s32 $0xFFFFF800  }
0x135: {  	[bflag:$0x0] =	sbarrier.arrive $0xFFFF  }
0x136: {  	s28 =	rddreg [dreg:$0x9]  }
0x137: {  	[hbm:s28], [sflag:s9] =	dma.local [spmem:s12], $0x2700  }
0x138: {  	_ =	swait.ge [sflag:s21], $0x2700  }
0x139: {  	[sflag:s21] =	ssyncset.done $0x0  }
0x13a: {  	s12 =	rddreg [dreg:$0xa];
	[sflag:s21] =	ssyncadd.s32 $0xFFFFD900  }
0x13b: {  	[hbm:s12], [sflag:s9] =	dma.local @!p1 [spmem:s25], $0x80  }
0x13c: {  	s12 =	simm.s32 @!p1 $0x6  }
0x13d: {  	_ =	swait.ge @!p1 [sflag:s12], $0x80  }
0x13e: {  	[sflag:s12] =	ssyncset.done @!p1 $0x0  }
0x13f: {  	s15 =	rddreg [dreg:$0xb];
	[sflag:s12] =	ssyncadd.s32 @!p1 $0xFFFFFF80;
	s12 =	sshrl.u32 @!p2 s10, $0x3  }
0x140: {  	[hbm:s15], [sflag:s9] =	dma.local @!p2 [spmem:s12], $0x100  }
0x141: {  	s12 =	simm.s32 @!p2 $0x6  }
0x142: {  	_ =	swait.ge @!p2 [sflag:s12], $0x100  }
0x143: {  	s11 =	sadd.s32 $0x1, s11;
	s30 =	rddreg [dreg:$0xc]  }
0x144: {  	p3 =	sne.s32 s11, s30  }
.Ltmp7:
0x145: {  	_ = 	snop;
	(pc) =	sbr.rel @p3 .LBB2_1-.Ltmp7, $3  }
0x146: {  	_ =	sdelay $0x1  }
0x147: {  	[sflag:s12] =	ssyncset.done @!p2 $0x0  }
0x148: {  	[sflag:s12] =	ssyncadd.s32 @!p2 $0xFFFFFF00  }
0x149: {  	_ =	sfence.sel $0x180000  }
0x14a: {  	[bflag:$0x0] =	sbarrier.arrive $0xFFFF  }
0x14b: {  	_ =	strace $0x9000004A  }
0x14c: {  	[bflag:$0x2] =	sbarrier.arrive $0xFFFF  }
0x14d: {  	s0 =	rddreg [dreg:$0x3]  }
0x14e: {  	s0 =	sadd.s32 @!p0 $0x100000, s0  }
0x14f: {  	[sflag:s0] =	ssyncadd.tile.s32 @!p0 $0x1;
	_ =	shalt  }
.Lfunc_end2:
_tile_overlayer_lowered:
.L_overlay_start_2:
0x150: {  	(tag) =	ssettag $0x2  }
0x151: {  	s0 =	rddreg [dreg:$0x0];
	s2 =	stileid.u32  }
0x152: {  	s1 =	rddreg [dreg:$0x1];
	p0 =	sne.s32 s2, $0x0  }
0x153: {  	s3 =	rddreg [dreg:$0x2];
	[bflag:$0x3] =	sbarrier.arrive $0xFFFF;
	s2 =	simm.s32 @!p0 $0x1C06  }
0x154: {  	[timem:s3], [sflag:s2] =	dma.local @!p0 [hbm:s0], s1  }
0x155: {  	s0 =	simm.s32 @!p0 $0x6  }
0x156: {  	_ =	swait.ge @!p0 [sflag:s0], s1  }
0x157: {  	s1 =	ssub.s32 @!p0 $0x0, s1;
	[sflag:s0] =	ssyncset.done @!p0 $0x0  }
0x158: {  	[sflag:s0] =	ssyncadd.s32 @!p0 s1  }
0x159: {  	[bflag:$0x3] =	sbarrier.arrive $0xFFFF  }
0x15a: {  	_ =	shalt  }

</sc_bundles>
